<compile_context>
chip_gen: v7x
topology: tpu7x:2x2x1
jax: 0.10.2.dev20260603
libtpu: 0.0.44.dev20260713+nightly
codegen_flags: <defaults>
</compile_context>

<pallas_src>
import functools

import jax
import jax.numpy as jnp
import numpy as np
from jax import lax
from jax.experimental import pallas as pl
from jax.experimental.pallas import tpu as pltpu
from jax.experimental.pallas import tpu_sc as plsc

N = 10000
E = 320000
D = 128
HD = 64
OUT = 64

NC = 2
NS = 16
NW = NC * NS

C = 128
KC = (E + NS * C - 1) // (NS * C)
KC = 160
E_PAD = NS * KC * C
N_ACC = 10112
ROWS_PER_TILE = N_ACC // NS

DEG_LEN = N + 240
DEG_PER_TILE = DEG_LEN // NS

_MESH = plsc.VectorSubcoreMesh(
    core_axis_name="c", subcore_axis_name="s", num_cores=NC, num_subcores=NS
)


@functools.partial(
    pl.kernel,
    out_type=jax.ShapeDtypeStruct((NC, DEG_LEN), jnp.float32),
    mesh=_MESH,
    scratch_types=[
        pltpu.VMEM((KC, C), jnp.int32),
        pltpu.VMEM((C,), jnp.float32),
        pltpu.VMEM((DEG_PER_TILE,), jnp.float32),
        pltpu.VMEM_SHARED((DEG_LEN,), jnp.float32),
    ],
    compiler_params=pltpu.CompilerParams(use_tc_tiling_on_sc=False),
)
def _deg_kernel(idx_hbm, out_hbm, idx_v, ones_v, stage_v, acc):
    c = lax.axis_index("c")
    s = lax.axis_index("s")

    one = jnp.ones((16,), jnp.float32)
    zero = jnp.zeros((16,), jnp.float32)
    for j in range(C // 16):
        ones_v[pl.ds(j * 16, 16)] = one

    @pl.loop(0, DEG_PER_TILE // 16)
    def _(r):
        stage_v[pl.ds(r * 16, 16)] = zero

    pltpu.sync_copy(stage_v, acc.at[pl.ds(s * DEG_PER_TILE, DEG_PER_TILE)])
    pltpu.sync_copy(idx_hbm.at[c, s], idx_v)
    plsc.subcore_barrier()

    @pl.loop(0, KC)
    def _(j):
        pltpu.sync_copy(ones_v, acc.at[idx_v.at[j]], add=True)

    plsc.subcore_barrier()
    pltpu.sync_copy(acc.at[pl.ds(s * DEG_PER_TILE, DEG_PER_TILE)], stage_v)
    pltpu.sync_copy(stage_v, out_hbm.at[c, pl.ds(s * DEG_PER_TILE, DEG_PER_TILE)])


NBUF = 5
GD = 4


@functools.partial(
    pl.kernel,
    out_type=jax.ShapeDtypeStruct((N_ACC, D), jnp.float32),
    mesh=_MESH,
    scratch_types=[
        pltpu.VMEM((KC, C), jnp.int32),
        pltpu.VMEM((KC, C), jnp.int32),
        [pltpu.VMEM((C, HD), jnp.float32)] * NBUF,
        [pltpu.SemaphoreType.DMA] * NBUF,
        pltpu.VMEM_SHARED((N_ACC, HD), jnp.float32),
    ],
    compiler_params=pltpu.CompilerParams(use_tc_tiling_on_sc=False),
)
def _prop_kernel(table_hbm, idx_hbm, out_hbm,
                 idx_s, idx_d, rows, sem_g, acc):
    c = lax.axis_index("c")
    s = lax.axis_index("s")

    zero = jnp.zeros((16,), jnp.float32)

    @pl.loop(0, C)
    def _(r):
        for j in range(HD // 16):
            rows[0][r, pl.ds(j * 16, 16)] = zero

    base = s * ROWS_PER_TILE
    n_full, rem = divmod(ROWS_PER_TILE, C)
    for i in range(n_full):
        pltpu.sync_copy(rows[0], acc.at[pl.ds(base + i * C, C)])
    if rem:
        pltpu.sync_copy(rows[0].at[pl.ds(0, rem)],
                        acc.at[pl.ds(base + n_full * C, rem)])
    pltpu.sync_copy(idx_hbm.at[0, s], idx_s)
    pltpu.sync_copy(idx_hbm.at[1, s], idx_d)

    @pl.loop(0, KC)
    def _(k):
        for jj in range(C // 16):
            v = idx_s[k, pl.ds(jj * 16, 16)]
            idx_s[k, pl.ds(jj * 16, 16)] = v + v + c

    plsc.subcore_barrier()

    def _gather(chunk, b):
        pltpu.async_copy(table_hbm.at[idx_s.at[chunk]], rows[b], sem_g[b])

    def _wait_gather(chunk, b):
        pltpu.make_async_copy(table_hbm.at[idx_s.at[chunk]], rows[b],
                              sem_g[b]).wait()

    for j in range(GD):
        _gather(j, j)

    @pl.loop(0, KC, step=NBUF)
    def _(g):
        for j in range(NBUF):
            _wait_gather(g + j, j)
            pltpu.sync_copy(rows[j], acc.at[idx_d.at[g + j]], add=True)

            @pl.when(g + j + GD < KC)
            def _():
                _gather(g + j + GD, (j + GD) % NBUF)

    plsc.subcore_barrier()

    col = c * HD
    for i in range(n_full):
        pltpu.sync_copy(acc.at[pl.ds(base + i * C, C)], rows[0])
        pltpu.sync_copy(rows[0],
                        out_hbm.at[pl.ds(base + i * C, C), pl.ds(col, HD)])
    if rem:
        pltpu.sync_copy(acc.at[pl.ds(base + n_full * C, rem)],
                        rows[0].at[pl.ds(0, rem)])
        pltpu.sync_copy(rows[0].at[pl.ds(0, rem)],
                        out_hbm.at[pl.ds(base + n_full * C, rem),
                                   pl.ds(col, HD)])


_RB = 2000
_GRID = N // _RB


def _norm_from(deg_ref):
    d = deg_ref[...]
    return jnp.where(d > 0.0, lax.rsqrt(d), 0.0)


def _scale_body(x_ref, dout_ref, o_ref):
    o_ref[...] = x_ref[...] * _norm_from(dout_ref)


def _layer_body(p_ref, din_ref, dout_ref, w_ref, b_ref, o_ref):
    agg = p_ref[...] * _norm_from(din_ref)
    h = jnp.dot(agg, w_ref[...], preferred_element_type=jnp.float32)
    h = jax.nn.sigmoid(h + b_ref[...])
    o_ref[...] = h * _norm_from(dout_ref)


def _final_body(q_ref, din_ref, w2_ref, b2_ref, wfc_ref, bfc_ref, o_ref):
    agg = q_ref[...] * _norm_from(din_ref)
    h = jnp.dot(agg, w2_ref[...], preferred_element_type=jnp.float32)
    h = jax.nn.sigmoid(h + b2_ref[...])
    o_ref[...] = jnp.dot(h, wfc_ref[...],
                         preferred_element_type=jnp.float32) + bfc_ref[...]


def _deg_spec():
    return pl.BlockSpec((_RB, 1), lambda i: (i, 0))


def _row_spec(w):
    return pl.BlockSpec((_RB, w), lambda i: (i, 0))


def _full_spec(shape):
    return pl.BlockSpec(shape, lambda i: tuple(0 for _ in shape))


_scale_call = pl.pallas_call(
    _scale_body,
    grid=(_GRID,),
    in_specs=[
        _row_spec(D),
        _deg_spec(),
    ],
    out_specs=_row_spec(D),
    out_shape=jax.ShapeDtypeStruct((N, D), jnp.float32),
)

_layer_call = pl.pallas_call(
    _layer_body,
    grid=(_GRID,),
    in_specs=[
        _row_spec(D),
        _deg_spec(),
        _deg_spec(),
        _full_spec((D, D)),
        _full_spec((1, D)),
    ],
    out_specs=_row_spec(D),
    out_shape=jax.ShapeDtypeStruct((N, D), jnp.float32),
)

_final_call = pl.pallas_call(
    _final_body,
    grid=(_GRID,),
    in_specs=[
        _row_spec(D),
        _deg_spec(),
        _full_spec((D, D)),
        _full_spec((1, D)),
        _full_spec((D, OUT)),
        _full_spec((1, OUT)),
    ],
    out_specs=pl.BlockSpec((_RB, OUT), lambda i: (i, 0)),
    out_shape=jax.ShapeDtypeStruct((N, OUT), jnp.float32),
)


_PAD = E_PAD - E
_PAD_SRC_HIST = np.bincount((np.arange(_PAD) * 131) % N,
                            minlength=N).astype(np.float32)


def kernel(x, edge_index, W1, b1, W2, b2, Wfc, bfc):
    ar = jnp.arange(_PAD, dtype=jnp.int32)
    pads = jnp.stack([(ar * 131) % N, N + (ar % NS)])
    idx = jnp.concatenate([edge_index.astype(jnp.int32), pads],
                          axis=1).reshape(2, NS, KC, C)

    degp = _deg_kernel(idx)
    dout = (degp[0, :N] - jnp.asarray(_PAD_SRC_HIST)).reshape(N, 1)
    din = degp[1, :N].reshape(N, 1)

    xs = _scale_call(x, dout)
    p = _prop_kernel(xs.reshape(2 * N, HD), idx)
    t2 = _layer_call(p, din, dout, W1, b1.reshape(1, D))
    q = _prop_kernel(t2.reshape(2 * N, HD), idx)
    out = _final_call(q, din, W2, b2.reshape(1, D),
                      Wfc, bfc.reshape(1, OUT))
    return out

# --- scband reference (transcript-rebuilt; emitter-appended) ---
"""Pipeline reference for scband-gcn-2456721293628 (READ-ONLY COPY).

The authoritative reference and input builder live on the scoring server;
editing this copy changes nothing except your own understanding.
"""

import jax, jax.numpy as jnp
import numpy as np

N = 10000
E = 320000
D = 128
H1 = 128
H2 = 128
OUT = 64


def setup_inputs(seed: int = 0) -> dict:
    key = jax.random.key(seed)
    ks = jax.random.split(key, 8)
    x = jax.random.normal(ks[0], (N, D), dtype=jnp.float32)
    edge_index = jax.random.randint(ks[1], (2, E), 0, N)
    W1 = jax.random.normal(ks[2], (D, H1), dtype=jnp.float32) / np.sqrt(D)
    b1 = jnp.zeros((H1,), dtype=jnp.float32)
    W2 = jax.random.normal(ks[3], (H1, H2), dtype=jnp.float32) / np.sqrt(H1)
    b2 = jnp.zeros((H2,), dtype=jnp.float32)
    Wfc = jax.random.normal(ks[4], (H2, OUT), dtype=jnp.float32) / np.sqrt(H2)
    bfc = jnp.zeros((OUT,), dtype=jnp.float32)
    return {"x": x, "edge_index": edge_index, "W1": W1, "b1": b1, "W2": W2, "b2": b2, "Wfc": Wfc, "bfc": bfc}


def _gcn_layer(edge_index, h, W, b):
    # DGL GraphConv with norm='both': h' = D_dst^{-1/2} A D_src^{-1/2} h W + b
    src = edge_index[0]
    dst = edge_index[1]
    deg_out = jnp.zeros((N,), jnp.float32).at[src].add(1.0)
    deg_in = jnp.zeros((N,), jnp.float32).at[dst].add(1.0)
    norm_src = jnp.where(deg_out > 0, deg_out ** -0.5, 0.0)
    norm_dst = jnp.where(deg_in > 0, deg_in ** -0.5, 0.0)
    h = h * norm_src[:, None]
    msgs = jnp.take(h, src, axis=0)
    agg = jax.ops.segment_sum(msgs, dst, num_segments=N)
    agg = agg * norm_dst[:, None]
    return agg @ W + b


def reference(x, edge_index, W1, b1, W2, b2, Wfc, bfc):
    h = jax.nn.sigmoid(_gcn_layer(edge_index, x, W1, b1))
    h = jax.nn.sigmoid(_gcn_layer(edge_index, h, W2, b2))
    out = h @ Wfc + bfc
    return out

if __name__ == "__main__":
    import jax
    _d = setup_inputs()
    print(jax.jit(kernel)(*tuple(_d.values())))

</pallas_src>

<mosaic_0001>
#map = affine_map<(d0, d1) -> (0, 0)>
#map1 = affine_map<(d0, d1) -> (0, 0, 0, 0)>
module attributes {stable_mosaic.version = 14 : i64} {
  func.func @_prop_kernel(%arg0: i32, %arg1: i32, %arg2: memref<20000x64xf32, #tpu.memory_space<hbm>>, %arg3: memref<2x16x160x128xi32, #tpu.memory_space<hbm>>, %arg4: memref<10112x128xf32, #tpu.memory_space<hbm>>, %arg5: memref<160x128xi32, #tpu.memory_space<vmem>>, %arg6: memref<160x128xi32, #tpu.memory_space<vmem>>, %arg7: memref<128x64xf32, #tpu.memory_space<vmem>>, %arg8: memref<128x64xf32, #tpu.memory_space<vmem>>, %arg9: memref<128x64xf32, #tpu.memory_space<vmem>>, %arg10: memref<128x64xf32, #tpu.memory_space<vmem>>, %arg11: memref<128x64xf32, #tpu.memory_space<vmem>>, %arg12: memref<!tpu.dma_semaphore, #tpu.memory_space<semaphore_mem>>, %arg13: memref<!tpu.dma_semaphore, #tpu.memory_space<semaphore_mem>>, %arg14: memref<!tpu.dma_semaphore, #tpu.memory_space<semaphore_mem>>, %arg15: memref<!tpu.dma_semaphore, #tpu.memory_space<semaphore_mem>>, %arg16: memref<!tpu.dma_semaphore, #tpu.memory_space<semaphore_mem>>, %arg17: memref<10112x64xf32, #tpu.memory_space<vmem_shared>>) attributes {dimension_semantics = [#tpu.dimension_semantics<core_parallel>, #tpu.dimension_semantics<subcore_parallel>], iteration_bounds = array<i64: 2, 16>, scalar_prefetch = 0 : i64, scratch_operands = 13 : i64, tpu.core_type = #tpu.core_type<sc_vector_subcore>, window_params = [{transform_indices = #map}, {transform_indices = #map1}, {transform_indices = #map}]} {
    %broadcast_in_dim3A = arith.constant 0.000000e+00 : f32
    %broadcast_in_dim3A_0 = vector.broadcast %broadcast_in_dim3A : f32 to vector<16xf32>
    %scan3A = arith.constant 0 : i32
    %scan3A_1 = arith.constant 128 : i32
    %scan3A_2 = arith.addi %scan3A, %scan3A_1 : i32
    %scan3A_3 = arith.constant 1 : i32
    scf.for %scan3A_76 = %scan3A to %scan3A_2 step %scan3A_3  : i32 {
      %mul3A_77 = arith.constant 1 : i32
      %mul3A_78 = arith.muli %scan3A_76, %mul3A_77 : i32
      %add3A_79 = arith.constant 0 : i32
      %add3A_80 = arith.addi %add3A_79, %mul3A_78 : i32
      %swap3A = arith.index_cast %add3A_80 : i32 to index
      %swap3A_81 = arith.constant 0 : index
      %swap3A_82 = tpu.vector_load %arg7[%swap3A, %swap3A_81] {strides = array<i32>} : memref<128x64xf32, #tpu.memory_space<vmem>>, vector<1x16xf32>,
      %swap3A_83 = vector.shape_cast %swap3A_82 : vector<1x16xf32> to vector<16xf32>
      %swap3A_84 = vector.shape_cast %broadcast_in_dim3A_0 : vector<16xf32> to vector<1x16xf32>
      tpu.vector_store %arg7[%swap3A, %swap3A_81], %swap3A_84 {strides = array<i32>} : memref<128x64xf32, #tpu.memory_space<vmem>>, vector<1x16xf32>,
      %swap3A_85 = arith.index_cast %add3A_80 : i32 to index
      %swap3A_86 = arith.constant 16 : index
      %swap3A_87 = tpu.vector_load %arg7[%swap3A_85, %swap3A_86] {strides = array<i32>} : memref<128x64xf32, #tpu.memory_space<vmem>>, vector<1x16xf32>,
      %swap3A_88 = vector.shape_cast %swap3A_87 : vector<1x16xf32> to vector<16xf32>
      %swap3A_89 = vector.shape_cast %broadcast_in_dim3A_0 : vector<16xf32> to vector<1x16xf32>
      tpu.vector_store %arg7[%swap3A_85, %swap3A_86], %swap3A_89 {strides = array<i32>} : memref<128x64xf32, #tpu.memory_space<vmem>>, vector<1x16xf32>,
      %swap3A_90 = arith.index_cast %add3A_80 : i32 to index
      %swap3A_91 = arith.constant 32 : index
      %swap3A_92 = tpu.vector_load %arg7[%swap3A_90, %swap3A_91] {strides = array<i32>} : memref<128x64xf32, #tpu.memory_space<vmem>>, vector<1x16xf32>,
      %swap3A_93 = vector.shape_cast %swap3A_92 : vector<1x16xf32> to vector<16xf32>
      %swap3A_94 = vector.shape_cast %broadcast_in_dim3A_0 : vector<16xf32> to vector<1x16xf32>
      tpu.vector_store %arg7[%swap3A_90, %swap3A_91], %swap3A_94 {strides = array<i32>} : memref<128x64xf32, #tpu.memory_space<vmem>>, vector<1x16xf32>,
      %swap3A_95 = arith.index_cast %add3A_80 : i32 to index
      %swap3A_96 = arith.constant 48 : index
      %swap3A_97 = tpu.vector_load %arg7[%swap3A_95, %swap3A_96] {strides = array<i32>} : memref<128x64xf32, #tpu.memory_space<vmem>>, vector<1x16xf32>,
      %swap3A_98 = vector.shape_cast %swap3A_97 : vector<1x16xf32> to vector<16xf32>
      %swap3A_99 = vector.shape_cast %broadcast_in_dim3A_0 : vector<16xf32> to vector<1x16xf32>
      tpu.vector_store %arg7[%swap3A_95, %swap3A_96], %swap3A_99 {strides = array<i32>} : memref<128x64xf32, #tpu.memory_space<vmem>>, vector<1x16xf32>,
    }
    %scan3A_4 = arith.constant 128 : i32
    %mul3A = arith.constant 632 : i32
    %mul3A_5 = arith.muli %arg1, %mul3A : i32
    %add3A = arith.constant 0 : i32
    %add3A_6 = arith.addi %mul3A_5, %add3A : i32
    "tpu.region"() ({
      %run_scoped3A_76 = tpu.sem_alloc : memref<!tpu.dma_semaphore, #tpu.memory_space<semaphore_mem>>
      %dma_start3A_77 = arith.constant 0 : i32
      %dma_start3A_78 = tpu.memref_slice %arg17[%add3A_6, %dma_start3A_77] : memref<10112x64xf32, #tpu.memory_space<vmem_shared>> -> memref<128x64xf32, #tpu.memory_space<vmem_shared>>
      %dma_start3A_79 = arith.constant 0 : i32
      %dma_start3A_80 = tpu.memref_slice %arg17[%add3A_6, %dma_start3A_79] : memref<10112x64xf32, #tpu.memory_space<vmem_shared>> -> memref<128x64xf32, #tpu.memory_space<vmem_shared>>
      tpu.enqueue_dma source(%arg7 : memref<128x64xf32, #tpu.memory_space<vmem>>) target(%dma_start3A_80 : memref<128x64xf32, #tpu.memory_space<vmem_shared>>) target_semaphore(%run_scoped3A_76 : memref<!tpu.dma_semaphore, #tpu.memory_space<semaphore_mem>>)
      %dma_wait3A = arith.constant 0 : i32
      %dma_wait3A_81 = tpu.memref_slice %arg17[%add3A_6, %dma_wait3A] : memref<10112x64xf32, #tpu.memory_space<vmem_shared>> -> memref<128x64xf32, #tpu.memory_space<vmem_shared>>
      %dma_wait3A_82 = arith.constant 0 : i32
      %dma_wait3A_83 = tpu.memref_slice %arg17[%add3A_6, %dma_wait3A_82] : memref<10112x64xf32, #tpu.memory_space<vmem_shared>> -> memref<128x64xf32, #tpu.memory_space<vmem_shared>>
      tpu.wait_dma2 semaphore(%run_scoped3A_76 : memref<!tpu.dma_semaphore, #tpu.memory_space<semaphore_mem>>) src(%arg7 : memref<128x64xf32, #tpu.memory_space<vmem>>) dst(%dma_wait3A_83 : memref<128x64xf32, #tpu.memory_space<vmem_shared>>)
      tpu.yield
    }) : () -> ()
    %add3A_7 = arith.constant 128 : i32
    %add3A_8 = arith.addi %mul3A_5, %add3A_7 : i32
    "tpu.region"() ({
      %run_scoped3A_76 = tpu.sem_alloc : memref<!tpu.dma_semaphore, #tpu.memory_space<semaphore_mem>>
      %dma_start3A_77 = arith.constant 0 : i32
      %dma_start3A_78 = tpu.memref_slice %arg17[%add3A_8, %dma_start3A_77] : memref<10112x64xf32, #tpu.memory_space<vmem_shared>> -> memref<128x64xf32, #tpu.memory_space<vmem_shared>>
      %dma_start3A_79 = arith.constant 0 : i32
      %dma_start3A_80 = tpu.memref_slice %arg17[%add3A_8, %dma_start3A_79] : memref<10112x64xf32, #tpu.memory_space<vmem_shared>> -> memref<128x64xf32, #tpu.memory_space<vmem_shared>>
      tpu.enqueue_dma source(%arg7 : memref<128x64xf32, #tpu.memory_space<vmem>>) target(%dma_start3A_80 : memref<128x64xf32, #tpu.memory_space<vmem_shared>>) target_semaphore(%run_scoped3A_76 : memref<!tpu.dma_semaphore, #tpu.memory_space<semaphore_mem>>)
      %dma_wait3A = arith.constant 0 : i32
      %dma_wait3A_81 = tpu.memref_slice %arg17[%add3A_8, %dma_wait3A] : memref<10112x64xf32, #tpu.memory_space<vmem_shared>> -> memref<128x64xf32, #tpu.memory_space<vmem_shared>>
      %dma_wait3A_82 = arith.constant 0 : i32
      %dma_wait3A_83 = tpu.memref_slice %arg17[%add3A_8, %dma_wait3A_82] : memref<10112x64xf32, #tpu.memory_space<vmem_shared>> -> memref<128x64xf32, #tpu.memory_space<vmem_shared>>
      tpu.wait_dma2 semaphore(%run_scoped3A_76 : memref<!tpu.dma_semaphore, #tpu.memory_space<semaphore_mem>>) src(%arg7 : memref<128x64xf32, #tpu.memory_space<vmem>>) dst(%dma_wait3A_83 : memref<128x64xf32, #tpu.memory_space<vmem_shared>>)
      tpu.yield
    }) : () -> ()
    %add3A_9 = arith.constant 256 : i32
    %add3A_10 = arith.addi %mul3A_5, %add3A_9 : i32
    "tpu.region"() ({
      %run_scoped3A_76 = tpu.sem_alloc : memref<!tpu.dma_semaphore, #tpu.memory_space<semaphore_mem>>
      %dma_start3A_77 = arith.constant 0 : i32
      %dma_start3A_78 = tpu.memref_slice %arg17[%add3A_10, %dma_start3A_77] : memref<10112x64xf32, #tpu.memory_space<vmem_shared>> -> memref<128x64xf32, #tpu.memory_space<vmem_shared>>
      %dma_start3A_79 = arith.constant 0 : i32
      %dma_start3A_80 = tpu.memref_slice %arg17[%add3A_10, %dma_start3A_79] : memref<10112x64xf32, #tpu.memory_space<vmem_shared>> -> memref<128x64xf32, #tpu.memory_space<vmem_shared>>
      tpu.enqueue_dma source(%arg7 : memref<128x64xf32, #tpu.memory_space<vmem>>) target(%dma_start3A_80 : memref<128x64xf32, #tpu.memory_space<vmem_shared>>) target_semaphore(%run_scoped3A_76 : memref<!tpu.dma_semaphore, #tpu.memory_space<semaphore_mem>>)
      %dma_wait3A = arith.constant 0 : i32
      %dma_wait3A_81 = tpu.memref_slice %arg17[%add3A_10, %dma_wait3A] : memref<10112x64xf32, #tpu.memory_space<vmem_shared>> -> memref<128x64xf32, #tpu.memory_space<vmem_shared>>
      %dma_wait3A_82 = arith.constant 0 : i32
      %dma_wait3A_83 = tpu.memref_slice %arg17[%add3A_10, %dma_wait3A_82] : memref<10112x64xf32, #tpu.memory_space<vmem_shared>> -> memref<128x64xf32, #tpu.memory_space<vmem_shared>>
      tpu.wait_dma2 semaphore(%run_scoped3A_76 : memref<!tpu.dma_semaphore, #tpu.memory_space<semaphore_mem>>) src(%arg7 : memref<128x64xf32, #tpu.memory_space<vmem>>) dst(%dma_wait3A_83 : memref<128x64xf32, #tpu.memory_space<vmem_shared>>)
      tpu.yield
    }) : () -> ()
    %add3A_11 = arith.constant 384 : i32
    %add3A_12 = arith.addi %mul3A_5, %add3A_11 : i32
    "tpu.region"() ({
      %run_scoped3A_76 = tpu.sem_alloc : memref<!tpu.dma_semaphore, #tpu.memory_space<semaphore_mem>>
      %dma_start3A_77 = arith.constant 0 : i32
      %dma_start3A_78 = tpu.memref_slice %arg17[%add3A_12, %dma_start3A_77] : memref<10112x64xf32, #tpu.memory_space<vmem_shared>> -> memref<128x64xf32, #tpu.memory_space<vmem_shared>>
      %dma_start3A_79 = arith.constant 0 : i32
      %dma_start3A_80 = tpu.memref_slice %arg17[%add3A_12, %dma_start3A_79] : memref<10112x64xf32, #tpu.memory_space<vmem_shared>> -> memref<128x64xf32, #tpu.memory_space<vmem_shared>>
      tpu.enqueue_dma source(%arg7 : memref<128x64xf32, #tpu.memory_space<vmem>>) target(%dma_start3A_80 : memref<128x64xf32, #tpu.memory_space<vmem_shared>>) target_semaphore(%run_scoped3A_76 : memref<!tpu.dma_semaphore, #tpu.memory_space<semaphore_mem>>)
      %dma_wait3A = arith.constant 0 : i32
      %dma_wait3A_81 = tpu.memref_slice %arg17[%add3A_12, %dma_wait3A] : memref<10112x64xf32, #tpu.memory_space<vmem_shared>> -> memref<128x64xf32, #tpu.memory_space<vmem_shared>>
      %dma_wait3A_82 = arith.constant 0 : i32
      %dma_wait3A_83 = tpu.memref_slice %arg17[%add3A_12, %dma_wait3A_82] : memref<10112x64xf32, #tpu.memory_space<vmem_shared>> -> memref<128x64xf32, #tpu.memory_space<vmem_shared>>
      tpu.wait_dma2 semaphore(%run_scoped3A_76 : memref<!tpu.dma_semaphore, #tpu.memory_space<semaphore_mem>>) src(%arg7 : memref<128x64xf32, #tpu.memory_space<vmem>>) dst(%dma_wait3A_83 : memref<128x64xf32, #tpu.memory_space<vmem_shared>>)
      tpu.yield
    }) : () -> ()
    %add3A_13 = arith.constant 512 : i32
    %add3A_14 = arith.addi %mul3A_5, %add3A_13 : i32
    "tpu.region"() ({
      %run_scoped3A_76 = tpu.sem_alloc : memref<!tpu.dma_semaphore, #tpu.memory_space<semaphore_mem>>
      %dma_start3A_77 = arith.constant 0 : i32
      %dma_start3A_78 = arith.constant 0 : i32
      %dma_start3A_79 = tpu.memref_slice %arg7[%dma_start3A_77, %dma_start3A_78] : memref<128x64xf32, #tpu.memory_space<vmem>> -> memref<120x64xf32, #tpu.memory_space<vmem>>
      %dma_start3A_80 = arith.constant 0 : i32
      %dma_start3A_81 = tpu.memref_slice %arg17[%add3A_14, %dma_start3A_80] : memref<10112x64xf32, #tpu.memory_space<vmem_shared>> -> memref<120x64xf32, #tpu.memory_space<vmem_shared>>
      %dma_start3A_82 = arith.constant 0 : i32
      %dma_start3A_83 = tpu.memref_slice %arg17[%add3A_14, %dma_start3A_82] : memref<10112x64xf32, #tpu.memory_space<vmem_shared>> -> memref<120x64xf32, #tpu.memory_space<vmem_shared>>
      %dma_start3A_84 = arith.constant 0 : i32
      %dma_start3A_85 = arith.constant 0 : i32
      %dma_start3A_86 = tpu.memref_slice %arg7[%dma_start3A_84, %dma_start3A_85] : memref<128x64xf32, #tpu.memory_space<vmem>> -> memref<120x64xf32, #tpu.memory_space<vmem>>
      tpu.enqueue_dma source(%dma_start3A_86 : memref<120x64xf32, #tpu.memory_space<vmem>>) target(%dma_start3A_83 : memref<120x64xf32, #tpu.memory_space<vmem_shared>>) target_semaphore(%run_scoped3A_76 : memref<!tpu.dma_semaphore, #tpu.memory_space<semaphore_mem>>)
      %dma_wait3A = arith.constant 0 : i32
      %dma_wait3A_87 = arith.constant 0 : i32
      %dma_wait3A_88 = tpu.memref_slice %arg7[%dma_wait3A, %dma_wait3A_87] : memref<128x64xf32, #tpu.memory_space<vmem>> -> memref<120x64xf32, #tpu.memory_space<vmem>>
      %dma_wait3A_89 = arith.constant 0 : i32
      %dma_wait3A_90 = tpu.memref_slice %arg17[%add3A_14, %dma_wait3A_89] : memref<10112x64xf32, #tpu.memory_space<vmem_shared>> -> memref<120x64xf32, #tpu.memory_space<vmem_shared>>
      %dma_wait3A_91 = arith.constant 0 : i32
      %dma_wait3A_92 = tpu.memref_slice %arg17[%add3A_14, %dma_wait3A_91] : memref<10112x64xf32, #tpu.memory_space<vmem_shared>> -> memref<120x64xf32, #tpu.memory_space<vmem_shared>>
      %dma_wait3A_93 = arith.constant 0 : i32
      %dma_wait3A_94 = arith.constant 0 : i32
      %dma_wait3A_95 = tpu.memref_slice %arg7[%dma_wait3A_93, %dma_wait3A_94] : memref<128x64xf32, #tpu.memory_space<vmem>> -> memref<120x64xf32, #tpu.memory_space<vmem>>
      tpu.wait_dma2 semaphore(%run_scoped3A_76 : memref<!tpu.dma_semaphore, #tpu.memory_space<semaphore_mem>>) src(%dma_wait3A_95 : memref<120x64xf32, #tpu.memory_space<vmem>>) dst(%dma_wait3A_92 : memref<120x64xf32, #tpu.memory_space<vmem_shared>>)
      tpu.yield
    }) : () -> ()
    %run_scoped3A = arith.constant 0 : i32
    "tpu.region"() ({
      %run_scoped3A_76 = tpu.sem_alloc : memref<!tpu.dma_semaphore, #tpu.memory_space<semaphore_mem>>
      %dma_start3A_77 = arith.constant 0 : i32
      %dma_start3A_78 = arith.constant 0 : i32
      %dma_start3A_79 = tpu.memref_slice %arg3[%run_scoped3A, %arg1, %dma_start3A_77, %dma_start3A_78] : memref<2x16x160x128xi32, #tpu.memory_space<hbm>> -> memref<1x1x160x128xi32, #tpu.memory_space<hbm>>
      %dma_start3A_80 = tpu.memref_squeeze %dma_start3A_79 : memref<1x1x160x128xi32, #tpu.memory_space<hbm>> -> memref<160x128xi32, #tpu.memory_space<hbm>>
      %dma_start3A_81 = arith.constant 0 : i32
      %dma_start3A_82 = arith.constant 0 : i32
      %dma_start3A_83 = tpu.memref_slice %arg3[%run_scoped3A, %arg1, %dma_start3A_81, %dma_start3A_82] : memref<2x16x160x128xi32, #tpu.memory_space<hbm>> -> memref<1x1x160x128xi32, #tpu.memory_space<hbm>>
      %dma_start3A_84 = tpu.memref_squeeze %dma_start3A_83 : memref<1x1x160x128xi32, #tpu.memory_space<hbm>> -> memref<160x128xi32, #tpu.memory_space<hbm>>
      tpu.enqueue_dma source(%dma_start3A_84 : memref<160x128xi32, #tpu.memory_space<hbm>>) target(%arg5 : memref<160x128xi32, #tpu.memory_space<vmem>>) target_semaphore(%run_scoped3A_76 : memref<!tpu.dma_semaphore, #tpu.memory_space<semaphore_mem>>)
      %dma_wait3A = arith.constant 0 : i32
      %dma_wait3A_85 = arith.constant 0 : i32
      %dma_wait3A_86 = tpu.memref_slice %arg3[%run_scoped3A, %arg1, %dma_wait3A, %dma_wait3A_85] : memref<2x16x160x128xi32, #tpu.memory_space<hbm>> -> memref<1x1x160x128xi32, #tpu.memory_space<hbm>>
      %dma_wait3A_87 = tpu.memref_squeeze %dma_wait3A_86 : memref<1x1x160x128xi32, #tpu.memory_space<hbm>> -> memref<160x128xi32, #tpu.memory_space<hbm>>
      %dma_wait3A_88 = arith.constant 0 : i32
      %dma_wait3A_89 = arith.constant 0 : i32
      %dma_wait3A_90 = tpu.memref_slice %arg3[%run_scoped3A, %arg1, %dma_wait3A_88, %dma_wait3A_89] : memref<2x16x160x128xi32, #tpu.memory_space<hbm>> -> memref<1x1x160x128xi32, #tpu.memory_space<hbm>>
      %dma_wait3A_91 = tpu.memref_squeeze %dma_wait3A_90 : memref<1x1x160x128xi32, #tpu.memory_space<hbm>> -> memref<160x128xi32, #tpu.memory_space<hbm>>
      tpu.wait_dma2 semaphore(%run_scoped3A_76 : memref<!tpu.dma_semaphore, #tpu.memory_space<semaphore_mem>>) src(%dma_wait3A_91 : memref<160x128xi32, #tpu.memory_space<hbm>>) dst(%arg5 : memref<160x128xi32, #tpu.memory_space<vmem>>)
      tpu.yield
    }) : () -> ()
    %run_scoped3A_15 = arith.constant 1 : i32
    "tpu.region"() ({
      %run_scoped3A_76 = tpu.sem_alloc : memref<!tpu.dma_semaphore, #tpu.memory_space<semaphore_mem>>
      %dma_start3A_77 = arith.constant 0 : i32
      %dma_start3A_78 = arith.constant 0 : i32
      %dma_start3A_79 = tpu.memref_slice %arg3[%run_scoped3A_15, %arg1, %dma_start3A_77, %dma_start3A_78] : memref<2x16x160x128xi32, #tpu.memory_space<hbm>> -> memref<1x1x160x128xi32, #tpu.memory_space<hbm>>
      %dma_start3A_80 = tpu.memref_squeeze %dma_start3A_79 : memref<1x1x160x128xi32, #tpu.memory_space<hbm>> -> memref<160x128xi32, #tpu.memory_space<hbm>>
      %dma_start3A_81 = arith.constant 0 : i32
      %dma_start3A_82 = arith.constant 0 : i32
      %dma_start3A_83 = tpu.memref_slice %arg3[%run_scoped3A_15, %arg1, %dma_start3A_81, %dma_start3A_82] : memref<2x16x160x128xi32, #tpu.memory_space<hbm>> -> memref<1x1x160x128xi32, #tpu.memory_space<hbm>>
      %dma_start3A_84 = tpu.memref_squeeze %dma_start3A_83 : memref<1x1x160x128xi32, #tpu.memory_space<hbm>> -> memref<160x128xi32, #tpu.memory_space<hbm>>
      tpu.enqueue_dma source(%dma_start3A_84 : memref<160x128xi32, #tpu.memory_space<hbm>>) target(%arg6 : memref<160x128xi32, #tpu.memory_space<vmem>>) target_semaphore(%run_scoped3A_76 : memref<!tpu.dma_semaphore, #tpu.memory_space<semaphore_mem>>)
      %dma_wait3A = arith.constant 0 : i32
      %dma_wait3A_85 = arith.constant 0 : i32
      %dma_wait3A_86 = tpu.memref_slice %arg3[%run_scoped3A_15, %arg1, %dma_wait3A, %dma_wait3A_85] : memref<2x16x160x128xi32, #tpu.memory_space<hbm>> -> memref<1x1x160x128xi32, #tpu.memory_space<hbm>>
      %dma_wait3A_87 = tpu.memref_squeeze %dma_wait3A_86 : memref<1x1x160x128xi32, #tpu.memory_space<hbm>> -> memref<160x128xi32, #tpu.memory_space<hbm>>
      %dma_wait3A_88 = arith.constant 0 : i32
      %dma_wait3A_89 = arith.constant 0 : i32
      %dma_wait3A_90 = tpu.memref_slice %arg3[%run_scoped3A_15, %arg1, %dma_wait3A_88, %dma_wait3A_89] : memref<2x16x160x128xi32, #tpu.memory_space<hbm>> -> memref<1x1x160x128xi32, #tpu.memory_space<hbm>>
      %dma_wait3A_91 = tpu.memref_squeeze %dma_wait3A_90 : memref<1x1x160x128xi32, #tpu.memory_space<hbm>> -> memref<160x128xi32, #tpu.memory_space<hbm>>
      tpu.wait_dma2 semaphore(%run_scoped3A_76 : memref<!tpu.dma_semaphore, #tpu.memory_space<semaphore_mem>>) src(%dma_wait3A_91 : memref<160x128xi32, #tpu.memory_space<hbm>>) dst(%arg6 : memref<160x128xi32, #tpu.memory_space<vmem>>)
      tpu.yield
    }) : () -> ()
    %scan3A_16 = arith.constant 0 : i32
    %scan3A_17 = arith.constant 160 : i32
    %scan3A_18 = arith.addi %scan3A_16, %scan3A_17 : i32
    %scan3A_19 = arith.constant 1 : i32
    scf.for %scan3A_76 = %scan3A_16 to %scan3A_18 step %scan3A_19  : i32 {
      %mul3A_77 = arith.constant 1 : i32
      %mul3A_78 = arith.muli %scan3A_76, %mul3A_77 : i32
      %add3A_79 = arith.constant 0 : i32
      %add3A_80 = arith.addi %add3A_79, %mul3A_78 : i32
      %get3A = arith.index_cast %add3A_80 : i32 to index
      %get3A_81 = arith.constant 0 : index
      %get3A_82 = tpu.vector_load %arg5[%get3A, %get3A_81] {strides = array<i32>} : memref<160x128xi32, #tpu.memory_space<vmem>>, vector<1x16xi32>,
      %get3A_83 = vector.shape_cast %get3A_82 : vector<1x16xi32> to vector<16xi32>
      %add3A_84 = arith.addi %get3A_83, %get3A_83 : vector<16xi32>
      %add3A_85 = vector.broadcast %arg0 : i32 to vector<16xi32>
      %add3A_86 = arith.addi %add3A_84, %add3A_85 : vector<16xi32>
      %swap3A = arith.index_cast %add3A_80 : i32 to index
      %swap3A_87 = arith.constant 0 : index
      %swap3A_88 = tpu.vector_load %arg5[%swap3A, %swap3A_87] {strides = array<i32>} : memref<160x128xi32, #tpu.memory_space<vmem>>, vector<1x16xi32>,
      %swap3A_89 = vector.shape_cast %swap3A_88 : vector<1x16xi32> to vector<16xi32>
      %swap3A_90 = vector.shape_cast %add3A_86 : vector<16xi32> to vector<1x16xi32>
      tpu.vector_store %arg5[%swap3A, %swap3A_87], %swap3A_90 {strides = array<i32>} : memref<160x128xi32, #tpu.memory_space<vmem>>, vector<1x16xi32>,
      %get3A_91 = arith.index_cast %add3A_80 : i32 to index
      %get3A_92 = arith.constant 16 : index
      %get3A_93 = tpu.vector_load %arg5[%get3A_91, %get3A_92] {strides = array<i32>} : memref<160x128xi32, #tpu.memory_space<vmem>>, vector<1x16xi32>,
      %get3A_94 = vector.shape_cast %get3A_93 : vector<1x16xi32> to vector<16xi32>
      %add3A_95 = arith.addi %get3A_94, %get3A_94 : vector<16xi32>
      %add3A_96 = vector.broadcast %arg0 : i32 to vector<16xi32>
      %add3A_97 = arith.addi %add3A_95, %add3A_96 : vector<16xi32>
      %swap3A_98 = arith.index_cast %add3A_80 : i32 to index
      %swap3A_99 = arith.constant 16 : index
      %swap3A_100 = tpu.vector_load %arg5[%swap3A_98, %swap3A_99] {strides = array<i32>} : memref<160x128xi32, #tpu.memory_space<vmem>>, vector<1x16xi32>,
      %swap3A_101 = vector.shape_cast %swap3A_100 : vector<1x16xi32> to vector<16xi32>
      %swap3A_102 = vector.shape_cast %add3A_97 : vector<16xi32> to vector<1x16xi32>
      tpu.vector_store %arg5[%swap3A_98, %swap3A_99], %swap3A_102 {strides = array<i32>} : memref<160x128xi32, #tpu.memory_space<vmem>>, vector<1x16xi32>,
      %get3A_103 = arith.index_cast %add3A_80 : i32 to index
      %get3A_104 = arith.constant 32 : index
      %get3A_105 = tpu.vector_load %arg5[%get3A_103, %get3A_104] {strides = array<i32>} : memref<160x128xi32, #tpu.memory_space<vmem>>, vector<1x16xi32>,
      %get3A_106 = vector.shape_cast %get3A_105 : vector<1x16xi32> to vector<16xi32>
      %add3A_107 = arith.addi %get3A_106, %get3A_106 : vector<16xi32>
      %add3A_108 = vector.broadcast %arg0 : i32 to vector<16xi32>
      %add3A_109 = arith.addi %add3A_107, %add3A_108 : vector<16xi32>
      %swap3A_110 = arith.index_cast %add3A_80 : i32 to index
      %swap3A_111 = arith.constant 32 : index
      %swap3A_112 = tpu.vector_load %arg5[%swap3A_110, %swap3A_111] {strides = array<i32>} : memref<160x128xi32, #tpu.memory_space<vmem>>, vector<1x16xi32>,
      %swap3A_113 = vector.shape_cast %swap3A_112 : vector<1x16xi32> to vector<16xi32>
      %swap3A_114 = vector.shape_cast %add3A_109 : vector<16xi32> to vector<1x16xi32>
      tpu.vector_store %arg5[%swap3A_110, %swap3A_111], %swap3A_114 {strides = array<i32>} : memref<160x128xi32, #tpu.memory_space<vmem>>, vector<1x16xi32>,
      %get3A_115 = arith.index_cast %add3A_80 : i32 to index
      %get3A_116 = arith.constant 48 : index
      %get3A_117 = tpu.vector_load %arg5[%get3A_115, %get3A_116] {strides = array<i32>} : memref<160x128xi32, #tpu.memory_space<vmem>>, vector<1x16xi32>,
      %get3A_118 = vector.shape_cast %get3A_117 : vector<1x16xi32> to vector<16xi32>
      %add3A_119 = arith.addi %get3A_118, %get3A_118 : vector<16xi32>
      %add3A_120 = vector.broadcast %arg0 : i32 to vector<16xi32>
      %add3A_121 = arith.addi %add3A_119, %add3A_120 : vector<16xi32>
      %swap3A_122 = arith.index_cast %add3A_80 : i32 to index
      %swap3A_123 = arith.constant 48 : index
      %swap3A_124 = tpu.vector_load %arg5[%swap3A_122, %swap3A_123] {strides = array<i32>} : memref<160x128xi32, #tpu.memory_space<vmem>>, vector<1x16xi32>,
      %swap3A_125 = vector.shape_cast %swap3A_124 : vector<1x16xi32> to vector<16xi32>
      %swap3A_126 = vector.shape_cast %add3A_121 : vector<16xi32> to vector<1x16xi32>
      tpu.vector_store %arg5[%swap3A_122, %swap3A_123], %swap3A_126 {strides = array<i32>} : memref<160x128xi32, #tpu.memory_space<vmem>>, vector<1x16xi32>,
      %get3A_127 = arith.index_cast %add3A_80 : i32 to index
      %get3A_128 = arith.constant 64 : index
      %get3A_129 = tpu.vector_load %arg5[%get3A_127, %get3A_128] {strides = array<i32>} : memref<160x128xi32, #tpu.memory_space<vmem>>, vector<1x16xi32>,
      %get3A_130 = vector.shape_cast %get3A_129 : vector<1x16xi32> to vector<16xi32>
      %add3A_131 = arith.addi %get3A_130, %get3A_130 : vector<16xi32>
      %add3A_132 = vector.broadcast %arg0 : i32 to vector<16xi32>
      %add3A_133 = arith.addi %add3A_131, %add3A_132 : vector<16xi32>
      %swap3A_134 = arith.index_cast %add3A_80 : i32 to index
      %swap3A_135 = arith.constant 64 : index
      %swap3A_136 = tpu.vector_load %arg5[%swap3A_134, %swap3A_135] {strides = array<i32>} : memref<160x128xi32, #tpu.memory_space<vmem>>, vector<1x16xi32>,
      %swap3A_137 = vector.shape_cast %swap3A_136 : vector<1x16xi32> to vector<16xi32>
      %swap3A_138 = vector.shape_cast %add3A_133 : vector<16xi32> to vector<1x16xi32>
      tpu.vector_store %arg5[%swap3A_134, %swap3A_135], %swap3A_138 {strides = array<i32>} : memref<160x128xi32, #tpu.memory_space<vmem>>, vector<1x16xi32>,
      %get3A_139 = arith.index_cast %add3A_80 : i32 to index
      %get3A_140 = arith.constant 80 : index
      %get3A_141 = tpu.vector_load %arg5[%get3A_139, %get3A_140] {strides = array<i32>} : memref<160x128xi32, #tpu.memory_space<vmem>>, vector<1x16xi32>,
      %get3A_142 = vector.shape_cast %get3A_141 : vector<1x16xi32> to vector<16xi32>
      %add3A_143 = arith.addi %get3A_142, %get3A_142 : vector<16xi32>
      %add3A_144 = vector.broadcast %arg0 : i32 to vector<16xi32>
      %add3A_145 = arith.addi %add3A_143, %add3A_144 : vector<16xi32>
      %swap3A_146 = arith.index_cast %add3A_80 : i32 to index
      %swap3A_147 = arith.constant 80 : index
      %swap3A_148 = tpu.vector_load %arg5[%swap3A_146, %swap3A_147] {strides = array<i32>} : memref<160x128xi32, #tpu.memory_space<vmem>>, vector<1x16xi32>,
      %swap3A_149 = vector.shape_cast %swap3A_148 : vector<1x16xi32> to vector<16xi32>
      %swap3A_150 = vector.shape_cast %add3A_145 : vector<16xi32> to vector<1x16xi32>
      tpu.vector_store %arg5[%swap3A_146, %swap3A_147], %swap3A_150 {strides = array<i32>} : memref<160x128xi32, #tpu.memory_space<vmem>>, vector<1x16xi32>,
      %get3A_151 = arith.index_cast %add3A_80 : i32 to index
      %get3A_152 = arith.constant 96 : index
      %get3A_153 = tpu.vector_load %arg5[%get3A_151, %get3A_152] {strides = array<i32>} : memref<160x128xi32, #tpu.memory_space<vmem>>, vector<1x16xi32>,
      %get3A_154 = vector.shape_cast %get3A_153 : vector<1x16xi32> to vector<16xi32>
      %add3A_155 = arith.addi %get3A_154, %get3A_154 : vector<16xi32>
      %add3A_156 = vector.broadcast %arg0 : i32 to vector<16xi32>
      %add3A_157 = arith.addi %add3A_155, %add3A_156 : vector<16xi32>
      %swap3A_158 = arith.index_cast %add3A_80 : i32 to index
      %swap3A_159 = arith.constant 96 : index
      %swap3A_160 = tpu.vector_load %arg5[%swap3A_158, %swap3A_159] {strides = array<i32>} : memref<160x128xi32, #tpu.memory_space<vmem>>, vector<1x16xi32>,
      %swap3A_161 = vector.shape_cast %swap3A_160 : vector<1x16xi32> to vector<16xi32>
      %swap3A_162 = vector.shape_cast %add3A_157 : vector<16xi32> to vector<1x16xi32>
      tpu.vector_store %arg5[%swap3A_158, %swap3A_159], %swap3A_162 {strides = array<i32>} : memref<160x128xi32, #tpu.memory_space<vmem>>, vector<1x16xi32>,
      %get3A_163 = arith.index_cast %add3A_80 : i32 to index
      %get3A_164 = arith.constant 112 : index
      %get3A_165 = tpu.vector_load %arg5[%get3A_163, %get3A_164] {strides = array<i32>} : memref<160x128xi32, #tpu.memory_space<vmem>>, vector<1x16xi32>,
      %get3A_166 = vector.shape_cast %get3A_165 : vector<1x16xi32> to vector<16xi32>
      %add3A_167 = arith.addi %get3A_166, %get3A_166 : vector<16xi32>
      %add3A_168 = vector.broadcast %arg0 : i32 to vector<16xi32>
      %add3A_169 = arith.addi %add3A_167, %add3A_168 : vector<16xi32>
      %swap3A_170 = arith.index_cast %add3A_80 : i32 to index
      %swap3A_171 = arith.constant 112 : index
      %swap3A_172 = tpu.vector_load %arg5[%swap3A_170, %swap3A_171] {strides = array<i32>} : memref<160x128xi32, #tpu.memory_space<vmem>>, vector<1x16xi32>,
      %swap3A_173 = vector.shape_cast %swap3A_172 : vector<1x16xi32> to vector<16xi32>
      %swap3A_174 = vector.shape_cast %add3A_169 : vector<16xi32> to vector<1x16xi32>
      tpu.vector_store %arg5[%swap3A_170, %swap3A_171], %swap3A_174 {strides = array<i32>} : memref<160x128xi32, #tpu.memory_space<vmem>>, vector<1x16xi32>,
    }
    %scan3A_20 = arith.constant 160 : i32
    %barrier3A = arith.constant 0 : index
    tpu.barrier barrier_id(%barrier3A)
    %dma_start3A = arith.constant 0 : i32
    %dma_start3A_21 = arith.constant 0 : i32
    %dma_start3A_22 = tpu.memref_slice %arg5[%dma_start3A, %dma_start3A_21] : memref<160x128xi32, #tpu.memory_space<vmem>> -> memref<1x128xi32, #tpu.memory_space<vmem>>
    %dma_start3A_23 = tpu.memref_squeeze %dma_start3A_22 : memref<1x128xi32, #tpu.memory_space<vmem>> -> memref<128xi32, #tpu.memory_space<vmem>>
    %dma_start3A_24 = arith.constant 0 : i32
    %dma_start3A_25 = arith.constant 0 : i32
    %dma_start3A_26 = tpu.memref_slice %arg2[%dma_start3A_24, %dma_start3A_25] : memref<20000x64xf32, #tpu.memory_space<hbm>> -> memref<20000x64xf32, #tpu.memory_space<hbm>>
    tpu.enqueue_indirect_dma source(%dma_start3A_26 : memref<20000x64xf32, #tpu.memory_space<hbm>>) target(%arg7 : memref<128x64xf32, #tpu.memory_space<vmem>>) offsets(%dma_start3A_23 : memref<128xi32, #tpu.memory_space<vmem>>) semaphore(%arg12 : memref<!tpu.dma_semaphore, #tpu.memory_space<semaphore_mem>>)
    %dma_start3A_27 = arith.constant 1 : i32
    %dma_start3A_28 = arith.constant 0 : i32
    %dma_start3A_29 = tpu.memref_slice %arg5[%dma_start3A_27, %dma_start3A_28] : memref<160x128xi32, #tpu.memory_space<vmem>> -> memref<1x128xi32, #tpu.memory_space<vmem>>
    %dma_start3A_30 = tpu.memref_squeeze %dma_start3A_29 : memref<1x128xi32, #tpu.memory_space<vmem>> -> memref<128xi32, #tpu.memory_space<vmem>>
    %dma_start3A_31 = arith.constant 0 : i32
    %dma_start3A_32 = arith.constant 0 : i32
    %dma_start3A_33 = tpu.memref_slice %arg2[%dma_start3A_31, %dma_start3A_32] : memref<20000x64xf32, #tpu.memory_space<hbm>> -> memref<20000x64xf32, #tpu.memory_space<hbm>>
    tpu.enqueue_indirect_dma source(%dma_start3A_33 : memref<20000x64xf32, #tpu.memory_space<hbm>>) target(%arg8 : memref<128x64xf32, #tpu.memory_space<vmem>>) offsets(%dma_start3A_30 : memref<128xi32, #tpu.memory_space<vmem>>) semaphore(%arg13 : memref<!tpu.dma_semaphore, #tpu.memory_space<semaphore_mem>>)
    %dma_start3A_34 = arith.constant 2 : i32
    %dma_start3A_35 = arith.constant 0 : i32
    %dma_start3A_36 = tpu.memref_slice %arg5[%dma_start3A_34, %dma_start3A_35] : memref<160x128xi32, #tpu.memory_space<vmem>> -> memref<1x128xi32, #tpu.memory_space<vmem>>
    %dma_start3A_37 = tpu.memref_squeeze %dma_start3A_36 : memref<1x128xi32, #tpu.memory_space<vmem>> -> memref<128xi32, #tpu.memory_space<vmem>>
    %dma_start3A_38 = arith.constant 0 : i32
    %dma_start3A_39 = arith.constant 0 : i32
    %dma_start3A_40 = tpu.memref_slice %arg2[%dma_start3A_38, %dma_start3A_39] : memref<20000x64xf32, #tpu.memory_space<hbm>> -> memref<20000x64xf32, #tpu.memory_space<hbm>>
    tpu.enqueue_indirect_dma source(%dma_start3A_40 : memref<20000x64xf32, #tpu.memory_space<hbm>>) target(%arg9 : memref<128x64xf32, #tpu.memory_space<vmem>>) offsets(%dma_start3A_37 : memref<128xi32, #tpu.memory_space<vmem>>) semaphore(%arg14 : memref<!tpu.dma_semaphore, #tpu.memory_space<semaphore_mem>>)
    %dma_start3A_41 = arith.constant 3 : i32
    %dma_start3A_42 = arith.constant 0 : i32
    %dma_start3A_43 = tpu.memref_slice %arg5[%dma_start3A_41, %dma_start3A_42] : memref<160x128xi32, #tpu.memory_space<vmem>> -> memref<1x128xi32, #tpu.memory_space<vmem>>
    %dma_start3A_44 = tpu.memref_squeeze %dma_start3A_43 : memref<1x128xi32, #tpu.memory_space<vmem>> -> memref<128xi32, #tpu.memory_space<vmem>>
    %dma_start3A_45 = arith.constant 0 : i32
    %dma_start3A_46 = arith.constant 0 : i32
    %dma_start3A_47 = tpu.memref_slice %arg2[%dma_start3A_45, %dma_start3A_46] : memref<20000x64xf32, #tpu.memory_space<hbm>> -> memref<20000x64xf32, #tpu.memory_space<hbm>>
    tpu.enqueue_indirect_dma source(%dma_start3A_47 : memref<20000x64xf32, #tpu.memory_space<hbm>>) target(%arg10 : memref<128x64xf32, #tpu.memory_space<vmem>>) offsets(%dma_start3A_44 : memref<128xi32, #tpu.memory_space<vmem>>) semaphore(%arg15 : memref<!tpu.dma_semaphore, #tpu.memory_space<semaphore_mem>>)
    %scan3A_48 = arith.constant 0 : i32
    %scan3A_49 = arith.constant 32 : i32
    %scan3A_50 = arith.addi %scan3A_48, %scan3A_49 : i32
    %scan3A_51 = arith.constant 1 : i32
    scf.for %scan3A_76 = %scan3A_48 to %scan3A_50 step %scan3A_51  : i32 {
      %mul3A_77 = arith.constant 5 : i32
      %mul3A_78 = arith.muli %scan3A_76, %mul3A_77 : i32
      %add3A_79 = arith.constant 0 : i32
      %add3A_80 = arith.addi %add3A_79, %mul3A_78 : i32
      %add3A_81 = arith.constant 0 : i32
      %add3A_82 = arith.addi %add3A_80, %add3A_81 : i32
      %dma_wait3A = arith.constant 0 : i32
      %dma_wait3A_83 = tpu.memref_slice %arg5[%add3A_82, %dma_wait3A] : memref<160x128xi32, #tpu.memory_space<vmem>> -> memref<1x128xi32, #tpu.memory_space<vmem>>
      %dma_wait3A_84 = tpu.memref_squeeze %dma_wait3A_83 : memref<1x128xi32, #tpu.memory_space<vmem>> -> memref<128xi32, #tpu.memory_space<vmem>>
      %dma_wait3A_85 = arith.constant 0 : i32
      %dma_wait3A_86 = arith.constant 0 : i32
      %dma_wait3A_87 = tpu.memref_slice %arg2[%dma_wait3A_85, %dma_wait3A_86] : memref<20000x64xf32, #tpu.memory_space<hbm>> -> memref<20000x64xf32, #tpu.memory_space<hbm>>
      tpu.wait_indirect_dma semaphore(%arg12 : memref<!tpu.dma_semaphore, #tpu.memory_space<semaphore_mem>>) src(%dma_wait3A_87 : memref<20000x64xf32, #tpu.memory_space<hbm>>) dst(%arg7 : memref<128x64xf32, #tpu.memory_space<vmem>>)
      %add3A_88 = arith.constant 0 : i32
      %add3A_89 = arith.addi %add3A_80, %add3A_88 : i32
      "tpu.region"() ({
        %run_scoped3A_172 = tpu.sem_alloc : memref<!tpu.dma_semaphore, #tpu.memory_space<semaphore_mem>>
        %dma_start3A_173 = arith.constant 0 : i32
        %dma_start3A_174 = tpu.memref_slice %arg6[%add3A_89, %dma_start3A_173] : memref<160x128xi32, #tpu.memory_space<vmem>> -> memref<1x128xi32, #tpu.memory_space<vmem>>
        %dma_start3A_175 = tpu.memref_squeeze %dma_start3A_174 : memref<1x128xi32, #tpu.memory_space<vmem>> -> memref<128xi32, #tpu.memory_space<vmem>>
        %dma_start3A_176 = arith.constant 0 : i32
        %dma_start3A_177 = arith.constant 0 : i32
        %dma_start3A_178 = tpu.memref_slice %arg17[%dma_start3A_176, %dma_start3A_177] : memref<10112x64xf32, #tpu.memory_space<vmem_shared>> -> memref<10112x64xf32, #tpu.memory_space<vmem_shared>>
        tpu.enqueue_indirect_dma source(%arg7 : memref<128x64xf32, #tpu.memory_space<vmem>>) target(%dma_start3A_178 : memref<10112x64xf32, #tpu.memory_space<vmem_shared>>) offsets(%dma_start3A_175 : memref<128xi32, #tpu.memory_space<vmem>>) semaphore(%run_scoped3A_172 : memref<!tpu.dma_semaphore, #tpu.memory_space<semaphore_mem>>) {add = true}
        %dma_wait3A_179 = arith.constant 0 : i32
        %dma_wait3A_180 = tpu.memref_slice %arg6[%add3A_89, %dma_wait3A_179] : memref<160x128xi32, #tpu.memory_space<vmem>> -> memref<1x128xi32, #tpu.memory_space<vmem>>
        %dma_wait3A_181 = tpu.memref_squeeze %dma_wait3A_180 : memref<1x128xi32, #tpu.memory_space<vmem>> -> memref<128xi32, #tpu.memory_space<vmem>>
        %dma_wait3A_182 = arith.constant 0 : i32
        %dma_wait3A_183 = arith.constant 0 : i32
        %dma_wait3A_184 = tpu.memref_slice %arg17[%dma_wait3A_182, %dma_wait3A_183] : memref<10112x64xf32, #tpu.memory_space<vmem_shared>> -> memref<10112x64xf32, #tpu.memory_space<vmem_shared>>
        tpu.wait_indirect_dma semaphore(%run_scoped3A_172 : memref<!tpu.dma_semaphore, #tpu.memory_space<semaphore_mem>>) src(%arg7 : memref<128x64xf32, #tpu.memory_space<vmem>>) dst(%dma_wait3A_184 : memref<10112x64xf32, #tpu.memory_space<vmem_shared>>)
        tpu.yield
      }) : () -> ()
      %add3A_90 = arith.constant 0 : i32
      %add3A_91 = arith.addi %add3A_80, %add3A_90 : i32
      %add3A_92 = arith.constant 4 : i32
      %add3A_93 = arith.addi %add3A_91, %add3A_92 : i32
      %lt3A = arith.constant 160 : i32
      %lt3A_94 = arith.cmpi slt, %add3A_93, %lt3A : i32
      %convert_element_type3A = arith.extui %lt3A_94 : i1 to i32
      %cond3A = arith.constant 0 : i32
      %cond3A_95 = arith.cmpi ne, %convert_element_type3A, %cond3A : i32
      scf.if %cond3A_95 {
        %add3A_172 = arith.constant 0 : i32
        %add3A_173 = arith.addi %add3A_80, %add3A_172 : i32
        %add3A_174 = arith.constant 4 : i32
        %add3A_175 = arith.addi %add3A_173, %add3A_174 : i32
        %dma_start3A_176 = arith.constant 0 : i32
        %dma_start3A_177 = tpu.memref_slice %arg5[%add3A_175, %dma_start3A_176] : memref<160x128xi32, #tpu.memory_space<vmem>> -> memref<1x128xi32, #tpu.memory_space<vmem>>
        %dma_start3A_178 = tpu.memref_squeeze %dma_start3A_177 : memref<1x128xi32, #tpu.memory_space<vmem>> -> memref<128xi32, #tpu.memory_space<vmem>>
        %dma_start3A_179 = arith.constant 0 : i32
        %dma_start3A_180 = arith.constant 0 : i32
        %dma_start3A_181 = tpu.memref_slice %arg2[%dma_start3A_179, %dma_start3A_180] : memref<20000x64xf32, #tpu.memory_space<hbm>> -> memref<20000x64xf32, #tpu.memory_space<hbm>>
        tpu.enqueue_indirect_dma source(%dma_start3A_181 : memref<20000x64xf32, #tpu.memory_space<hbm>>) target(%arg11 : memref<128x64xf32, #tpu.memory_space<vmem>>) offsets(%dma_start3A_178 : memref<128xi32, #tpu.memory_space<vmem>>) semaphore(%arg16 : memref<!tpu.dma_semaphore, #tpu.memory_space<semaphore_mem>>)
      } else {
      }
      %add3A_96 = arith.constant 1 : i32
      %add3A_97 = arith.addi %add3A_80, %add3A_96 : i32
      %dma_wait3A_98 = arith.constant 0 : i32
      %dma_wait3A_99 = tpu.memref_slice %arg5[%add3A_97, %dma_wait3A_98] : memref<160x128xi32, #tpu.memory_space<vmem>> -> memref<1x128xi32, #tpu.memory_space<vmem>>
      %dma_wait3A_100 = tpu.memref_squeeze %dma_wait3A_99 : memref<1x128xi32, #tpu.memory_space<vmem>> -> memref<128xi32, #tpu.memory_space<vmem>>
      %dma_wait3A_101 = arith.constant 0 : i32
      %dma_wait3A_102 = arith.constant 0 : i32
      %dma_wait3A_103 = tpu.memref_slice %arg2[%dma_wait3A_101, %dma_wait3A_102] : memref<20000x64xf32, #tpu.memory_space<hbm>> -> memref<20000x64xf32, #tpu.memory_space<hbm>>
      tpu.wait_indirect_dma semaphore(%arg13 : memref<!tpu.dma_semaphore, #tpu.memory_space<semaphore_mem>>) src(%dma_wait3A_103 : memref<20000x64xf32, #tpu.memory_space<hbm>>) dst(%arg8 : memref<128x64xf32, #tpu.memory_space<vmem>>)
      %add3A_104 = arith.constant 1 : i32
      %add3A_105 = arith.addi %add3A_80, %add3A_104 : i32
      "tpu.region"() ({
        %run_scoped3A_172 = tpu.sem_alloc : memref<!tpu.dma_semaphore, #tpu.memory_space<semaphore_mem>>
        %dma_start3A_173 = arith.constant 0 : i32
        %dma_start3A_174 = tpu.memref_slice %arg6[%add3A_105, %dma_start3A_173] : memref<160x128xi32, #tpu.memory_space<vmem>> -> memref<1x128xi32, #tpu.memory_space<vmem>>
        %dma_start3A_175 = tpu.memref_squeeze %dma_start3A_174 : memref<1x128xi32, #tpu.memory_space<vmem>> -> memref<128xi32, #tpu.memory_space<vmem>>
        %dma_start3A_176 = arith.constant 0 : i32
        %dma_start3A_177 = arith.constant 0 : i32
        %dma_start3A_178 = tpu.memref_slice %arg17[%dma_start3A_176, %dma_start3A_177] : memref<10112x64xf32, #tpu.memory_space<vmem_shared>> -> memref<10112x64xf32, #tpu.memory_space<vmem_shared>>
        tpu.enqueue_indirect_dma source(%arg8 : memref<128x64xf32, #tpu.memory_space<vmem>>) target(%dma_start3A_178 : memref<10112x64xf32, #tpu.memory_space<vmem_shared>>) offsets(%dma_start3A_175 : memref<128xi32, #tpu.memory_space<vmem>>) semaphore(%run_scoped3A_172 : memref<!tpu.dma_semaphore, #tpu.memory_space<semaphore_mem>>) {add = true}
        %dma_wait3A_179 = arith.constant 0 : i32
        %dma_wait3A_180 = tpu.memref_slice %arg6[%add3A_105, %dma_wait3A_179] : memref<160x128xi32, #tpu.memory_space<vmem>> -> memref<1x128xi32, #tpu.memory_space<vmem>>
        %dma_wait3A_181 = tpu.memref_squeeze %dma_wait3A_180 : memref<1x128xi32, #tpu.memory_space<vmem>> -> memref<128xi32, #tpu.memory_space<vmem>>
        %dma_wait3A_182 = arith.constant 0 : i32
        %dma_wait3A_183 = arith.constant 0 : i32
        %dma_wait3A_184 = tpu.memref_slice %arg17[%dma_wait3A_182, %dma_wait3A_183] : memref<10112x64xf32, #tpu.memory_space<vmem_shared>> -> memref<10112x64xf32, #tpu.memory_space<vmem_shared>>
        tpu.wait_indirect_dma semaphore(%run_scoped3A_172 : memref<!tpu.dma_semaphore, #tpu.memory_space<semaphore_mem>>) src(%arg8 : memref<128x64xf32, #tpu.memory_space<vmem>>) dst(%dma_wait3A_184 : memref<10112x64xf32, #tpu.memory_space<vmem_shared>>)
        tpu.yield
      }) : () -> ()
      %add3A_106 = arith.constant 1 : i32
      %add3A_107 = arith.addi %add3A_80, %add3A_106 : i32
      %add3A_108 = arith.constant 4 : i32
      %add3A_109 = arith.addi %add3A_107, %add3A_108 : i32
      %lt3A_110 = arith.constant 160 : i32
      %lt3A_111 = arith.cmpi slt, %add3A_109, %lt3A_110 : i32
      %convert_element_type3A_112 = arith.extui %lt3A_111 : i1 to i32
      %cond3A_113 = arith.constant 0 : i32
      %cond3A_114 = arith.cmpi ne, %convert_element_type3A_112, %cond3A_113 : i32
      scf.if %cond3A_114 {
        %add3A_172 = arith.constant 1 : i32
        %add3A_173 = arith.addi %add3A_80, %add3A_172 : i32
        %add3A_174 = arith.constant 4 : i32
        %add3A_175 = arith.addi %add3A_173, %add3A_174 : i32
        %dma_start3A_176 = arith.constant 0 : i32
        %dma_start3A_177 = tpu.memref_slice %arg5[%add3A_175, %dma_start3A_176] : memref<160x128xi32, #tpu.memory_space<vmem>> -> memref<1x128xi32, #tpu.memory_space<vmem>>
        %dma_start3A_178 = tpu.memref_squeeze %dma_start3A_177 : memref<1x128xi32, #tpu.memory_space<vmem>> -> memref<128xi32, #tpu.memory_space<vmem>>
        %dma_start3A_179 = arith.constant 0 : i32
        %dma_start3A_180 = arith.constant 0 : i32
        %dma_start3A_181 = tpu.memref_slice %arg2[%dma_start3A_179, %dma_start3A_180] : memref<20000x64xf32, #tpu.memory_space<hbm>> -> memref<20000x64xf32, #tpu.memory_space<hbm>>
        tpu.enqueue_indirect_dma source(%dma_start3A_181 : memref<20000x64xf32, #tpu.memory_space<hbm>>) target(%arg7 : memref<128x64xf32, #tpu.memory_space<vmem>>) offsets(%dma_start3A_178 : memref<128xi32, #tpu.memory_space<vmem>>) semaphore(%arg12 : memref<!tpu.dma_semaphore, #tpu.memory_space<semaphore_mem>>)
      } else {
      }
      %add3A_115 = arith.constant 2 : i32
      %add3A_116 = arith.addi %add3A_80, %add3A_115 : i32
      %dma_wait3A_117 = arith.constant 0 : i32
      %dma_wait3A_118 = tpu.memref_slice %arg5[%add3A_116, %dma_wait3A_117] : memref<160x128xi32, #tpu.memory_space<vmem>> -> memref<1x128xi32, #tpu.memory_space<vmem>>
      %dma_wait3A_119 = tpu.memref_squeeze %dma_wait3A_118 : memref<1x128xi32, #tpu.memory_space<vmem>> -> memref<128xi32, #tpu.memory_space<vmem>>
      %dma_wait3A_120 = arith.constant 0 : i32
      %dma_wait3A_121 = arith.constant 0 : i32
      %dma_wait3A_122 = tpu.memref_slice %arg2[%dma_wait3A_120, %dma_wait3A_121] : memref<20000x64xf32, #tpu.memory_space<hbm>> -> memref<20000x64xf32, #tpu.memory_space<hbm>>
      tpu.wait_indirect_dma semaphore(%arg14 : memref<!tpu.dma_semaphore, #tpu.memory_space<semaphore_mem>>) src(%dma_wait3A_122 : memref<20000x64xf32, #tpu.memory_space<hbm>>) dst(%arg9 : memref<128x64xf32, #tpu.memory_space<vmem>>)
      %add3A_123 = arith.constant 2 : i32
      %add3A_124 = arith.addi %add3A_80, %add3A_123 : i32
      "tpu.region"() ({
        %run_scoped3A_172 = tpu.sem_alloc : memref<!tpu.dma_semaphore, #tpu.memory_space<semaphore_mem>>
        %dma_start3A_173 = arith.constant 0 : i32
        %dma_start3A_174 = tpu.memref_slice %arg6[%add3A_124, %dma_start3A_173] : memref<160x128xi32, #tpu.memory_space<vmem>> -> memref<1x128xi32, #tpu.memory_space<vmem>>
        %dma_start3A_175 = tpu.memref_squeeze %dma_start3A_174 : memref<1x128xi32, #tpu.memory_space<vmem>> -> memref<128xi32, #tpu.memory_space<vmem>>
        %dma_start3A_176 = arith.constant 0 : i32
        %dma_start3A_177 = arith.constant 0 : i32
        %dma_start3A_178 = tpu.memref_slice %arg17[%dma_start3A_176, %dma_start3A_177] : memref<10112x64xf32, #tpu.memory_space<vmem_shared>> -> memref<10112x64xf32, #tpu.memory_space<vmem_shared>>
        tpu.enqueue_indirect_dma source(%arg9 : memref<128x64xf32, #tpu.memory_space<vmem>>) target(%dma_start3A_178 : memref<10112x64xf32, #tpu.memory_space<vmem_shared>>) offsets(%dma_start3A_175 : memref<128xi32, #tpu.memory_space<vmem>>) semaphore(%run_scoped3A_172 : memref<!tpu.dma_semaphore, #tpu.memory_space<semaphore_mem>>) {add = true}
        %dma_wait3A_179 = arith.constant 0 : i32
        %dma_wait3A_180 = tpu.memref_slice %arg6[%add3A_124, %dma_wait3A_179] : memref<160x128xi32, #tpu.memory_space<vmem>> -> memref<1x128xi32, #tpu.memory_space<vmem>>
        %dma_wait3A_181 = tpu.memref_squeeze %dma_wait3A_180 : memref<1x128xi32, #tpu.memory_space<vmem>> -> memref<128xi32, #tpu.memory_space<vmem>>
        %dma_wait3A_182 = arith.constant 0 : i32
        %dma_wait3A_183 = arith.constant 0 : i32
        %dma_wait3A_184 = tpu.memref_slice %arg17[%dma_wait3A_182, %dma_wait3A_183] : memref<10112x64xf32, #tpu.memory_space<vmem_shared>> -> memref<10112x64xf32, #tpu.memory_space<vmem_shared>>
        tpu.wait_indirect_dma semaphore(%run_scoped3A_172 : memref<!tpu.dma_semaphore, #tpu.memory_space<semaphore_mem>>) src(%arg9 : memref<128x64xf32, #tpu.memory_space<vmem>>) dst(%dma_wait3A_184 : memref<10112x64xf32, #tpu.memory_space<vmem_shared>>)
        tpu.yield
      }) : () -> ()
      %add3A_125 = arith.constant 2 : i32
      %add3A_126 = arith.addi %add3A_80, %add3A_125 : i32
      %add3A_127 = arith.constant 4 : i32
      %add3A_128 = arith.addi %add3A_126, %add3A_127 : i32
      %lt3A_129 = arith.constant 160 : i32
      %lt3A_130 = arith.cmpi slt, %add3A_128, %lt3A_129 : i32
      %convert_element_type3A_131 = arith.extui %lt3A_130 : i1 to i32
      %cond3A_132 = arith.constant 0 : i32
      %cond3A_133 = arith.cmpi ne, %convert_element_type3A_131, %cond3A_132 : i32
      scf.if %cond3A_133 {
        %add3A_172 = arith.constant 2 : i32
        %add3A_173 = arith.addi %add3A_80, %add3A_172 : i32
        %add3A_174 = arith.constant 4 : i32
        %add3A_175 = arith.addi %add3A_173, %add3A_174 : i32
        %dma_start3A_176 = arith.constant 0 : i32
        %dma_start3A_177 = tpu.memref_slice %arg5[%add3A_175, %dma_start3A_176] : memref<160x128xi32, #tpu.memory_space<vmem>> -> memref<1x128xi32, #tpu.memory_space<vmem>>
        %dma_start3A_178 = tpu.memref_squeeze %dma_start3A_177 : memref<1x128xi32, #tpu.memory_space<vmem>> -> memref<128xi32, #tpu.memory_space<vmem>>
        %dma_start3A_179 = arith.constant 0 : i32
        %dma_start3A_180 = arith.constant 0 : i32
        %dma_start3A_181 = tpu.memref_slice %arg2[%dma_start3A_179, %dma_start3A_180] : memref<20000x64xf32, #tpu.memory_space<hbm>> -> memref<20000x64xf32, #tpu.memory_space<hbm>>
        tpu.enqueue_indirect_dma source(%dma_start3A_181 : memref<20000x64xf32, #tpu.memory_space<hbm>>) target(%arg8 : memref<128x64xf32, #tpu.memory_space<vmem>>) offsets(%dma_start3A_178 : memref<128xi32, #tpu.memory_space<vmem>>) semaphore(%arg13 : memref<!tpu.dma_semaphore, #tpu.memory_space<semaphore_mem>>)
      } else {
      }
      %add3A_134 = arith.constant 3 : i32
      %add3A_135 = arith.addi %add3A_80, %add3A_134 : i32
      %dma_wait3A_136 = arith.constant 0 : i32
      %dma_wait3A_137 = tpu.memref_slice %arg5[%add3A_135, %dma_wait3A_136] : memref<160x128xi32, #tpu.memory_space<vmem>> -> memref<1x128xi32, #tpu.memory_space<vmem>>
      %dma_wait3A_138 = tpu.memref_squeeze %dma_wait3A_137 : memref<1x128xi32, #tpu.memory_space<vmem>> -> memref<128xi32, #tpu.memory_space<vmem>>
      %dma_wait3A_139 = arith.constant 0 : i32
      %dma_wait3A_140 = arith.constant 0 : i32
      %dma_wait3A_141 = tpu.memref_slice %arg2[%dma_wait3A_139, %dma_wait3A_140] : memref<20000x64xf32, #tpu.memory_space<hbm>> -> memref<20000x64xf32, #tpu.memory_space<hbm>>
      tpu.wait_indirect_dma semaphore(%arg15 : memref<!tpu.dma_semaphore, #tpu.memory_space<semaphore_mem>>) src(%dma_wait3A_141 : memref<20000x64xf32, #tpu.memory_space<hbm>>) dst(%arg10 : memref<128x64xf32, #tpu.memory_space<vmem>>)
      %add3A_142 = arith.constant 3 : i32
      %add3A_143 = arith.addi %add3A_80, %add3A_142 : i32
      "tpu.region"() ({
        %run_scoped3A_172 = tpu.sem_alloc : memref<!tpu.dma_semaphore, #tpu.memory_space<semaphore_mem>>
        %dma_start3A_173 = arith.constant 0 : i32
        %dma_start3A_174 = tpu.memref_slice %arg6[%add3A_143, %dma_start3A_173] : memref<160x128xi32, #tpu.memory_space<vmem>> -> memref<1x128xi32, #tpu.memory_space<vmem>>
        %dma_start3A_175 = tpu.memref_squeeze %dma_start3A_174 : memref<1x128xi32, #tpu.memory_space<vmem>> -> memref<128xi32, #tpu.memory_space<vmem>>
        %dma_start3A_176 = arith.constant 0 : i32
        %dma_start3A_177 = arith.constant 0 : i32
        %dma_start3A_178 = tpu.memref_slice %arg17[%dma_start3A_176, %dma_start3A_177] : memref<10112x64xf32, #tpu.memory_space<vmem_shared>> -> memref<10112x64xf32, #tpu.memory_space<vmem_shared>>
        tpu.enqueue_indirect_dma source(%arg10 : memref<128x64xf32, #tpu.memory_space<vmem>>) target(%dma_start3A_178 : memref<10112x64xf32, #tpu.memory_space<vmem_shared>>) offsets(%dma_start3A_175 : memref<128xi32, #tpu.memory_space<vmem>>) semaphore(%run_scoped3A_172 : memref<!tpu.dma_semaphore, #tpu.memory_space<semaphore_mem>>) {add = true}
        %dma_wait3A_179 = arith.constant 0 : i32
        %dma_wait3A_180 = tpu.memref_slice %arg6[%add3A_143, %dma_wait3A_179] : memref<160x128xi32, #tpu.memory_space<vmem>> -> memref<1x128xi32, #tpu.memory_space<vmem>>
        %dma_wait3A_181 = tpu.memref_squeeze %dma_wait3A_180 : memref<1x128xi32, #tpu.memory_space<vmem>> -> memref<128xi32, #tpu.memory_space<vmem>>
        %dma_wait3A_182 = arith.constant 0 : i32
        %dma_wait3A_183 = arith.constant 0 : i32
        %dma_wait3A_184 = tpu.memref_slice %arg17[%dma_wait3A_182, %dma_wait3A_183] : memref<10112x64xf32, #tpu.memory_space<vmem_shared>> -> memref<10112x64xf32, #tpu.memory_space<vmem_shared>>
        tpu.wait_indirect_dma semaphore(%run_scoped3A_172 : memref<!tpu.dma_semaphore, #tpu.memory_space<semaphore_mem>>) src(%arg10 : memref<128x64xf32, #tpu.memory_space<vmem>>) dst(%dma_wait3A_184 : memref<10112x64xf32, #tpu.memory_space<vmem_shared>>)
        tpu.yield
      }) : () -> ()
      %add3A_144 = arith.constant 3 : i32
      %add3A_145 = arith.addi %add3A_80, %add3A_144 : i32
      %add3A_146 = arith.constant 4 : i32
      %add3A_147 = arith.addi %add3A_145, %add3A_146 : i32
      %lt3A_148 = arith.constant 160 : i32
      %lt3A_149 = arith.cmpi slt, %add3A_147, %lt3A_148 : i32
      %convert_element_type3A_150 = arith.extui %lt3A_149 : i1 to i32
      %cond3A_151 = arith.constant 0 : i32
      %cond3A_152 = arith.cmpi ne, %convert_element_type3A_150, %cond3A_151 : i32
      scf.if %cond3A_152 {
        %add3A_172 = arith.constant 3 : i32
        %add3A_173 = arith.addi %add3A_80, %add3A_172 : i32
        %add3A_174 = arith.constant 4 : i32
        %add3A_175 = arith.addi %add3A_173, %add3A_174 : i32
        %dma_start3A_176 = arith.constant 0 : i32
        %dma_start3A_177 = tpu.memref_slice %arg5[%add3A_175, %dma_start3A_176] : memref<160x128xi32, #tpu.memory_space<vmem>> -> memref<1x128xi32, #tpu.memory_space<vmem>>
        %dma_start3A_178 = tpu.memref_squeeze %dma_start3A_177 : memref<1x128xi32, #tpu.memory_space<vmem>> -> memref<128xi32, #tpu.memory_space<vmem>>
        %dma_start3A_179 = arith.constant 0 : i32
        %dma_start3A_180 = arith.constant 0 : i32
        %dma_start3A_181 = tpu.memref_slice %arg2[%dma_start3A_179, %dma_start3A_180] : memref<20000x64xf32, #tpu.memory_space<hbm>> -> memref<20000x64xf32, #tpu.memory_space<hbm>>
        tpu.enqueue_indirect_dma source(%dma_start3A_181 : memref<20000x64xf32, #tpu.memory_space<hbm>>) target(%arg9 : memref<128x64xf32, #tpu.memory_space<vmem>>) offsets(%dma_start3A_178 : memref<128xi32, #tpu.memory_space<vmem>>) semaphore(%arg14 : memref<!tpu.dma_semaphore, #tpu.memory_space<semaphore_mem>>)
      } else {
      }
      %add3A_153 = arith.constant 4 : i32
      %add3A_154 = arith.addi %add3A_80, %add3A_153 : i32
      %dma_wait3A_155 = arith.constant 0 : i32
      %dma_wait3A_156 = tpu.memref_slice %arg5[%add3A_154, %dma_wait3A_155] : memref<160x128xi32, #tpu.memory_space<vmem>> -> memref<1x128xi32, #tpu.memory_space<vmem>>
      %dma_wait3A_157 = tpu.memref_squeeze %dma_wait3A_156 : memref<1x128xi32, #tpu.memory_space<vmem>> -> memref<128xi32, #tpu.memory_space<vmem>>
      %dma_wait3A_158 = arith.constant 0 : i32
      %dma_wait3A_159 = arith.constant 0 : i32
      %dma_wait3A_160 = tpu.memref_slice %arg2[%dma_wait3A_158, %dma_wait3A_159] : memref<20000x64xf32, #tpu.memory_space<hbm>> -> memref<20000x64xf32, #tpu.memory_space<hbm>>
      tpu.wait_indirect_dma semaphore(%arg16 : memref<!tpu.dma_semaphore, #tpu.memory_space<semaphore_mem>>) src(%dma_wait3A_160 : memref<20000x64xf32, #tpu.memory_space<hbm>>) dst(%arg11 : memref<128x64xf32, #tpu.memory_space<vmem>>)
      %add3A_161 = arith.constant 4 : i32
      %add3A_162 = arith.addi %add3A_80, %add3A_161 : i32
      "tpu.region"() ({
        %run_scoped3A_172 = tpu.sem_alloc : memref<!tpu.dma_semaphore, #tpu.memory_space<semaphore_mem>>
        %dma_start3A_173 = arith.constant 0 : i32
        %dma_start3A_174 = tpu.memref_slice %arg6[%add3A_162, %dma_start3A_173] : memref<160x128xi32, #tpu.memory_space<vmem>> -> memref<1x128xi32, #tpu.memory_space<vmem>>
        %dma_start3A_175 = tpu.memref_squeeze %dma_start3A_174 : memref<1x128xi32, #tpu.memory_space<vmem>> -> memref<128xi32, #tpu.memory_space<vmem>>
        %dma_start3A_176 = arith.constant 0 : i32
        %dma_start3A_177 = arith.constant 0 : i32
        %dma_start3A_178 = tpu.memref_slice %arg17[%dma_start3A_176, %dma_start3A_177] : memref<10112x64xf32, #tpu.memory_space<vmem_shared>> -> memref<10112x64xf32, #tpu.memory_space<vmem_shared>>
        tpu.enqueue_indirect_dma source(%arg11 : memref<128x64xf32, #tpu.memory_space<vmem>>) target(%dma_start3A_178 : memref<10112x64xf32, #tpu.memory_space<vmem_shared>>) offsets(%dma_start3A_175 : memref<128xi32, #tpu.memory_space<vmem>>) semaphore(%run_scoped3A_172 : memref<!tpu.dma_semaphore, #tpu.memory_space<semaphore_mem>>) {add = true}
        %dma_wait3A_179 = arith.constant 0 : i32
        %dma_wait3A_180 = tpu.memref_slice %arg6[%add3A_162, %dma_wait3A_179] : memref<160x128xi32, #tpu.memory_space<vmem>> -> memref<1x128xi32, #tpu.memory_space<vmem>>
        %dma_wait3A_181 = tpu.memref_squeeze %dma_wait3A_180 : memref<1x128xi32, #tpu.memory_space<vmem>> -> memref<128xi32, #tpu.memory_space<vmem>>
        %dma_wait3A_182 = arith.constant 0 : i32
        %dma_wait3A_183 = arith.constant 0 : i32
        %dma_wait3A_184 = tpu.memref_slice %arg17[%dma_wait3A_182, %dma_wait3A_183] : memref<10112x64xf32, #tpu.memory_space<vmem_shared>> -> memref<10112x64xf32, #tpu.memory_space<vmem_shared>>
        tpu.wait_indirect_dma semaphore(%run_scoped3A_172 : memref<!tpu.dma_semaphore, #tpu.memory_space<semaphore_mem>>) src(%arg11 : memref<128x64xf32, #tpu.memory_space<vmem>>) dst(%dma_wait3A_184 : memref<10112x64xf32, #tpu.memory_space<vmem_shared>>)
        tpu.yield
      }) : () -> ()
      %add3A_163 = arith.constant 4 : i32
      %add3A_164 = arith.addi %add3A_80, %add3A_163 : i32
      %add3A_165 = arith.constant 4 : i32
      %add3A_166 = arith.addi %add3A_164, %add3A_165 : i32
      %lt3A_167 = arith.constant 160 : i32
      %lt3A_168 = arith.cmpi slt, %add3A_166, %lt3A_167 : i32
      %convert_element_type3A_169 = arith.extui %lt3A_168 : i1 to i32
      %cond3A_170 = arith.constant 0 : i32
      %cond3A_171 = arith.cmpi ne, %convert_element_type3A_169, %cond3A_170 : i32
      scf.if %cond3A_171 {
        %add3A_172 = arith.constant 4 : i32
        %add3A_173 = arith.addi %add3A_80, %add3A_172 : i32
        %add3A_174 = arith.constant 4 : i32
        %add3A_175 = arith.addi %add3A_173, %add3A_174 : i32
        %dma_start3A_176 = arith.constant 0 : i32
        %dma_start3A_177 = tpu.memref_slice %arg5[%add3A_175, %dma_start3A_176] : memref<160x128xi32, #tpu.memory_space<vmem>> -> memref<1x128xi32, #tpu.memory_space<vmem>>
        %dma_start3A_178 = tpu.memref_squeeze %dma_start3A_177 : memref<1x128xi32, #tpu.memory_space<vmem>> -> memref<128xi32, #tpu.memory_space<vmem>>
        %dma_start3A_179 = arith.constant 0 : i32
        %dma_start3A_180 = arith.constant 0 : i32
        %dma_start3A_181 = tpu.memref_slice %arg2[%dma_start3A_179, %dma_start3A_180] : memref<20000x64xf32, #tpu.memory_space<hbm>> -> memref<20000x64xf32, #tpu.memory_space<hbm>>
        tpu.enqueue_indirect_dma source(%dma_start3A_181 : memref<20000x64xf32, #tpu.memory_space<hbm>>) target(%arg10 : memref<128x64xf32, #tpu.memory_space<vmem>>) offsets(%dma_start3A_178 : memref<128xi32, #tpu.memory_space<vmem>>) semaphore(%arg15 : memref<!tpu.dma_semaphore, #tpu.memory_space<semaphore_mem>>)
      } else {
      }
    }
    %scan3A_52 = arith.constant 32 : i32
    %barrier3A_53 = arith.constant 0 : index
    tpu.barrier barrier_id(%barrier3A_53)
    %mul3A_54 = arith.constant 64 : i32
    %mul3A_55 = arith.muli %arg0, %mul3A_54 : i32
    %add3A_56 = arith.constant 0 : i32
    %add3A_57 = arith.addi %mul3A_5, %add3A_56 : i32
    "tpu.region"() ({
      %run_scoped3A_76 = tpu.sem_alloc : memref<!tpu.dma_semaphore, #tpu.memory_space<semaphore_mem>>
      %dma_start3A_77 = arith.constant 0 : i32
      %dma_start3A_78 = tpu.memref_slice %arg17[%add3A_57, %dma_start3A_77] : memref<10112x64xf32, #tpu.memory_space<vmem_shared>> -> memref<128x64xf32, #tpu.memory_space<vmem_shared>>
      %dma_start3A_79 = arith.constant 0 : i32
      %dma_start3A_80 = tpu.memref_slice %arg17[%add3A_57, %dma_start3A_79] : memref<10112x64xf32, #tpu.memory_space<vmem_shared>> -> memref<128x64xf32, #tpu.memory_space<vmem_shared>>
      tpu.enqueue_dma source(%dma_start3A_80 : memref<128x64xf32, #tpu.memory_space<vmem_shared>>) target(%arg7 : memref<128x64xf32, #tpu.memory_space<vmem>>) target_semaphore(%run_scoped3A_76 : memref<!tpu.dma_semaphore, #tpu.memory_space<semaphore_mem>>)
      %dma_wait3A = arith.constant 0 : i32
      %dma_wait3A_81 = tpu.memref_slice %arg17[%add3A_57, %dma_wait3A] : memref<10112x64xf32, #tpu.memory_space<vmem_shared>> -> memref<128x64xf32, #tpu.memory_space<vmem_shared>>
      %dma_wait3A_82 = arith.constant 0 : i32
      %dma_wait3A_83 = tpu.memref_slice %arg17[%add3A_57, %dma_wait3A_82] : memref<10112x64xf32, #tpu.memory_space<vmem_shared>> -> memref<128x64xf32, #tpu.memory_space<vmem_shared>>
      tpu.wait_dma2 semaphore(%run_scoped3A_76 : memref<!tpu.dma_semaphore, #tpu.memory_space<semaphore_mem>>) src(%dma_wait3A_83 : memref<128x64xf32, #tpu.memory_space<vmem_shared>>) dst(%arg7 : memref<128x64xf32, #tpu.memory_space<vmem>>)
      tpu.yield
    }) : () -> ()
    %add3A_58 = arith.constant 0 : i32
    %add3A_59 = arith.addi %mul3A_5, %add3A_58 : i32
    "tpu.region"() ({
      %run_scoped3A_76 = tpu.sem_alloc : memref<!tpu.dma_semaphore, #tpu.memory_space<semaphore_mem>>
      %dma_start3A_77 = tpu.memref_slice %arg4[%add3A_59, %mul3A_55] : memref<10112x128xf32, #tpu.memory_space<hbm>> -> memref<128x64xf32, #tpu.memory_space<hbm>>
      %dma_start3A_78 = tpu.memref_slice %arg4[%add3A_59, %mul3A_55] : memref<10112x128xf32, #tpu.memory_space<hbm>> -> memref<128x64xf32, #tpu.memory_space<hbm>>
      tpu.enqueue_dma source(%arg7 : memref<128x64xf32, #tpu.memory_space<vmem>>) target(%dma_start3A_78 : memref<128x64xf32, #tpu.memory_space<hbm>>) target_semaphore(%run_scoped3A_76 : memref<!tpu.dma_semaphore, #tpu.memory_space<semaphore_mem>>)
      %dma_wait3A = tpu.memref_slice %arg4[%add3A_59, %mul3A_55] : memref<10112x128xf32, #tpu.memory_space<hbm>> -> memref<128x64xf32, #tpu.memory_space<hbm>>
      %dma_wait3A_79 = tpu.memref_slice %arg4[%add3A_59, %mul3A_55] : memref<10112x128xf32, #tpu.memory_space<hbm>> -> memref<128x64xf32, #tpu.memory_space<hbm>>
      tpu.wait_dma2 semaphore(%run_scoped3A_76 : memref<!tpu.dma_semaphore, #tpu.memory_space<semaphore_mem>>) src(%arg7 : memref<128x64xf32, #tpu.memory_space<vmem>>) dst(%dma_wait3A_79 : memref<128x64xf32, #tpu.memory_space<hbm>>)
      tpu.yield
    }) : () -> ()
    %add3A_60 = arith.constant 128 : i32
    %add3A_61 = arith.addi %mul3A_5, %add3A_60 : i32
    "tpu.region"() ({
      %run_scoped3A_76 = tpu.sem_alloc : memref<!tpu.dma_semaphore, #tpu.memory_space<semaphore_mem>>
      %dma_start3A_77 = arith.constant 0 : i32
      %dma_start3A_78 = tpu.memref_slice %arg17[%add3A_61, %dma_start3A_77] : memref<10112x64xf32, #tpu.memory_space<vmem_shared>> -> memref<128x64xf32, #tpu.memory_space<vmem_shared>>
      %dma_start3A_79 = arith.constant 0 : i32
      %dma_start3A_80 = tpu.memref_slice %arg17[%add3A_61, %dma_start3A_79] : memref<10112x64xf32, #tpu.memory_space<vmem_shared>> -> memref<128x64xf32, #tpu.memory_space<vmem_shared>>
      tpu.enqueue_dma source(%dma_start3A_80 : memref<128x64xf32, #tpu.memory_space<vmem_shared>>) target(%arg7 : memref<128x64xf32, #tpu.memory_space<vmem>>) target_semaphore(%run_scoped3A_76 : memref<!tpu.dma_semaphore, #tpu.memory_space<semaphore_mem>>)
      %dma_wait3A = arith.constant 0 : i32
      %dma_wait3A_81 = tpu.memref_slice %arg17[%add3A_61, %dma_wait3A] : memref<10112x64xf32, #tpu.memory_space<vmem_shared>> -> memref<128x64xf32, #tpu.memory_space<vmem_shared>>
      %dma_wait3A_82 = arith.constant 0 : i32
      %dma_wait3A_83 = tpu.memref_slice %arg17[%add3A_61, %dma_wait3A_82] : memref<10112x64xf32, #tpu.memory_space<vmem_shared>> -> memref<128x64xf32, #tpu.memory_space<vmem_shared>>
      tpu.wait_dma2 semaphore(%run_scoped3A_76 : memref<!tpu.dma_semaphore, #tpu.memory_space<semaphore_mem>>) src(%dma_wait3A_83 : memref<128x64xf32, #tpu.memory_space<vmem_shared>>) dst(%arg7 : memref<128x64xf32, #tpu.memory_space<vmem>>)
      tpu.yield
    }) : () -> ()
    %add3A_62 = arith.constant 128 : i32
    %add3A_63 = arith.addi %mul3A_5, %add3A_62 : i32
    "tpu.region"() ({
      %run_scoped3A_76 = tpu.sem_alloc : memref<!tpu.dma_semaphore, #tpu.memory_space<semaphore_mem>>
      %dma_start3A_77 = tpu.memref_slice %arg4[%add3A_63, %mul3A_55] : memref<10112x128xf32, #tpu.memory_space<hbm>> -> memref<128x64xf32, #tpu.memory_space<hbm>>
      %dma_start3A_78 = tpu.memref_slice %arg4[%add3A_63, %mul3A_55] : memref<10112x128xf32, #tpu.memory_space<hbm>> -> memref<128x64xf32, #tpu.memory_space<hbm>>
      tpu.enqueue_dma source(%arg7 : memref<128x64xf32, #tpu.memory_space<vmem>>) target(%dma_start3A_78 : memref<128x64xf32, #tpu.memory_space<hbm>>) target_semaphore(%run_scoped3A_76 : memref<!tpu.dma_semaphore, #tpu.memory_space<semaphore_mem>>)
      %dma_wait3A = tpu.memref_slice %arg4[%add3A_63, %mul3A_55] : memref<10112x128xf32, #tpu.memory_space<hbm>> -> memref<128x64xf32, #tpu.memory_space<hbm>>
      %dma_wait3A_79 = tpu.memref_slice %arg4[%add3A_63, %mul3A_55] : memref<10112x128xf32, #tpu.memory_space<hbm>> -> memref<128x64xf32, #tpu.memory_space<hbm>>
      tpu.wait_dma2 semaphore(%run_scoped3A_76 : memref<!tpu.dma_semaphore, #tpu.memory_space<semaphore_mem>>) src(%arg7 : memref<128x64xf32, #tpu.memory_space<vmem>>) dst(%dma_wait3A_79 : memref<128x64xf32, #tpu.memory_space<hbm>>)
      tpu.yield
    }) : () -> ()
    %add3A_64 = arith.constant 256 : i32
    %add3A_65 = arith.addi %mul3A_5, %add3A_64 : i32
    "tpu.region"() ({
      %run_scoped3A_76 = tpu.sem_alloc : memref<!tpu.dma_semaphore, #tpu.memory_space<semaphore_mem>>
      %dma_start3A_77 = arith.constant 0 : i32
      %dma_start3A_78 = tpu.memref_slice %arg17[%add3A_65, %dma_start3A_77] : memref<10112x64xf32, #tpu.memory_space<vmem_shared>> -> memref<128x64xf32, #tpu.memory_space<vmem_shared>>
      %dma_start3A_79 = arith.constant 0 : i32
      %dma_start3A_80 = tpu.memref_slice %arg17[%add3A_65, %dma_start3A_79] : memref<10112x64xf32, #tpu.memory_space<vmem_shared>> -> memref<128x64xf32, #tpu.memory_space<vmem_shared>>
      tpu.enqueue_dma source(%dma_start3A_80 : memref<128x64xf32, #tpu.memory_space<vmem_shared>>) target(%arg7 : memref<128x64xf32, #tpu.memory_space<vmem>>) target_semaphore(%run_scoped3A_76 : memref<!tpu.dma_semaphore, #tpu.memory_space<semaphore_mem>>)
      %dma_wait3A = arith.constant 0 : i32
      %dma_wait3A_81 = tpu.memref_slice %arg17[%add3A_65, %dma_wait3A] : memref<10112x64xf32, #tpu.memory_space<vmem_shared>> -> memref<128x64xf32, #tpu.memory_space<vmem_shared>>
      %dma_wait3A_82 = arith.constant 0 : i32
      %dma_wait3A_83 = tpu.memref_slice %arg17[%add3A_65, %dma_wait3A_82] : memref<10112x64xf32, #tpu.memory_space<vmem_shared>> -> memref<128x64xf32, #tpu.memory_space<vmem_shared>>
      tpu.wait_dma2 semaphore(%run_scoped3A_76 : memref<!tpu.dma_semaphore, #tpu.memory_space<semaphore_mem>>) src(%dma_wait3A_83 : memref<128x64xf32, #tpu.memory_space<vmem_shared>>) dst(%arg7 : memref<128x64xf32, #tpu.memory_space<vmem>>)
      tpu.yield
    }) : () -> ()
    %add3A_66 = arith.constant 256 : i32
    %add3A_67 = arith.addi %mul3A_5, %add3A_66 : i32
    "tpu.region"() ({
      %run_scoped3A_76 = tpu.sem_alloc : memref<!tpu.dma_semaphore, #tpu.memory_space<semaphore_mem>>
      %dma_start3A_77 = tpu.memref_slice %arg4[%add3A_67, %mul3A_55] : memref<10112x128xf32, #tpu.memory_space<hbm>> -> memref<128x64xf32, #tpu.memory_space<hbm>>
      %dma_start3A_78 = tpu.memref_slice %arg4[%add3A_67, %mul3A_55] : memref<10112x128xf32, #tpu.memory_space<hbm>> -> memref<128x64xf32, #tpu.memory_space<hbm>>
      tpu.enqueue_dma source(%arg7 : memref<128x64xf32, #tpu.memory_space<vmem>>) target(%dma_start3A_78 : memref<128x64xf32, #tpu.memory_space<hbm>>) target_semaphore(%run_scoped3A_76 : memref<!tpu.dma_semaphore, #tpu.memory_space<semaphore_mem>>)
      %dma_wait3A = tpu.memref_slice %arg4[%add3A_67, %mul3A_55] : memref<10112x128xf32, #tpu.memory_space<hbm>> -> memref<128x64xf32, #tpu.memory_space<hbm>>
      %dma_wait3A_79 = tpu.memref_slice %arg4[%add3A_67, %mul3A_55] : memref<10112x128xf32, #tpu.memory_space<hbm>> -> memref<128x64xf32, #tpu.memory_space<hbm>>
      tpu.wait_dma2 semaphore(%run_scoped3A_76 : memref<!tpu.dma_semaphore, #tpu.memory_space<semaphore_mem>>) src(%arg7 : memref<128x64xf32, #tpu.memory_space<vmem>>) dst(%dma_wait3A_79 : memref<128x64xf32, #tpu.memory_space<hbm>>)
      tpu.yield
    }) : () -> ()
    %add3A_68 = arith.constant 384 : i32
    %add3A_69 = arith.addi %mul3A_5, %add3A_68 : i32
    "tpu.region"() ({
      %run_scoped3A_76 = tpu.sem_alloc : memref<!tpu.dma_semaphore, #tpu.memory_space<semaphore_mem>>
      %dma_start3A_77 = arith.constant 0 : i32
      %dma_start3A_78 = tpu.memref_slice %arg17[%add3A_69, %dma_start3A_77] : memref<10112x64xf32, #tpu.memory_space<vmem_shared>> -> memref<128x64xf32, #tpu.memory_space<vmem_shared>>
      %dma_start3A_79 = arith.constant 0 : i32
      %dma_start3A_80 = tpu.memref_slice %arg17[%add3A_69, %dma_start3A_79] : memref<10112x64xf32, #tpu.memory_space<vmem_shared>> -> memref<128x64xf32, #tpu.memory_space<vmem_shared>>
      tpu.enqueue_dma source(%dma_start3A_80 : memref<128x64xf32, #tpu.memory_space<vmem_shared>>) target(%arg7 : memref<128x64xf32, #tpu.memory_space<vmem>>) target_semaphore(%run_scoped3A_76 : memref<!tpu.dma_semaphore, #tpu.memory_space<semaphore_mem>>)
      %dma_wait3A = arith.constant 0 : i32
      %dma_wait3A_81 = tpu.memref_slice %arg17[%add3A_69, %dma_wait3A] : memref<10112x64xf32, #tpu.memory_space<vmem_shared>> -> memref<128x64xf32, #tpu.memory_space<vmem_shared>>
      %dma_wait3A_82 = arith.constant 0 : i32
      %dma_wait3A_83 = tpu.memref_slice %arg17[%add3A_69, %dma_wait3A_82] : memref<10112x64xf32, #tpu.memory_space<vmem_shared>> -> memref<128x64xf32, #tpu.memory_space<vmem_shared>>
      tpu.wait_dma2 semaphore(%run_scoped3A_76 : memref<!tpu.dma_semaphore, #tpu.memory_space<semaphore_mem>>) src(%dma_wait3A_83 : memref<128x64xf32, #tpu.memory_space<vmem_shared>>) dst(%arg7 : memref<128x64xf32, #tpu.memory_space<vmem>>)
      tpu.yield
    }) : () -> ()
    %add3A_70 = arith.constant 384 : i32
    %add3A_71 = arith.addi %mul3A_5, %add3A_70 : i32
    "tpu.region"() ({
      %run_scoped3A_76 = tpu.sem_alloc : memref<!tpu.dma_semaphore, #tpu.memory_space<semaphore_mem>>
      %dma_start3A_77 = tpu.memref_slice %arg4[%add3A_71, %mul3A_55] : memref<10112x128xf32, #tpu.memory_space<hbm>> -> memref<128x64xf32, #tpu.memory_space<hbm>>
      %dma_start3A_78 = tpu.memref_slice %arg4[%add3A_71, %mul3A_55] : memref<10112x128xf32, #tpu.memory_space<hbm>> -> memref<128x64xf32, #tpu.memory_space<hbm>>
      tpu.enqueue_dma source(%arg7 : memref<128x64xf32, #tpu.memory_space<vmem>>) target(%dma_start3A_78 : memref<128x64xf32, #tpu.memory_space<hbm>>) target_semaphore(%run_scoped3A_76 : memref<!tpu.dma_semaphore, #tpu.memory_space<semaphore_mem>>)
      %dma_wait3A = tpu.memref_slice %arg4[%add3A_71, %mul3A_55] : memref<10112x128xf32, #tpu.memory_space<hbm>> -> memref<128x64xf32, #tpu.memory_space<hbm>>
      %dma_wait3A_79 = tpu.memref_slice %arg4[%add3A_71, %mul3A_55] : memref<10112x128xf32, #tpu.memory_space<hbm>> -> memref<128x64xf32, #tpu.memory_space<hbm>>
      tpu.wait_dma2 semaphore(%run_scoped3A_76 : memref<!tpu.dma_semaphore, #tpu.memory_space<semaphore_mem>>) src(%arg7 : memref<128x64xf32, #tpu.memory_space<vmem>>) dst(%dma_wait3A_79 : memref<128x64xf32, #tpu.memory_space<hbm>>)
      tpu.yield
    }) : () -> ()
    %add3A_72 = arith.constant 512 : i32
    %add3A_73 = arith.addi %mul3A_5, %add3A_72 : i32
    "tpu.region"() ({
      %run_scoped3A_76 = tpu.sem_alloc : memref<!tpu.dma_semaphore, #tpu.memory_space<semaphore_mem>>
      %dma_start3A_77 = arith.constant 0 : i32
      %dma_start3A_78 = arith.constant 0 : i32
      %dma_start3A_79 = tpu.memref_slice %arg7[%dma_start3A_77, %dma_start3A_78] : memref<128x64xf32, #tpu.memory_space<vmem>> -> memref<120x64xf32, #tpu.memory_space<vmem>>
      %dma_start3A_80 = arith.constant 0 : i32
      %dma_start3A_81 = tpu.memref_slice %arg17[%add3A_73, %dma_start3A_80] : memref<10112x64xf32, #tpu.memory_space<vmem_shared>> -> memref<120x64xf32, #tpu.memory_space<vmem_shared>>
      %dma_start3A_82 = arith.constant 0 : i32
      %dma_start3A_83 = arith.constant 0 : i32
      %dma_start3A_84 = tpu.memref_slice %arg7[%dma_start3A_82, %dma_start3A_83] : memref<128x64xf32, #tpu.memory_space<vmem>> -> memref<120x64xf32, #tpu.memory_space<vmem>>
      %dma_start3A_85 = arith.constant 0 : i32
      %dma_start3A_86 = tpu.memref_slice %arg17[%add3A_73, %dma_start3A_85] : memref<10112x64xf32, #tpu.memory_space<vmem_shared>> -> memref<120x64xf32, #tpu.memory_space<vmem_shared>>
      tpu.enqueue_dma source(%dma_start3A_86 : memref<120x64xf32, #tpu.memory_space<vmem_shared>>) target(%dma_start3A_84 : memref<120x64xf32, #tpu.memory_space<vmem>>) target_semaphore(%run_scoped3A_76 : memref<!tpu.dma_semaphore, #tpu.memory_space<semaphore_mem>>)
      %dma_wait3A = arith.constant 0 : i32
      %dma_wait3A_87 = arith.constant 0 : i32
      %dma_wait3A_88 = tpu.memref_slice %arg7[%dma_wait3A, %dma_wait3A_87] : memref<128x64xf32, #tpu.memory_space<vmem>> -> memref<120x64xf32, #tpu.memory_space<vmem>>
      %dma_wait3A_89 = arith.constant 0 : i32
      %dma_wait3A_90 = tpu.memref_slice %arg17[%add3A_73, %dma_wait3A_89] : memref<10112x64xf32, #tpu.memory_space<vmem_shared>> -> memref<120x64xf32, #tpu.memory_space<vmem_shared>>
      %dma_wait3A_91 = arith.constant 0 : i32
      %dma_wait3A_92 = arith.constant 0 : i32
      %dma_wait3A_93 = tpu.memref_slice %arg7[%dma_wait3A_91, %dma_wait3A_92] : memref<128x64xf32, #tpu.memory_space<vmem>> -> memref<120x64xf32, #tpu.memory_space<vmem>>
      %dma_wait3A_94 = arith.constant 0 : i32
      %dma_wait3A_95 = tpu.memref_slice %arg17[%add3A_73, %dma_wait3A_94] : memref<10112x64xf32, #tpu.memory_space<vmem_shared>> -> memref<120x64xf32, #tpu.memory_space<vmem_shared>>
      tpu.wait_dma2 semaphore(%run_scoped3A_76 : memref<!tpu.dma_semaphore, #tpu.memory_space<semaphore_mem>>) src(%dma_wait3A_95 : memref<120x64xf32, #tpu.memory_space<vmem_shared>>) dst(%dma_wait3A_93 : memref<120x64xf32, #tpu.memory_space<vmem>>)
      tpu.yield
    }) : () -> ()
    %add3A_74 = arith.constant 512 : i32
    %add3A_75 = arith.addi %mul3A_5, %add3A_74 : i32
    "tpu.region"() ({
      %run_scoped3A_76 = tpu.sem_alloc : memref<!tpu.dma_semaphore, #tpu.memory_space<semaphore_mem>>
      %dma_start3A_77 = arith.constant 0 : i32
      %dma_start3A_78 = arith.constant 0 : i32
      %dma_start3A_79 = tpu.memref_slice %arg7[%dma_start3A_77, %dma_start3A_78] : memref<128x64xf32, #tpu.memory_space<vmem>> -> memref<120x64xf32, #tpu.memory_space<vmem>>
      %dma_start3A_80 = tpu.memref_slice %arg4[%add3A_75, %mul3A_55] : memref<10112x128xf32, #tpu.memory_space<hbm>> -> memref<120x64xf32, #tpu.memory_space<hbm>>
      %dma_start3A_81 = tpu.memref_slice %arg4[%add3A_75, %mul3A_55] : memref<10112x128xf32, #tpu.memory_space<hbm>> -> memref<120x64xf32, #tpu.memory_space<hbm>>
      %dma_start3A_82 = arith.constant 0 : i32
      %dma_start3A_83 = arith.constant 0 : i32
      %dma_start3A_84 = tpu.memref_slice %arg7[%dma_start3A_82, %dma_start3A_83] : memref<128x64xf32, #tpu.memory_space<vmem>> -> memref<120x64xf32, #tpu.memory_space<vmem>>
      tpu.enqueue_dma source(%dma_start3A_84 : memref<120x64xf32, #tpu.memory_space<vmem>>) target(%dma_start3A_81 : memref<120x64xf32, #tpu.memory_space<hbm>>) target_semaphore(%run_scoped3A_76 : memref<!tpu.dma_semaphore, #tpu.memory_space<semaphore_mem>>)
      %dma_wait3A = arith.constant 0 : i32
      %dma_wait3A_85 = arith.constant 0 : i32
      %dma_wait3A_86 = tpu.memref_slice %arg7[%dma_wait3A, %dma_wait3A_85] : memref<128x64xf32, #tpu.memory_space<vmem>> -> memref<120x64xf32, #tpu.memory_space<vmem>>
      %dma_wait3A_87 = tpu.memref_slice %arg4[%add3A_75, %mul3A_55] : memref<10112x128xf32, #tpu.memory_space<hbm>> -> memref<120x64xf32, #tpu.memory_space<hbm>>
      %dma_wait3A_88 = tpu.memref_slice %arg4[%add3A_75, %mul3A_55] : memref<10112x128xf32, #tpu.memory_space<hbm>> -> memref<120x64xf32, #tpu.memory_space<hbm>>
      %dma_wait3A_89 = arith.constant 0 : i32
      %dma_wait3A_90 = arith.constant 0 : i32
      %dma_wait3A_91 = tpu.memref_slice %arg7[%dma_wait3A_89, %dma_wait3A_90] : memref<128x64xf32, #tpu.memory_space<vmem>> -> memref<120x64xf32, #tpu.memory_space<vmem>>
      tpu.wait_dma2 semaphore(%run_scoped3A_76 : memref<!tpu.dma_semaphore, #tpu.memory_space<semaphore_mem>>) src(%dma_wait3A_91 : memref<120x64xf32, #tpu.memory_space<vmem>>) dst(%dma_wait3A_88 : memref<120x64xf32, #tpu.memory_space<hbm>>)
      tpu.yield
    }) : () -> ()
    return
  }
}

#map = affine_map<(d0, d1) -> (0, 0, 0, 0)>
#map1 = affine_map<(d0, d1) -> (0, 0)>
module attributes {stable_mosaic.version = 14 : i64} {
  func.func @_deg_kernel(%arg0: i32, %arg1: i32, %arg2: memref<2x16x160x128xi32, #tpu.memory_space<hbm>>, %arg3: memref<2x10240xf32, #tpu.memory_space<hbm>>, %arg4: memref<160x128xi32, #tpu.memory_space<vmem>>, %arg5: memref<128xf32, #tpu.memory_space<vmem>>, %arg6: memref<640xf32, #tpu.memory_space<vmem>>, %arg7: memref<10240xf32, #tpu.memory_space<vmem_shared>>) attributes {dimension_semantics = [#tpu.dimension_semantics<core_parallel>, #tpu.dimension_semantics<subcore_parallel>], iteration_bounds = array<i64: 2, 16>, scalar_prefetch = 0 : i64, scratch_operands = 4 : i64, tpu.core_type = #tpu.core_type<sc_vector_subcore>, window_params = [{transform_indices = #map}, {transform_indices = #map1}]} {
    %broadcast_in_dim3A = arith.constant 1.000000e+00 : f32
    %broadcast_in_dim3A_0 = vector.broadcast %broadcast_in_dim3A : f32 to vector<16xf32>
    %broadcast_in_dim3A_1 = arith.constant 0.000000e+00 : f32
    %broadcast_in_dim3A_2 = vector.broadcast %broadcast_in_dim3A_1 : f32 to vector<16xf32>
    %swap3A = arith.constant 0 : index
    %swap3A_3 = tpu.vector_load %arg5[%swap3A] {strides = array<i32>} : memref<128xf32, #tpu.memory_space<vmem>>, vector<16xf32>,
    %swap3A_4 = vector.shape_cast %swap3A_3 : vector<16xf32> to vector<16xf32>
    %swap3A_5 = vector.shape_cast %broadcast_in_dim3A_0 : vector<16xf32> to vector<16xf32>
    tpu.vector_store %arg5[%swap3A], %swap3A_5 {strides = array<i32>} : memref<128xf32, #tpu.memory_space<vmem>>, vector<16xf32>,
    %swap3A_6 = arith.constant 16 : index
    %swap3A_7 = tpu.vector_load %arg5[%swap3A_6] {strides = array<i32>} : memref<128xf32, #tpu.memory_space<vmem>>, vector<16xf32>,
    %swap3A_8 = vector.shape_cast %swap3A_7 : vector<16xf32> to vector<16xf32>
    %swap3A_9 = vector.shape_cast %broadcast_in_dim3A_0 : vector<16xf32> to vector<16xf32>
    tpu.vector_store %arg5[%swap3A_6], %swap3A_9 {strides = array<i32>} : memref<128xf32, #tpu.memory_space<vmem>>, vector<16xf32>,
    %swap3A_10 = arith.constant 32 : index
    %swap3A_11 = tpu.vector_load %arg5[%swap3A_10] {strides = array<i32>} : memref<128xf32, #tpu.memory_space<vmem>>, vector<16xf32>,
    %swap3A_12 = vector.shape_cast %swap3A_11 : vector<16xf32> to vector<16xf32>
    %swap3A_13 = vector.shape_cast %broadcast_in_dim3A_0 : vector<16xf32> to vector<16xf32>
    tpu.vector_store %arg5[%swap3A_10], %swap3A_13 {strides = array<i32>} : memref<128xf32, #tpu.memory_space<vmem>>, vector<16xf32>,
    %swap3A_14 = arith.constant 48 : index
    %swap3A_15 = tpu.vector_load %arg5[%swap3A_14] {strides = array<i32>} : memref<128xf32, #tpu.memory_space<vmem>>, vector<16xf32>,
    %swap3A_16 = vector.shape_cast %swap3A_15 : vector<16xf32> to vector<16xf32>
    %swap3A_17 = vector.shape_cast %broadcast_in_dim3A_0 : vector<16xf32> to vector<16xf32>
    tpu.vector_store %arg5[%swap3A_14], %swap3A_17 {strides = array<i32>} : memref<128xf32, #tpu.memory_space<vmem>>, vector<16xf32>,
    %swap3A_18 = arith.constant 64 : index
    %swap3A_19 = tpu.vector_load %arg5[%swap3A_18] {strides = array<i32>} : memref<128xf32, #tpu.memory_space<vmem>>, vector<16xf32>,
    %swap3A_20 = vector.shape_cast %swap3A_19 : vector<16xf32> to vector<16xf32>
    %swap3A_21 = vector.shape_cast %broadcast_in_dim3A_0 : vector<16xf32> to vector<16xf32>
    tpu.vector_store %arg5[%swap3A_18], %swap3A_21 {strides = array<i32>} : memref<128xf32, #tpu.memory_space<vmem>>, vector<16xf32>,
    %swap3A_22 = arith.constant 80 : index
    %swap3A_23 = tpu.vector_load %arg5[%swap3A_22] {strides = array<i32>} : memref<128xf32, #tpu.memory_space<vmem>>, vector<16xf32>,
    %swap3A_24 = vector.shape_cast %swap3A_23 : vector<16xf32> to vector<16xf32>
    %swap3A_25 = vector.shape_cast %broadcast_in_dim3A_0 : vector<16xf32> to vector<16xf32>
    tpu.vector_store %arg5[%swap3A_22], %swap3A_25 {strides = array<i32>} : memref<128xf32, #tpu.memory_space<vmem>>, vector<16xf32>,
    %swap3A_26 = arith.constant 96 : index
    %swap3A_27 = tpu.vector_load %arg5[%swap3A_26] {strides = array<i32>} : memref<128xf32, #tpu.memory_space<vmem>>, vector<16xf32>,
    %swap3A_28 = vector.shape_cast %swap3A_27 : vector<16xf32> to vector<16xf32>
    %swap3A_29 = vector.shape_cast %broadcast_in_dim3A_0 : vector<16xf32> to vector<16xf32>
    tpu.vector_store %arg5[%swap3A_26], %swap3A_29 {strides = array<i32>} : memref<128xf32, #tpu.memory_space<vmem>>, vector<16xf32>,
    %swap3A_30 = arith.constant 112 : index
    %swap3A_31 = tpu.vector_load %arg5[%swap3A_30] {strides = array<i32>} : memref<128xf32, #tpu.memory_space<vmem>>, vector<16xf32>,
    %swap3A_32 = vector.shape_cast %swap3A_31 : vector<16xf32> to vector<16xf32>
    %swap3A_33 = vector.shape_cast %broadcast_in_dim3A_0 : vector<16xf32> to vector<16xf32>
    tpu.vector_store %arg5[%swap3A_30], %swap3A_33 {strides = array<i32>} : memref<128xf32, #tpu.memory_space<vmem>>, vector<16xf32>,
    %scan3A = arith.constant 0 : i32
    %scan3A_34 = arith.constant 40 : i32
    %scan3A_35 = arith.addi %scan3A, %scan3A_34 : i32
    %scan3A_36 = arith.constant 1 : i32
    scf.for %scan3A_49 = %scan3A to %scan3A_35 step %scan3A_36  : i32 {
      %mul3A_50 = arith.constant 1 : i32
      %mul3A_51 = arith.muli %scan3A_49, %mul3A_50 : i32
      %add3A = arith.constant 0 : i32
      %add3A_52 = arith.addi %add3A, %mul3A_51 : i32
      %mul3A_53 = arith.constant 16 : i32
      %mul3A_54 = arith.muli %add3A_52, %mul3A_53 : i32
      %swap3A_55 = arith.index_cast %mul3A_54 : i32 to index
      %swap3A_56 = tpu.vector_load %arg6[%swap3A_55] {strides = array<i32>} : memref<640xf32, #tpu.memory_space<vmem>>, vector<16xf32>,
      %swap3A_57 = vector.shape_cast %swap3A_56 : vector<16xf32> to vector<16xf32>
      %swap3A_58 = vector.shape_cast %broadcast_in_dim3A_2 : vector<16xf32> to vector<16xf32>
      tpu.vector_store %arg6[%swap3A_55], %swap3A_58 {strides = array<i32>} : memref<640xf32, #tpu.memory_space<vmem>>, vector<16xf32>,
    }
    %scan3A_37 = arith.constant 40 : i32
    %mul3A = arith.constant 640 : i32
    %mul3A_38 = arith.muli %arg1, %mul3A : i32
    "tpu.region"() ({
      %run_scoped3A = tpu.sem_alloc : memref<!tpu.dma_semaphore, #tpu.memory_space<semaphore_mem>>
      %dma_start3A = tpu.memref_slice %arg7[%mul3A_38] : memref<10240xf32, #tpu.memory_space<vmem_shared>> -> memref<640xf32, #tpu.memory_space<vmem_shared>>
      %dma_start3A_49 = tpu.memref_slice %arg7[%mul3A_38] : memref<10240xf32, #tpu.memory_space<vmem_shared>> -> memref<640xf32, #tpu.memory_space<vmem_shared>>
      tpu.enqueue_dma source(%arg6 : memref<640xf32, #tpu.memory_space<vmem>>) target(%dma_start3A_49 : memref<640xf32, #tpu.memory_space<vmem_shared>>) target_semaphore(%run_scoped3A : memref<!tpu.dma_semaphore, #tpu.memory_space<semaphore_mem>>)
      %dma_wait3A = tpu.memref_slice %arg7[%mul3A_38] : memref<10240xf32, #tpu.memory_space<vmem_shared>> -> memref<640xf32, #tpu.memory_space<vmem_shared>>
      %dma_wait3A_50 = tpu.memref_slice %arg7[%mul3A_38] : memref<10240xf32, #tpu.memory_space<vmem_shared>> -> memref<640xf32, #tpu.memory_space<vmem_shared>>
      tpu.wait_dma2 semaphore(%run_scoped3A : memref<!tpu.dma_semaphore, #tpu.memory_space<semaphore_mem>>) src(%arg6 : memref<640xf32, #tpu.memory_space<vmem>>) dst(%dma_wait3A_50 : memref<640xf32, #tpu.memory_space<vmem_shared>>)
      tpu.yield
    }) : () -> ()
    "tpu.region"() ({
      %run_scoped3A = tpu.sem_alloc : memref<!tpu.dma_semaphore, #tpu.memory_space<semaphore_mem>>
      %dma_start3A = arith.constant 0 : i32
      %dma_start3A_49 = arith.constant 0 : i32
      %dma_start3A_50 = tpu.memref_slice %arg2[%arg0, %arg1, %dma_start3A, %dma_start3A_49] : memref<2x16x160x128xi32, #tpu.memory_space<hbm>> -> memref<1x1x160x128xi32, #tpu.memory_space<hbm>>
      %dma_start3A_51 = tpu.memref_squeeze %dma_start3A_50 : memref<1x1x160x128xi32, #tpu.memory_space<hbm>> -> memref<160x128xi32, #tpu.memory_space<hbm>>
      %dma_start3A_52 = arith.constant 0 : i32
      %dma_start3A_53 = arith.constant 0 : i32
      %dma_start3A_54 = tpu.memref_slice %arg2[%arg0, %arg1, %dma_start3A_52, %dma_start3A_53] : memref<2x16x160x128xi32, #tpu.memory_space<hbm>> -> memref<1x1x160x128xi32, #tpu.memory_space<hbm>>
      %dma_start3A_55 = tpu.memref_squeeze %dma_start3A_54 : memref<1x1x160x128xi32, #tpu.memory_space<hbm>> -> memref<160x128xi32, #tpu.memory_space<hbm>>
      tpu.enqueue_dma source(%dma_start3A_55 : memref<160x128xi32, #tpu.memory_space<hbm>>) target(%arg4 : memref<160x128xi32, #tpu.memory_space<vmem>>) target_semaphore(%run_scoped3A : memref<!tpu.dma_semaphore, #tpu.memory_space<semaphore_mem>>)
      %dma_wait3A = arith.constant 0 : i32
      %dma_wait3A_56 = arith.constant 0 : i32
      %dma_wait3A_57 = tpu.memref_slice %arg2[%arg0, %arg1, %dma_wait3A, %dma_wait3A_56] : memref<2x16x160x128xi32, #tpu.memory_space<hbm>> -> memref<1x1x160x128xi32, #tpu.memory_space<hbm>>
      %dma_wait3A_58 = tpu.memref_squeeze %dma_wait3A_57 : memref<1x1x160x128xi32, #tpu.memory_space<hbm>> -> memref<160x128xi32, #tpu.memory_space<hbm>>
      %dma_wait3A_59 = arith.constant 0 : i32
      %dma_wait3A_60 = arith.constant 0 : i32
      %dma_wait3A_61 = tpu.memref_slice %arg2[%arg0, %arg1, %dma_wait3A_59, %dma_wait3A_60] : memref<2x16x160x128xi32, #tpu.memory_space<hbm>> -> memref<1x1x160x128xi32, #tpu.memory_space<hbm>>
      %dma_wait3A_62 = tpu.memref_squeeze %dma_wait3A_61 : memref<1x1x160x128xi32, #tpu.memory_space<hbm>> -> memref<160x128xi32, #tpu.memory_space<hbm>>
      tpu.wait_dma2 semaphore(%run_scoped3A : memref<!tpu.dma_semaphore, #tpu.memory_space<semaphore_mem>>) src(%dma_wait3A_62 : memref<160x128xi32, #tpu.memory_space<hbm>>) dst(%arg4 : memref<160x128xi32, #tpu.memory_space<vmem>>)
      tpu.yield
    }) : () -> ()
    %barrier3A = arith.constant 0 : index
    tpu.barrier barrier_id(%barrier3A)
    %scan3A_39 = arith.constant 0 : i32
    %scan3A_40 = arith.constant 160 : i32
    %scan3A_41 = arith.addi %scan3A_39, %scan3A_40 : i32
    %scan3A_42 = arith.constant 1 : i32
    scf.for %scan3A_49 = %scan3A_39 to %scan3A_41 step %scan3A_42  : i32 {
      %mul3A_50 = arith.constant 1 : i32
      %mul3A_51 = arith.muli %scan3A_49, %mul3A_50 : i32
      %add3A = arith.constant 0 : i32
      %add3A_52 = arith.addi %add3A, %mul3A_51 : i32
      "tpu.region"() ({
        %run_scoped3A = tpu.sem_alloc : memref<!tpu.dma_semaphore, #tpu.memory_space<semaphore_mem>>
        %dma_start3A = arith.constant 0 : i32
        %dma_start3A_53 = tpu.memref_slice %arg4[%add3A_52, %dma_start3A] : memref<160x128xi32, #tpu.memory_space<vmem>> -> memref<1x128xi32, #tpu.memory_space<vmem>>
        %dma_start3A_54 = tpu.memref_squeeze %dma_start3A_53 : memref<1x128xi32, #tpu.memory_space<vmem>> -> memref<128xi32, #tpu.memory_space<vmem>>
        %dma_start3A_55 = arith.constant 0 : i32
        %dma_start3A_56 = tpu.memref_slice %arg7[%dma_start3A_55] : memref<10240xf32, #tpu.memory_space<vmem_shared>> -> memref<10240xf32, #tpu.memory_space<vmem_shared>>
        tpu.enqueue_indirect_dma source(%arg5 : memref<128xf32, #tpu.memory_space<vmem>>) target(%dma_start3A_56 : memref<10240xf32, #tpu.memory_space<vmem_shared>>) offsets(%dma_start3A_54 : memref<128xi32, #tpu.memory_space<vmem>>) semaphore(%run_scoped3A : memref<!tpu.dma_semaphore, #tpu.memory_space<semaphore_mem>>) {add = true}
        %dma_wait3A = arith.constant 0 : i32
        %dma_wait3A_57 = tpu.memref_slice %arg4[%add3A_52, %dma_wait3A] : memref<160x128xi32, #tpu.memory_space<vmem>> -> memref<1x128xi32, #tpu.memory_space<vmem>>
        %dma_wait3A_58 = tpu.memref_squeeze %dma_wait3A_57 : memref<1x128xi32, #tpu.memory_space<vmem>> -> memref<128xi32, #tpu.memory_space<vmem>>
        %dma_wait3A_59 = arith.constant 0 : i32
        %dma_wait3A_60 = tpu.memref_slice %arg7[%dma_wait3A_59] : memref<10240xf32, #tpu.memory_space<vmem_shared>> -> memref<10240xf32, #tpu.memory_space<vmem_shared>>
        tpu.wait_indirect_dma semaphore(%run_scoped3A : memref<!tpu.dma_semaphore, #tpu.memory_space<semaphore_mem>>) src(%arg5 : memref<128xf32, #tpu.memory_space<vmem>>) dst(%dma_wait3A_60 : memref<10240xf32, #tpu.memory_space<vmem_shared>>)
        tpu.yield
      }) : () -> ()
    }
    %scan3A_43 = arith.constant 160 : i32
    %barrier3A_44 = arith.constant 0 : index
    tpu.barrier barrier_id(%barrier3A_44)
    %mul3A_45 = arith.constant 640 : i32
    %mul3A_46 = arith.muli %arg1, %mul3A_45 : i32
    "tpu.region"() ({
      %run_scoped3A = tpu.sem_alloc : memref<!tpu.dma_semaphore, #tpu.memory_space<semaphore_mem>>
      %dma_start3A = tpu.memref_slice %arg7[%mul3A_46] : memref<10240xf32, #tpu.memory_space<vmem_shared>> -> memref<640xf32, #tpu.memory_space<vmem_shared>>
      %dma_start3A_49 = tpu.memref_slice %arg7[%mul3A_46] : memref<10240xf32, #tpu.memory_space<vmem_shared>> -> memref<640xf32, #tpu.memory_space<vmem_shared>>
      tpu.enqueue_dma source(%dma_start3A_49 : memref<640xf32, #tpu.memory_space<vmem_shared>>) target(%arg6 : memref<640xf32, #tpu.memory_space<vmem>>) target_semaphore(%run_scoped3A : memref<!tpu.dma_semaphore, #tpu.memory_space<semaphore_mem>>)
      %dma_wait3A = tpu.memref_slice %arg7[%mul3A_46] : memref<10240xf32, #tpu.memory_space<vmem_shared>> -> memref<640xf32, #tpu.memory_space<vmem_shared>>
      %dma_wait3A_50 = tpu.memref_slice %arg7[%mul3A_46] : memref<10240xf32, #tpu.memory_space<vmem_shared>> -> memref<640xf32, #tpu.memory_space<vmem_shared>>
      tpu.wait_dma2 semaphore(%run_scoped3A : memref<!tpu.dma_semaphore, #tpu.memory_space<semaphore_mem>>) src(%dma_wait3A_50 : memref<640xf32, #tpu.memory_space<vmem_shared>>) dst(%arg6 : memref<640xf32, #tpu.memory_space<vmem>>)
      tpu.yield
    }) : () -> ()
    %mul3A_47 = arith.constant 640 : i32
    %mul3A_48 = arith.muli %arg1, %mul3A_47 : i32
    "tpu.region"() ({
      %run_scoped3A = tpu.sem_alloc : memref<!tpu.dma_semaphore, #tpu.memory_space<semaphore_mem>>
      %dma_start3A = tpu.memref_slice %arg3[%arg0, %mul3A_48] : memref<2x10240xf32, #tpu.memory_space<hbm>> -> memref<1x640xf32, #tpu.memory_space<hbm>>
      %dma_start3A_49 = tpu.memref_squeeze %dma_start3A : memref<1x640xf32, #tpu.memory_space<hbm>> -> memref<640xf32, #tpu.memory_space<hbm>>
      %dma_start3A_50 = tpu.memref_slice %arg3[%arg0, %mul3A_48] : memref<2x10240xf32, #tpu.memory_space<hbm>> -> memref<1x640xf32, #tpu.memory_space<hbm>>
      %dma_start3A_51 = tpu.memref_squeeze %dma_start3A_50 : memref<1x640xf32, #tpu.memory_space<hbm>> -> memref<640xf32, #tpu.memory_space<hbm>>
      tpu.enqueue_dma source(%arg6 : memref<640xf32, #tpu.memory_space<vmem>>) target(%dma_start3A_51 : memref<640xf32, #tpu.memory_space<hbm>>) target_semaphore(%run_scoped3A : memref<!tpu.dma_semaphore, #tpu.memory_space<semaphore_mem>>)
      %dma_wait3A = tpu.memref_slice %arg3[%arg0, %mul3A_48] : memref<2x10240xf32, #tpu.memory_space<hbm>> -> memref<1x640xf32, #tpu.memory_space<hbm>>
      %dma_wait3A_52 = tpu.memref_squeeze %dma_wait3A : memref<1x640xf32, #tpu.memory_space<hbm>> -> memref<640xf32, #tpu.memory_space<hbm>>
      %dma_wait3A_53 = tpu.memref_slice %arg3[%arg0, %mul3A_48] : memref<2x10240xf32, #tpu.memory_space<hbm>> -> memref<1x640xf32, #tpu.memory_space<hbm>>
      %dma_wait3A_54 = tpu.memref_squeeze %dma_wait3A_53 : memref<1x640xf32, #tpu.memory_space<hbm>> -> memref<640xf32, #tpu.memory_space<hbm>>
      tpu.wait_dma2 semaphore(%run_scoped3A : memref<!tpu.dma_semaphore, #tpu.memory_space<semaphore_mem>>) src(%arg6 : memref<640xf32, #tpu.memory_space<vmem>>) dst(%dma_wait3A_54 : memref<640xf32, #tpu.memory_space<hbm>>)
      tpu.yield
    }) : () -> ()
    return
  }
}

#map = affine_map<(d0, d1) -> (0, 0)>
#map1 = affine_map<(d0, d1) -> (0, 0, 0, 0)>
module attributes {stable_mosaic.version = 14 : i64} {
  func.func @_prop_kernel(%arg0: i32, %arg1: i32, %arg2: memref<20000x64xf32, #tpu.memory_space<hbm>>, %arg3: memref<2x16x160x128xi32, #tpu.memory_space<hbm>>, %arg4: memref<10112x128xf32, #tpu.memory_space<hbm>>, %arg5: memref<160x128xi32, #tpu.memory_space<vmem>>, %arg6: memref<160x128xi32, #tpu.memory_space<vmem>>, %arg7: memref<128x64xf32, #tpu.memory_space<vmem>>, %arg8: memref<128x64xf32, #tpu.memory_space<vmem>>, %arg9: memref<128x64xf32, #tpu.memory_space<vmem>>, %arg10: memref<128x64xf32, #tpu.memory_space<vmem>>, %arg11: memref<128x64xf32, #tpu.memory_space<vmem>>, %arg12: memref<!tpu.dma_semaphore, #tpu.memory_space<semaphore_mem>>, %arg13: memref<!tpu.dma_semaphore, #tpu.memory_space<semaphore_mem>>, %arg14: memref<!tpu.dma_semaphore, #tpu.memory_space<semaphore_mem>>, %arg15: memref<!tpu.dma_semaphore, #tpu.memory_space<semaphore_mem>>, %arg16: memref<!tpu.dma_semaphore, #tpu.memory_space<semaphore_mem>>, %arg17: memref<10112x64xf32, #tpu.memory_space<vmem_shared>>) attributes {dimension_semantics = [#tpu.dimension_semantics<core_parallel>, #tpu.dimension_semantics<subcore_parallel>], iteration_bounds = array<i64: 2, 16>, scalar_prefetch = 0 : i64, scratch_operands = 13 : i64, tpu.core_type = #tpu.core_type<sc_vector_subcore>, window_params = [{transform_indices = #map}, {transform_indices = #map1}, {transform_indices = #map}]} {
    %broadcast_in_dim3A = arith.constant 0.000000e+00 : f32
    %broadcast_in_dim3A_0 = vector.broadcast %broadcast_in_dim3A : f32 to vector<16xf32>
    %scan3A = arith.constant 0 : i32
    %scan3A_1 = arith.constant 128 : i32
    %scan3A_2 = arith.addi %scan3A, %scan3A_1 : i32
    %scan3A_3 = arith.constant 1 : i32
    scf.for %scan3A_76 = %scan3A to %scan3A_2 step %scan3A_3  : i32 {
      %mul3A_77 = arith.constant 1 : i32
      %mul3A_78 = arith.muli %scan3A_76, %mul3A_77 : i32
      %add3A_79 = arith.constant 0 : i32
      %add3A_80 = arith.addi %add3A_79, %mul3A_78 : i32
      %swap3A = arith.index_cast %add3A_80 : i32 to index
      %swap3A_81 = arith.constant 0 : index
      %swap3A_82 = tpu.vector_load %arg7[%swap3A, %swap3A_81] {strides = array<i32>} : memref<128x64xf32, #tpu.memory_space<vmem>>, vector<1x16xf32>,
      %swap3A_83 = vector.shape_cast %swap3A_82 : vector<1x16xf32> to vector<16xf32>
      %swap3A_84 = vector.shape_cast %broadcast_in_dim3A_0 : vector<16xf32> to vector<1x16xf32>
      tpu.vector_store %arg7[%swap3A, %swap3A_81], %swap3A_84 {strides = array<i32>} : memref<128x64xf32, #tpu.memory_space<vmem>>, vector<1x16xf32>,
      %swap3A_85 = arith.index_cast %add3A_80 : i32 to index
      %swap3A_86 = arith.constant 16 : index
      %swap3A_87 = tpu.vector_load %arg7[%swap3A_85, %swap3A_86] {strides = array<i32>} : memref<128x64xf32, #tpu.memory_space<vmem>>, vector<1x16xf32>,
      %swap3A_88 = vector.shape_cast %swap3A_87 : vector<1x16xf32> to vector<16xf32>
      %swap3A_89 = vector.shape_cast %broadcast_in_dim3A_0 : vector<16xf32> to vector<1x16xf32>
      tpu.vector_store %arg7[%swap3A_85, %swap3A_86], %swap3A_89 {strides = array<i32>} : memref<128x64xf32, #tpu.memory_space<vmem>>, vector<1x16xf32>,
      %swap3A_90 = arith.index_cast %add3A_80 : i32 to index
      %swap3A_91 = arith.constant 32 : index
      %swap3A_92 = tpu.vector_load %arg7[%swap3A_90, %swap3A_91] {strides = array<i32>} : memref<128x64xf32, #tpu.memory_space<vmem>>, vector<1x16xf32>,
      %swap3A_93 = vector.shape_cast %swap3A_92 : vector<1x16xf32> to vector<16xf32>
      %swap3A_94 = vector.shape_cast %broadcast_in_dim3A_0 : vector<16xf32> to vector<1x16xf32>
      tpu.vector_store %arg7[%swap3A_90, %swap3A_91], %swap3A_94 {strides = array<i32>} : memref<128x64xf32, #tpu.memory_space<vmem>>, vector<1x16xf32>,
      %swap3A_95 = arith.index_cast %add3A_80 : i32 to index
      %swap3A_96 = arith.constant 48 : index
      %swap3A_97 = tpu.vector_load %arg7[%swap3A_95, %swap3A_96] {strides = array<i32>} : memref<128x64xf32, #tpu.memory_space<vmem>>, vector<1x16xf32>,
      %swap3A_98 = vector.shape_cast %swap3A_97 : vector<1x16xf32> to vector<16xf32>
      %swap3A_99 = vector.shape_cast %broadcast_in_dim3A_0 : vector<16xf32> to vector<1x16xf32>
      tpu.vector_store %arg7[%swap3A_95, %swap3A_96], %swap3A_99 {strides = array<i32>} : memref<128x64xf32, #tpu.memory_space<vmem>>, vector<1x16xf32>,
    }
    %scan3A_4 = arith.constant 128 : i32
    %mul3A = arith.constant 632 : i32
    %mul3A_5 = arith.muli %arg1, %mul3A : i32
    %add3A = arith.constant 0 : i32
    %add3A_6 = arith.addi %mul3A_5, %add3A : i32
    "tpu.region"() ({
      %run_scoped3A_76 = tpu.sem_alloc : memref<!tpu.dma_semaphore, #tpu.memory_space<semaphore_mem>>
      %dma_start3A_77 = arith.constant 0 : i32
      %dma_start3A_78 = tpu.memref_slice %arg17[%add3A_6, %dma_start3A_77] : memref<10112x64xf32, #tpu.memory_space<vmem_shared>> -> memref<128x64xf32, #tpu.memory_space<vmem_shared>>
      %dma_start3A_79 = arith.constant 0 : i32
      %dma_start3A_80 = tpu.memref_slice %arg17[%add3A_6, %dma_start3A_79] : memref<10112x64xf32, #tpu.memory_space<vmem_shared>> -> memref<128x64xf32, #tpu.memory_space<vmem_shared>>
      tpu.enqueue_dma source(%arg7 : memref<128x64xf32, #tpu.memory_space<vmem>>) target(%dma_start3A_80 : memref<128x64xf32, #tpu.memory_space<vmem_shared>>) target_semaphore(%run_scoped3A_76 : memref<!tpu.dma_semaphore, #tpu.memory_space<semaphore_mem>>)
      %dma_wait3A = arith.constant 0 : i32
      %dma_wait3A_81 = tpu.memref_slice %arg17[%add3A_6, %dma_wait3A] : memref<10112x64xf32, #tpu.memory_space<vmem_shared>> -> memref<128x64xf32, #tpu.memory_space<vmem_shared>>
      %dma_wait3A_82 = arith.constant 0 : i32
      %dma_wait3A_83 = tpu.memref_slice %arg17[%add3A_6, %dma_wait3A_82] : memref<10112x64xf32, #tpu.memory_space<vmem_shared>> -> memref<128x64xf32, #tpu.memory_space<vmem_shared>>
      tpu.wait_dma2 semaphore(%run_scoped3A_76 : memref<!tpu.dma_semaphore, #tpu.memory_space<semaphore_mem>>) src(%arg7 : memref<128x64xf32, #tpu.memory_space<vmem>>) dst(%dma_wait3A_83 : memref<128x64xf32, #tpu.memory_space<vmem_shared>>)
      tpu.yield
    }) : () -> ()
    %add3A_7 = arith.constant 128 : i32
    %add3A_8 = arith.addi %mul3A_5, %add3A_7 : i32
    "tpu.region"() ({
      %run_scoped3A_76 = tpu.sem_alloc : memref<!tpu.dma_semaphore, #tpu.memory_space<semaphore_mem>>
      %dma_start3A_77 = arith.constant 0 : i32
      %dma_start3A_78 = tpu.memref_slice %arg17[%add3A_8, %dma_start3A_77] : memref<10112x64xf32, #tpu.memory_space<vmem_shared>> -> memref<128x64xf32, #tpu.memory_space<vmem_shared>>
      %dma_start3A_79 = arith.constant 0 : i32
      %dma_start3A_80 = tpu.memref_slice %arg17[%add3A_8, %dma_start3A_79] : memref<10112x64xf32, #tpu.memory_space<vmem_shared>> -> memref<128x64xf32, #tpu.memory_space<vmem_shared>>
      tpu.enqueue_dma source(%arg7 : memref<128x64xf32, #tpu.memory_space<vmem>>) target(%dma_start3A_80 : memref<128x64xf32, #tpu.memory_space<vmem_shared>>) target_semaphore(%run_scoped3A_76 : memref<!tpu.dma_semaphore, #tpu.memory_space<semaphore_mem>>)
      %dma_wait3A = arith.constant 0 : i32
      %dma_wait3A_81 = tpu.memref_slice %arg17[%add3A_8, %dma_wait3A] : memref<10112x64xf32, #tpu.memory_space<vmem_shared>> -> memref<128x64xf32, #tpu.memory_space<vmem_shared>>
      %dma_wait3A_82 = arith.constant 0 : i32
      %dma_wait3A_83 = tpu.memref_slice %arg17[%add3A_8, %dma_wait3A_82] : memref<10112x64xf32, #tpu.memory_space<vmem_shared>> -> memref<128x64xf32, #tpu.memory_space<vmem_shared>>
      tpu.wait_dma2 semaphore(%run_scoped3A_76 : memref<!tpu.dma_semaphore, #tpu.memory_space<semaphore_mem>>) src(%arg7 : memref<128x64xf32, #tpu.memory_space<vmem>>) dst(%dma_wait3A_83 : memref<128x64xf32, #tpu.memory_space<vmem_shared>>)
      tpu.yield
    }) : () -> ()
    %add3A_9 = arith.constant 256 : i32
    %add3A_10 = arith.addi %mul3A_5, %add3A_9 : i32
    "tpu.region"() ({
      %run_scoped3A_76 = tpu.sem_alloc : memref<!tpu.dma_semaphore, #tpu.memory_space<semaphore_mem>>
      %dma_start3A_77 = arith.constant 0 : i32
      %dma_start3A_78 = tpu.memref_slice %arg17[%add3A_10, %dma_start3A_77] : memref<10112x64xf32, #tpu.memory_space<vmem_shared>> -> memref<128x64xf32, #tpu.memory_space<vmem_shared>>
      %dma_start3A_79 = arith.constant 0 : i32
      %dma_start3A_80 = tpu.memref_slice %arg17[%add3A_10, %dma_start3A_79] : memref<10112x64xf32, #tpu.memory_space<vmem_shared>> -> memref<128x64xf32, #tpu.memory_space<vmem_shared>>
      tpu.enqueue_dma source(%arg7 : memref<128x64xf32, #tpu.memory_space<vmem>>) target(%dma_start3A_80 : memref<128x64xf32, #tpu.memory_space<vmem_shared>>) target_semaphore(%run_scoped3A_76 : memref<!tpu.dma_semaphore, #tpu.memory_space<semaphore_mem>>)
      %dma_wait3A = arith.constant 0 : i32
      %dma_wait3A_81 = tpu.memref_slice %arg17[%add3A_10, %dma_wait3A] : memref<10112x64xf32, #tpu.memory_space<vmem_shared>> -> memref<128x64xf32, #tpu.memory_space<vmem_shared>>
      %dma_wait3A_82 = arith.constant 0 : i32
      %dma_wait3A_83 = tpu.memref_slice %arg17[%add3A_10, %dma_wait3A_82] : memref<10112x64xf32, #tpu.memory_space<vmem_shared>> -> memref<128x64xf32, #tpu.memory_space<vmem_shared>>
      tpu.wait_dma2 semaphore(%run_scoped3A_76 : memref<!tpu.dma_semaphore, #tpu.memory_space<semaphore_mem>>) src(%arg7 : memref<128x64xf32, #tpu.memory_space<vmem>>) dst(%dma_wait3A_83 : memref<128x64xf32, #tpu.memory_space<vmem_shared>>)
      tpu.yield
    }) : () -> ()
    %add3A_11 = arith.constant 384 : i32
    %add3A_12 = arith.addi %mul3A_5, %add3A_11 : i32
    "tpu.region"() ({
      %run_scoped3A_76 = tpu.sem_alloc : memref<!tpu.dma_semaphore, #tpu.memory_space<semaphore_mem>>
      %dma_start3A_77 = arith.constant 0 : i32
      %dma_start3A_78 = tpu.memref_slice %arg17[%add3A_12, %dma_start3A_77] : memref<10112x64xf32, #tpu.memory_space<vmem_shared>> -> memref<128x64xf32, #tpu.memory_space<vmem_shared>>
      %dma_start3A_79 = arith.constant 0 : i32
      %dma_start3A_80 = tpu.memref_slice %arg17[%add3A_12, %dma_start3A_79] : memref<10112x64xf32, #tpu.memory_space<vmem_shared>> -> memref<128x64xf32, #tpu.memory_space<vmem_shared>>
      tpu.enqueue_dma source(%arg7 : memref<128x64xf32, #tpu.memory_space<vmem>>) target(%dma_start3A_80 : memref<128x64xf32, #tpu.memory_space<vmem_shared>>) target_semaphore(%run_scoped3A_76 : memref<!tpu.dma_semaphore, #tpu.memory_space<semaphore_mem>>)
      %dma_wait3A = arith.constant 0 : i32
      %dma_wait3A_81 = tpu.memref_slice %arg17[%add3A_12, %dma_wait3A] : memref<10112x64xf32, #tpu.memory_space<vmem_shared>> -> memref<128x64xf32, #tpu.memory_space<vmem_shared>>
      %dma_wait3A_82 = arith.constant 0 : i32
      %dma_wait3A_83 = tpu.memref_slice %arg17[%add3A_12, %dma_wait3A_82] : memref<10112x64xf32, #tpu.memory_space<vmem_shared>> -> memref<128x64xf32, #tpu.memory_space<vmem_shared>>
      tpu.wait_dma2 semaphore(%run_scoped3A_76 : memref<!tpu.dma_semaphore, #tpu.memory_space<semaphore_mem>>) src(%arg7 : memref<128x64xf32, #tpu.memory_space<vmem>>) dst(%dma_wait3A_83 : memref<128x64xf32, #tpu.memory_space<vmem_shared>>)
      tpu.yield
    }) : () -> ()
    %add3A_13 = arith.constant 512 : i32
    %add3A_14 = arith.addi %mul3A_5, %add3A_13 : i32
    "tpu.region"() ({
      %run_scoped3A_76 = tpu.sem_alloc : memref<!tpu.dma_semaphore, #tpu.memory_space<semaphore_mem>>
      %dma_start3A_77 = arith.constant 0 : i32
      %dma_start3A_78 = arith.constant 0 : i32
      %dma_start3A_79 = tpu.memref_slice %arg7[%dma_start3A_77, %dma_start3A_78] : memref<128x64xf32, #tpu.memory_space<vmem>> -> memref<120x64xf32, #tpu.memory_space<vmem>>
      %dma_start3A_80 = arith.constant 0 : i32
      %dma_start3A_81 = tpu.memref_slice %arg17[%add3A_14, %dma_start3A_80] : memref<10112x64xf32, #tpu.memory_space<vmem_shared>> -> memref<120x64xf32, #tpu.memory_space<vmem_shared>>
      %dma_start3A_82 = arith.constant 0 : i32
      %dma_start3A_83 = tpu.memref_slice %arg17[%add3A_14, %dma_start3A_82] : memref<10112x64xf32, #tpu.memory_space<vmem_shared>> -> memref<120x64xf32, #tpu.memory_space<vmem_shared>>
      %dma_start3A_84 = arith.constant 0 : i32
      %dma_start3A_85 = arith.constant 0 : i32
      %dma_start3A_86 = tpu.memref_slice %arg7[%dma_start3A_84, %dma_start3A_85] : memref<128x64xf32, #tpu.memory_space<vmem>> -> memref<120x64xf32, #tpu.memory_space<vmem>>
      tpu.enqueue_dma source(%dma_start3A_86 : memref<120x64xf32, #tpu.memory_space<vmem>>) target(%dma_start3A_83 : memref<120x64xf32, #tpu.memory_space<vmem_shared>>) target_semaphore(%run_scoped3A_76 : memref<!tpu.dma_semaphore, #tpu.memory_space<semaphore_mem>>)
      %dma_wait3A = arith.constant 0 : i32
      %dma_wait3A_87 = arith.constant 0 : i32
      %dma_wait3A_88 = tpu.memref_slice %arg7[%dma_wait3A, %dma_wait3A_87] : memref<128x64xf32, #tpu.memory_space<vmem>> -> memref<120x64xf32, #tpu.memory_space<vmem>>
      %dma_wait3A_89 = arith.constant 0 : i32
      %dma_wait3A_90 = tpu.memref_slice %arg17[%add3A_14, %dma_wait3A_89] : memref<10112x64xf32, #tpu.memory_space<vmem_shared>> -> memref<120x64xf32, #tpu.memory_space<vmem_shared>>
      %dma_wait3A_91 = arith.constant 0 : i32
      %dma_wait3A_92 = tpu.memref_slice %arg17[%add3A_14, %dma_wait3A_91] : memref<10112x64xf32, #tpu.memory_space<vmem_shared>> -> memref<120x64xf32, #tpu.memory_space<vmem_shared>>
      %dma_wait3A_93 = arith.constant 0 : i32
      %dma_wait3A_94 = arith.constant 0 : i32
      %dma_wait3A_95 = tpu.memref_slice %arg7[%dma_wait3A_93, %dma_wait3A_94] : memref<128x64xf32, #tpu.memory_space<vmem>> -> memref<120x64xf32, #tpu.memory_space<vmem>>
      tpu.wait_dma2 semaphore(%run_scoped3A_76 : memref<!tpu.dma_semaphore, #tpu.memory_space<semaphore_mem>>) src(%dma_wait3A_95 : memref<120x64xf32, #tpu.memory_space<vmem>>) dst(%dma_wait3A_92 : memref<120x64xf32, #tpu.memory_space<vmem_shared>>)
      tpu.yield
    }) : () -> ()
    %run_scoped3A = arith.constant 0 : i32
    "tpu.region"() ({
      %run_scoped3A_76 = tpu.sem_alloc : memref<!tpu.dma_semaphore, #tpu.memory_space<semaphore_mem>>
      %dma_start3A_77 = arith.constant 0 : i32
      %dma_start3A_78 = arith.constant 0 : i32
      %dma_start3A_79 = tpu.memref_slice %arg3[%run_scoped3A, %arg1, %dma_start3A_77, %dma_start3A_78] : memref<2x16x160x128xi32, #tpu.memory_space<hbm>> -> memref<1x1x160x128xi32, #tpu.memory_space<hbm>>
      %dma_start3A_80 = tpu.memref_squeeze %dma_start3A_79 : memref<1x1x160x128xi32, #tpu.memory_space<hbm>> -> memref<160x128xi32, #tpu.memory_space<hbm>>
      %dma_start3A_81 = arith.constant 0 : i32
      %dma_start3A_82 = arith.constant 0 : i32
      %dma_start3A_83 = tpu.memref_slice %arg3[%run_scoped3A, %arg1, %dma_start3A_81, %dma_start3A_82] : memref<2x16x160x128xi32, #tpu.memory_space<hbm>> -> memref<1x1x160x128xi32, #tpu.memory_space<hbm>>
      %dma_start3A_84 = tpu.memref_squeeze %dma_start3A_83 : memref<1x1x160x128xi32, #tpu.memory_space<hbm>> -> memref<160x128xi32, #tpu.memory_space<hbm>>
      tpu.enqueue_dma source(%dma_start3A_84 : memref<160x128xi32, #tpu.memory_space<hbm>>) target(%arg5 : memref<160x128xi32, #tpu.memory_space<vmem>>) target_semaphore(%run_scoped3A_76 : memref<!tpu.dma_semaphore, #tpu.memory_space<semaphore_mem>>)
      %dma_wait3A = arith.constant 0 : i32
      %dma_wait3A_85 = arith.constant 0 : i32
      %dma_wait3A_86 = tpu.memref_slice %arg3[%run_scoped3A, %arg1, %dma_wait3A, %dma_wait3A_85] : memref<2x16x160x128xi32, #tpu.memory_space<hbm>> -> memref<1x1x160x128xi32, #tpu.memory_space<hbm>>
      %dma_wait3A_87 = tpu.memref_squeeze %dma_wait3A_86 : memref<1x1x160x128xi32, #tpu.memory_space<hbm>> -> memref<160x128xi32, #tpu.memory_space<hbm>>
      %dma_wait3A_88 = arith.constant 0 : i32
      %dma_wait3A_89 = arith.constant 0 : i32
      %dma_wait3A_90 = tpu.memref_slice %arg3[%run_scoped3A, %arg1, %dma_wait3A_88, %dma_wait3A_89] : memref<2x16x160x128xi32, #tpu.memory_space<hbm>> -> memref<1x1x160x128xi32, #tpu.memory_space<hbm>>
      %dma_wait3A_91 = tpu.memref_squeeze %dma_wait3A_90 : memref<1x1x160x128xi32, #tpu.memory_space<hbm>> -> memref<160x128xi32, #tpu.memory_space<hbm>>
      tpu.wait_dma2 semaphore(%run_scoped3A_76 : memref<!tpu.dma_semaphore, #tpu.memory_space<semaphore_mem>>) src(%dma_wait3A_91 : memref<160x128xi32, #tpu.memory_space<hbm>>) dst(%arg5 : memref<160x128xi32, #tpu.memory_space<vmem>>)
      tpu.yield
    }) : () -> ()
    %run_scoped3A_15 = arith.constant 1 : i32
    "tpu.region"() ({
      %run_scoped3A_76 = tpu.sem_alloc : memref<!tpu.dma_semaphore, #tpu.memory_space<semaphore_mem>>
      %dma_start3A_77 = arith.constant 0 : i32
      %dma_start3A_78 = arith.constant 0 : i32
      %dma_start3A_79 = tpu.memref_slice %arg3[%run_scoped3A_15, %arg1, %dma_start3A_77, %dma_start3A_78] : memref<2x16x160x128xi32, #tpu.memory_space<hbm>> -> memref<1x1x160x128xi32, #tpu.memory_space<hbm>>
      %dma_start3A_80 = tpu.memref_squeeze %dma_start3A_79 : memref<1x1x160x128xi32, #tpu.memory_space<hbm>> -> memref<160x128xi32, #tpu.memory_space<hbm>>
      %dma_start3A_81 = arith.constant 0 : i32
      %dma_start3A_82 = arith.constant 0 : i32
      %dma_start3A_83 = tpu.memref_slice %arg3[%run_scoped3A_15, %arg1, %dma_start3A_81, %dma_start3A_82] : memref<2x16x160x128xi32, #tpu.memory_space<hbm>> -> memref<1x1x160x128xi32, #tpu.memory_space<hbm>>
      %dma_start3A_84 = tpu.memref_squeeze %dma_start3A_83 : memref<1x1x160x128xi32, #tpu.memory_space<hbm>> -> memref<160x128xi32, #tpu.memory_space<hbm>>
      tpu.enqueue_dma source(%dma_start3A_84 : memref<160x128xi32, #tpu.memory_space<hbm>>) target(%arg6 : memref<160x128xi32, #tpu.memory_space<vmem>>) target_semaphore(%run_scoped3A_76 : memref<!tpu.dma_semaphore, #tpu.memory_space<semaphore_mem>>)
      %dma_wait3A = arith.constant 0 : i32
      %dma_wait3A_85 = arith.constant 0 : i32
      %dma_wait3A_86 = tpu.memref_slice %arg3[%run_scoped3A_15, %arg1, %dma_wait3A, %dma_wait3A_85] : memref<2x16x160x128xi32, #tpu.memory_space<hbm>> -> memref<1x1x160x128xi32, #tpu.memory_space<hbm>>
      %dma_wait3A_87 = tpu.memref_squeeze %dma_wait3A_86 : memref<1x1x160x128xi32, #tpu.memory_space<hbm>> -> memref<160x128xi32, #tpu.memory_space<hbm>>
      %dma_wait3A_88 = arith.constant 0 : i32
      %dma_wait3A_89 = arith.constant 0 : i32
      %dma_wait3A_90 = tpu.memref_slice %arg3[%run_scoped3A_15, %arg1, %dma_wait3A_88, %dma_wait3A_89] : memref<2x16x160x128xi32, #tpu.memory_space<hbm>> -> memref<1x1x160x128xi32, #tpu.memory_space<hbm>>
      %dma_wait3A_91 = tpu.memref_squeeze %dma_wait3A_90 : memref<1x1x160x128xi32, #tpu.memory_space<hbm>> -> memref<160x128xi32, #tpu.memory_space<hbm>>
      tpu.wait_dma2 semaphore(%run_scoped3A_76 : memref<!tpu.dma_semaphore, #tpu.memory_space<semaphore_mem>>) src(%dma_wait3A_91 : memref<160x128xi32, #tpu.memory_space<hbm>>) dst(%arg6 : memref<160x128xi32, #tpu.memory_space<vmem>>)
      tpu.yield
    }) : () -> ()
    %scan3A_16 = arith.constant 0 : i32
    %scan3A_17 = arith.constant 160 : i32
    %scan3A_18 = arith.addi %scan3A_16, %scan3A_17 : i32
    %scan3A_19 = arith.constant 1 : i32
    scf.for %scan3A_76 = %scan3A_16 to %scan3A_18 step %scan3A_19  : i32 {
      %mul3A_77 = arith.constant 1 : i32
      %mul3A_78 = arith.muli %scan3A_76, %mul3A_77 : i32
      %add3A_79 = arith.constant 0 : i32
      %add3A_80 = arith.addi %add3A_79, %mul3A_78 : i32
      %get3A = arith.index_cast %add3A_80 : i32 to index
      %get3A_81 = arith.constant 0 : index
      %get3A_82 = tpu.vector_load %arg5[%get3A, %get3A_81] {strides = array<i32>} : memref<160x128xi32, #tpu.memory_space<vmem>>, vector<1x16xi32>,
      %get3A_83 = vector.shape_cast %get3A_82 : vector<1x16xi32> to vector<16xi32>
      %add3A_84 = arith.addi %get3A_83, %get3A_83 : vector<16xi32>
      %add3A_85 = vector.broadcast %arg0 : i32 to vector<16xi32>
      %add3A_86 = arith.addi %add3A_84, %add3A_85 : vector<16xi32>
      %swap3A = arith.index_cast %add3A_80 : i32 to index
      %swap3A_87 = arith.constant 0 : index
      %swap3A_88 = tpu.vector_load %arg5[%swap3A, %swap3A_87] {strides = array<i32>} : memref<160x128xi32, #tpu.memory_space<vmem>>, vector<1x16xi32>,
      %swap3A_89 = vector.shape_cast %swap3A_88 : vector<1x16xi32> to vector<16xi32>
      %swap3A_90 = vector.shape_cast %add3A_86 : vector<16xi32> to vector<1x16xi32>
      tpu.vector_store %arg5[%swap3A, %swap3A_87], %swap3A_90 {strides = array<i32>} : memref<160x128xi32, #tpu.memory_space<vmem>>, vector<1x16xi32>,
      %get3A_91 = arith.index_cast %add3A_80 : i32 to index
      %get3A_92 = arith.constant 16 : index
      %get3A_93 = tpu.vector_load %arg5[%get3A_91, %get3A_92] {strides = array<i32>} : memref<160x128xi32, #tpu.memory_space<vmem>>, vector<1x16xi32>,
      %get3A_94 = vector.shape_cast %get3A_93 : vector<1x16xi32> to vector<16xi32>
      %add3A_95 = arith.addi %get3A_94, %get3A_94 : vector<16xi32>
      %add3A_96 = vector.broadcast %arg0 : i32 to vector<16xi32>
      %add3A_97 = arith.addi %add3A_95, %add3A_96 : vector<16xi32>
      %swap3A_98 = arith.index_cast %add3A_80 : i32 to index
      %swap3A_99 = arith.constant 16 : index
      %swap3A_100 = tpu.vector_load %arg5[%swap3A_98, %swap3A_99] {strides = array<i32>} : memref<160x128xi32, #tpu.memory_space<vmem>>, vector<1x16xi32>,
      %swap3A_101 = vector.shape_cast %swap3A_100 : vector<1x16xi32> to vector<16xi32>
      %swap3A_102 = vector.shape_cast %add3A_97 : vector<16xi32> to vector<1x16xi32>
      tpu.vector_store %arg5[%swap3A_98, %swap3A_99], %swap3A_102 {strides = array<i32>} : memref<160x128xi32, #tpu.memory_space<vmem>>, vector<1x16xi32>,
      %get3A_103 = arith.index_cast %add3A_80 : i32 to index
      %get3A_104 = arith.constant 32 : index
      %get3A_105 = tpu.vector_load %arg5[%get3A_103, %get3A_104] {strides = array<i32>} : memref<160x128xi32, #tpu.memory_space<vmem>>, vector<1x16xi32>,
      %get3A_106 = vector.shape_cast %get3A_105 : vector<1x16xi32> to vector<16xi32>
      %add3A_107 = arith.addi %get3A_106, %get3A_106 : vector<16xi32>
      %add3A_108 = vector.broadcast %arg0 : i32 to vector<16xi32>
      %add3A_109 = arith.addi %add3A_107, %add3A_108 : vector<16xi32>
      %swap3A_110 = arith.index_cast %add3A_80 : i32 to index
      %swap3A_111 = arith.constant 32 : index
      %swap3A_112 = tpu.vector_load %arg5[%swap3A_110, %swap3A_111] {strides = array<i32>} : memref<160x128xi32, #tpu.memory_space<vmem>>, vector<1x16xi32>,
      %swap3A_113 = vector.shape_cast %swap3A_112 : vector<1x16xi32> to vector<16xi32>
      %swap3A_114 = vector.shape_cast %add3A_109 : vector<16xi32> to vector<1x16xi32>
      tpu.vector_store %arg5[%swap3A_110, %swap3A_111], %swap3A_114 {strides = array<i32>} : memref<160x128xi32, #tpu.memory_space<vmem>>, vector<1x16xi32>,
      %get3A_115 = arith.index_cast %add3A_80 : i32 to index
      %get3A_116 = arith.constant 48 : index
      %get3A_117 = tpu.vector_load %arg5[%get3A_115, %get3A_116] {strides = array<i32>} : memref<160x128xi32, #tpu.memory_space<vmem>>, vector<1x16xi32>,
      %get3A_118 = vector.shape_cast %get3A_117 : vector<1x16xi32> to vector<16xi32>
      %add3A_119 = arith.addi %get3A_118, %get3A_118 : vector<16xi32>
      %add3A_120 = vector.broadcast %arg0 : i32 to vector<16xi32>
      %add3A_121 = arith.addi %add3A_119, %add3A_120 : vector<16xi32>
      %swap3A_122 = arith.index_cast %add3A_80 : i32 to index
      %swap3A_123 = arith.constant 48 : index
      %swap3A_124 = tpu.vector_load %arg5[%swap3A_122, %swap3A_123] {strides = array<i32>} : memref<160x128xi32, #tpu.memory_space<vmem>>, vector<1x16xi32>,
      %swap3A_125 = vector.shape_cast %swap3A_124 : vector<1x16xi32> to vector<16xi32>
      %swap3A_126 = vector.shape_cast %add3A_121 : vector<16xi32> to vector<1x16xi32>
      tpu.vector_store %arg5[%swap3A_122, %swap3A_123], %swap3A_126 {strides = array<i32>} : memref<160x128xi32, #tpu.memory_space<vmem>>, vector<1x16xi32>,
      %get3A_127 = arith.index_cast %add3A_80 : i32 to index
      %get3A_128 = arith.constant 64 : index
      %get3A_129 = tpu.vector_load %arg5[%get3A_127, %get3A_128] {strides = array<i32>} : memref<160x128xi32, #tpu.memory_space<vmem>>, vector<1x16xi32>,
      %get3A_130 = vector.shape_cast %get3A_129 : vector<1x16xi32> to vector<16xi32>
      %add3A_131 = arith.addi %get3A_130, %get3A_130 : vector<16xi32>
      %add3A_132 = vector.broadcast %arg0 : i32 to vector<16xi32>
      %add3A_133 = arith.addi %add3A_131, %add3A_132 : vector<16xi32>
      %swap3A_134 = arith.index_cast %add3A_80 : i32 to index
      %swap3A_135 = arith.constant 64 : index
      %swap3A_136 = tpu.vector_load %arg5[%swap3A_134, %swap3A_135] {strides = array<i32>} : memref<160x128xi32, #tpu.memory_space<vmem>>, vector<1x16xi32>,
      %swap3A_137 = vector.shape_cast %swap3A_136 : vector<1x16xi32> to vector<16xi32>
      %swap3A_138 = vector.shape_cast %add3A_133 : vector<16xi32> to vector<1x16xi32>
      tpu.vector_store %arg5[%swap3A_134, %swap3A_135], %swap3A_138 {strides = array<i32>} : memref<160x128xi32, #tpu.memory_space<vmem>>, vector<1x16xi32>,
      %get3A_139 = arith.index_cast %add3A_80 : i32 to index
      %get3A_140 = arith.constant 80 : index
      %get3A_141 = tpu.vector_load %arg5[%get3A_139, %get3A_140] {strides = array<i32>} : memref<160x128xi32, #tpu.memory_space<vmem>>, vector<1x16xi32>,
      %get3A_142 = vector.shape_cast %get3A_141 : vector<1x16xi32> to vector<16xi32>
      %add3A_143 = arith.addi %get3A_142, %get3A_142 : vector<16xi32>
      %add3A_144 = vector.broadcast %arg0 : i32 to vector<16xi32>
      %add3A_145 = arith.addi %add3A_143, %add3A_144 : vector<16xi32>
      %swap3A_146 = arith.index_cast %add3A_80 : i32 to index
      %swap3A_147 = arith.constant 80 : index
      %swap3A_148 = tpu.vector_load %arg5[%swap3A_146, %swap3A_147] {strides = array<i32>} : memref<160x128xi32, #tpu.memory_space<vmem>>, vector<1x16xi32>,
      %swap3A_149 = vector.shape_cast %swap3A_148 : vector<1x16xi32> to vector<16xi32>
      %swap3A_150 = vector.shape_cast %add3A_145 : vector<16xi32> to vector<1x16xi32>
      tpu.vector_store %arg5[%swap3A_146, %swap3A_147], %swap3A_150 {strides = array<i32>} : memref<160x128xi32, #tpu.memory_space<vmem>>, vector<1x16xi32>,
      %get3A_151 = arith.index_cast %add3A_80 : i32 to index
      %get3A_152 = arith.constant 96 : index
      %get3A_153 = tpu.vector_load %arg5[%get3A_151, %get3A_152] {strides = array<i32>} : memref<160x128xi32, #tpu.memory_space<vmem>>, vector<1x16xi32>,
      %get3A_154 = vector.shape_cast %get3A_153 : vector<1x16xi32> to vector<16xi32>
      %add3A_155 = arith.addi %get3A_154, %get3A_154 : vector<16xi32>
      %add3A_156 = vector.broadcast %arg0 : i32 to vector<16xi32>
      %add3A_157 = arith.addi %add3A_155, %add3A_156 : vector<16xi32>
      %swap3A_158 = arith.index_cast %add3A_80 : i32 to index
      %swap3A_159 = arith.constant 96 : index
      %swap3A_160 = tpu.vector_load %arg5[%swap3A_158, %swap3A_159] {strides = array<i32>} : memref<160x128xi32, #tpu.memory_space<vmem>>, vector<1x16xi32>,
      %swap3A_161 = vector.shape_cast %swap3A_160 : vector<1x16xi32> to vector<16xi32>
      %swap3A_162 = vector.shape_cast %add3A_157 : vector<16xi32> to vector<1x16xi32>
      tpu.vector_store %arg5[%swap3A_158, %swap3A_159], %swap3A_162 {strides = array<i32>} : memref<160x128xi32, #tpu.memory_space<vmem>>, vector<1x16xi32>,
      %get3A_163 = arith.index_cast %add3A_80 : i32 to index
      %get3A_164 = arith.constant 112 : index
      %get3A_165 = tpu.vector_load %arg5[%get3A_163, %get3A_164] {strides = array<i32>} : memref<160x128xi32, #tpu.memory_space<vmem>>, vector<1x16xi32>,
      %get3A_166 = vector.shape_cast %get3A_165 : vector<1x16xi32> to vector<16xi32>
      %add3A_167 = arith.addi %get3A_166, %get3A_166 : vector<16xi32>
      %add3A_168 = vector.broadcast %arg0 : i32 to vector<16xi32>
      %add3A_169 = arith.addi %add3A_167, %add3A_168 : vector<16xi32>
      %swap3A_170 = arith.index_cast %add3A_80 : i32 to index
      %swap3A_171 = arith.constant 112 : index
      %swap3A_172 = tpu.vector_load %arg5[%swap3A_170, %swap3A_171] {strides = array<i32>} : memref<160x128xi32, #tpu.memory_space<vmem>>, vector<1x16xi32>,
      %swap3A_173 = vector.shape_cast %swap3A_172 : vector<1x16xi32> to vector<16xi32>
      %swap3A_174 = vector.shape_cast %add3A_169 : vector<16xi32> to vector<1x16xi32>
      tpu.vector_store %arg5[%swap3A_170, %swap3A_171], %swap3A_174 {strides = array<i32>} : memref<160x128xi32, #tpu.memory_space<vmem>>, vector<1x16xi32>,
    }
    %scan3A_20 = arith.constant 160 : i32
    %barrier3A = arith.constant 0 : index
    tpu.barrier barrier_id(%barrier3A)
    %dma_start3A = arith.constant 0 : i32
    %dma_start3A_21 = arith.constant 0 : i32
    %dma_start3A_22 = tpu.memref_slice %arg5[%dma_start3A, %dma_start3A_21] : memref<160x128xi32, #tpu.memory_space<vmem>> -> memref<1x128xi32, #tpu.memory_space<vmem>>
    %dma_start3A_23 = tpu.memref_squeeze %dma_start3A_22 : memref<1x128xi32, #tpu.memory_space<vmem>> -> memref<128xi32, #tpu.memory_space<vmem>>
    %dma_start3A_24 = arith.constant 0 : i32
    %dma_start3A_25 = arith.constant 0 : i32
    %dma_start3A_26 = tpu.memref_slice %arg2[%dma_start3A_24, %dma_start3A_25] : memref<20000x64xf32, #tpu.memory_space<hbm>> -> memref<20000x64xf32, #tpu.memory_space<hbm>>
    tpu.enqueue_indirect_dma source(%dma_start3A_26 : memref<20000x64xf32, #tpu.memory_space<hbm>>) target(%arg7 : memref<128x64xf32, #tpu.memory_space<vmem>>) offsets(%dma_start3A_23 : memref<128xi32, #tpu.memory_space<vmem>>) semaphore(%arg12 : memref<!tpu.dma_semaphore, #tpu.memory_space<semaphore_mem>>)
    %dma_start3A_27 = arith.constant 1 : i32
    %dma_start3A_28 = arith.constant 0 : i32
    %dma_start3A_29 = tpu.memref_slice %arg5[%dma_start3A_27, %dma_start3A_28] : memref<160x128xi32, #tpu.memory_space<vmem>> -> memref<1x128xi32, #tpu.memory_space<vmem>>
    %dma_start3A_30 = tpu.memref_squeeze %dma_start3A_29 : memref<1x128xi32, #tpu.memory_space<vmem>> -> memref<128xi32, #tpu.memory_space<vmem>>
    %dma_start3A_31 = arith.constant 0 : i32
    %dma_start3A_32 = arith.constant 0 : i32
    %dma_start3A_33 = tpu.memref_slice %arg2[%dma_start3A_31, %dma_start3A_32] : memref<20000x64xf32, #tpu.memory_space<hbm>> -> memref<20000x64xf32, #tpu.memory_space<hbm>>
    tpu.enqueue_indirect_dma source(%dma_start3A_33 : memref<20000x64xf32, #tpu.memory_space<hbm>>) target(%arg8 : memref<128x64xf32, #tpu.memory_space<vmem>>) offsets(%dma_start3A_30 : memref<128xi32, #tpu.memory_space<vmem>>) semaphore(%arg13 : memref<!tpu.dma_semaphore, #tpu.memory_space<semaphore_mem>>)
    %dma_start3A_34 = arith.constant 2 : i32
    %dma_start3A_35 = arith.constant 0 : i32
    %dma_start3A_36 = tpu.memref_slice %arg5[%dma_start3A_34, %dma_start3A_35] : memref<160x128xi32, #tpu.memory_space<vmem>> -> memref<1x128xi32, #tpu.memory_space<vmem>>
    %dma_start3A_37 = tpu.memref_squeeze %dma_start3A_36 : memref<1x128xi32, #tpu.memory_space<vmem>> -> memref<128xi32, #tpu.memory_space<vmem>>
    %dma_start3A_38 = arith.constant 0 : i32
    %dma_start3A_39 = arith.constant 0 : i32
    %dma_start3A_40 = tpu.memref_slice %arg2[%dma_start3A_38, %dma_start3A_39] : memref<20000x64xf32, #tpu.memory_space<hbm>> -> memref<20000x64xf32, #tpu.memory_space<hbm>>
    tpu.enqueue_indirect_dma source(%dma_start3A_40 : memref<20000x64xf32, #tpu.memory_space<hbm>>) target(%arg9 : memref<128x64xf32, #tpu.memory_space<vmem>>) offsets(%dma_start3A_37 : memref<128xi32, #tpu.memory_space<vmem>>) semaphore(%arg14 : memref<!tpu.dma_semaphore, #tpu.memory_space<semaphore_mem>>)
    %dma_start3A_41 = arith.constant 3 : i32
    %dma_start3A_42 = arith.constant 0 : i32
    %dma_start3A_43 = tpu.memref_slice %arg5[%dma_start3A_41, %dma_start3A_42] : memref<160x128xi32, #tpu.memory_space<vmem>> -> memref<1x128xi32, #tpu.memory_space<vmem>>
    %dma_start3A_44 = tpu.memref_squeeze %dma_start3A_43 : memref<1x128xi32, #tpu.memory_space<vmem>> -> memref<128xi32, #tpu.memory_space<vmem>>
    %dma_start3A_45 = arith.constant 0 : i32
    %dma_start3A_46 = arith.constant 0 : i32
    %dma_start3A_47 = tpu.memref_slice %arg2[%dma_start3A_45, %dma_start3A_46] : memref<20000x64xf32, #tpu.memory_space<hbm>> -> memref<20000x64xf32, #tpu.memory_space<hbm>>
    tpu.enqueue_indirect_dma source(%dma_start3A_47 : memref<20000x64xf32, #tpu.memory_space<hbm>>) target(%arg10 : memref<128x64xf32, #tpu.memory_space<vmem>>) offsets(%dma_start3A_44 : memref<128xi32, #tpu.memory_space<vmem>>) semaphore(%arg15 : memref<!tpu.dma_semaphore, #tpu.memory_space<semaphore_mem>>)
    %scan3A_48 = arith.constant 0 : i32
    %scan3A_49 = arith.constant 32 : i32
    %scan3A_50 = arith.addi %scan3A_48, %scan3A_49 : i32
    %scan3A_51 = arith.constant 1 : i32
    scf.for %scan3A_76 = %scan3A_48 to %scan3A_50 step %scan3A_51  : i32 {
      %mul3A_77 = arith.constant 5 : i32
      %mul3A_78 = arith.muli %scan3A_76, %mul3A_77 : i32
      %add3A_79 = arith.constant 0 : i32
      %add3A_80 = arith.addi %add3A_79, %mul3A_78 : i32
      %add3A_81 = arith.constant 0 : i32
      %add3A_82 = arith.addi %add3A_80, %add3A_81 : i32
      %dma_wait3A = arith.constant 0 : i32
      %dma_wait3A_83 = tpu.memref_slice %arg5[%add3A_82, %dma_wait3A] : memref<160x128xi32, #tpu.memory_space<vmem>> -> memref<1x128xi32, #tpu.memory_space<vmem>>
      %dma_wait3A_84 = tpu.memref_squeeze %dma_wait3A_83 : memref<1x128xi32, #tpu.memory_space<vmem>> -> memref<128xi32, #tpu.memory_space<vmem>>
      %dma_wait3A_85 = arith.constant 0 : i32
      %dma_wait3A_86 = arith.constant 0 : i32
      %dma_wait3A_87 = tpu.memref_slice %arg2[%dma_wait3A_85, %dma_wait3A_86] : memref<20000x64xf32, #tpu.memory_space<hbm>> -> memref<20000x64xf32, #tpu.memory_space<hbm>>
      tpu.wait_indirect_dma semaphore(%arg12 : memref<!tpu.dma_semaphore, #tpu.memory_space<semaphore_mem>>) src(%dma_wait3A_87 : memref<20000x64xf32, #tpu.memory_space<hbm>>) dst(%arg7 : memref<128x64xf32, #tpu.memory_space<vmem>>)
      %add3A_88 = arith.constant 0 : i32
      %add3A_89 = arith.addi %add3A_80, %add3A_88 : i32
      "tpu.region"() ({
        %run_scoped3A_172 = tpu.sem_alloc : memref<!tpu.dma_semaphore, #tpu.memory_space<semaphore_mem>>
        %dma_start3A_173 = arith.constant 0 : i32
        %dma_start3A_174 = tpu.memref_slice %arg6[%add3A_89, %dma_start3A_173] : memref<160x128xi32, #tpu.memory_space<vmem>> -> memref<1x128xi32, #tpu.memory_space<vmem>>
        %dma_start3A_175 = tpu.memref_squeeze %dma_start3A_174 : memref<1x128xi32, #tpu.memory_space<vmem>> -> memref<128xi32, #tpu.memory_space<vmem>>
        %dma_start3A_176 = arith.constant 0 : i32
        %dma_start3A_177 = arith.constant 0 : i32
        %dma_start3A_178 = tpu.memref_slice %arg17[%dma_start3A_176, %dma_start3A_177] : memref<10112x64xf32, #tpu.memory_space<vmem_shared>> -> memref<10112x64xf32, #tpu.memory_space<vmem_shared>>
        tpu.enqueue_indirect_dma source(%arg7 : memref<128x64xf32, #tpu.memory_space<vmem>>) target(%dma_start3A_178 : memref<10112x64xf32, #tpu.memory_space<vmem_shared>>) offsets(%dma_start3A_175 : memref<128xi32, #tpu.memory_space<vmem>>) semaphore(%run_scoped3A_172 : memref<!tpu.dma_semaphore, #tpu.memory_space<semaphore_mem>>) {add = true}
        %dma_wait3A_179 = arith.constant 0 : i32
        %dma_wait3A_180 = tpu.memref_slice %arg6[%add3A_89, %dma_wait3A_179] : memref<160x128xi32, #tpu.memory_space<vmem>> -> memref<1x128xi32, #tpu.memory_space<vmem>>
        %dma_wait3A_181 = tpu.memref_squeeze %dma_wait3A_180 : memref<1x128xi32, #tpu.memory_space<vmem>> -> memref<128xi32, #tpu.memory_space<vmem>>
        %dma_wait3A_182 = arith.constant 0 : i32
        %dma_wait3A_183 = arith.constant 0 : i32
        %dma_wait3A_184 = tpu.memref_slice %arg17[%dma_wait3A_182, %dma_wait3A_183] : memref<10112x64xf32, #tpu.memory_space<vmem_shared>> -> memref<10112x64xf32, #tpu.memory_space<vmem_shared>>
        tpu.wait_indirect_dma semaphore(%run_scoped3A_172 : memref<!tpu.dma_semaphore, #tpu.memory_space<semaphore_mem>>) src(%arg7 : memref<128x64xf32, #tpu.memory_space<vmem>>) dst(%dma_wait3A_184 : memref<10112x64xf32, #tpu.memory_space<vmem_shared>>)
        tpu.yield
      }) : () -> ()
      %add3A_90 = arith.constant 0 : i32
      %add3A_91 = arith.addi %add3A_80, %add3A_90 : i32
      %add3A_92 = arith.constant 4 : i32
      %add3A_93 = arith.addi %add3A_91, %add3A_92 : i32
      %lt3A = arith.constant 160 : i32
      %lt3A_94 = arith.cmpi slt, %add3A_93, %lt3A : i32
      %convert_element_type3A = arith.extui %lt3A_94 : i1 to i32
      %cond3A = arith.constant 0 : i32
      %cond3A_95 = arith.cmpi ne, %convert_element_type3A, %cond3A : i32
      scf.if %cond3A_95 {
        %add3A_172 = arith.constant 0 : i32
        %add3A_173 = arith.addi %add3A_80, %add3A_172 : i32
        %add3A_174 = arith.constant 4 : i32
        %add3A_175 = arith.addi %add3A_173, %add3A_174 : i32
        %dma_start3A_176 = arith.constant 0 : i32
        %dma_start3A_177 = tpu.memref_slice %arg5[%add3A_175, %dma_start3A_176] : memref<160x128xi32, #tpu.memory_space<vmem>> -> memref<1x128xi32, #tpu.memory_space<vmem>>
        %dma_start3A_178 = tpu.memref_squeeze %dma_start3A_177 : memref<1x128xi32, #tpu.memory_space<vmem>> -> memref<128xi32, #tpu.memory_space<vmem>>
        %dma_start3A_179 = arith.constant 0 : i32
        %dma_start3A_180 = arith.constant 0 : i32
        %dma_start3A_181 = tpu.memref_slice %arg2[%dma_start3A_179, %dma_start3A_180] : memref<20000x64xf32, #tpu.memory_space<hbm>> -> memref<20000x64xf32, #tpu.memory_space<hbm>>
        tpu.enqueue_indirect_dma source(%dma_start3A_181 : memref<20000x64xf32, #tpu.memory_space<hbm>>) target(%arg11 : memref<128x64xf32, #tpu.memory_space<vmem>>) offsets(%dma_start3A_178 : memref<128xi32, #tpu.memory_space<vmem>>) semaphore(%arg16 : memref<!tpu.dma_semaphore, #tpu.memory_space<semaphore_mem>>)
      } else {
      }
      %add3A_96 = arith.constant 1 : i32
      %add3A_97 = arith.addi %add3A_80, %add3A_96 : i32
      %dma_wait3A_98 = arith.constant 0 : i32
      %dma_wait3A_99 = tpu.memref_slice %arg5[%add3A_97, %dma_wait3A_98] : memref<160x128xi32, #tpu.memory_space<vmem>> -> memref<1x128xi32, #tpu.memory_space<vmem>>
      %dma_wait3A_100 = tpu.memref_squeeze %dma_wait3A_99 : memref<1x128xi32, #tpu.memory_space<vmem>> -> memref<128xi32, #tpu.memory_space<vmem>>
      %dma_wait3A_101 = arith.constant 0 : i32
      %dma_wait3A_102 = arith.constant 0 : i32
      %dma_wait3A_103 = tpu.memref_slice %arg2[%dma_wait3A_101, %dma_wait3A_102] : memref<20000x64xf32, #tpu.memory_space<hbm>> -> memref<20000x64xf32, #tpu.memory_space<hbm>>
      tpu.wait_indirect_dma semaphore(%arg13 : memref<!tpu.dma_semaphore, #tpu.memory_space<semaphore_mem>>) src(%dma_wait3A_103 : memref<20000x64xf32, #tpu.memory_space<hbm>>) dst(%arg8 : memref<128x64xf32, #tpu.memory_space<vmem>>)
      %add3A_104 = arith.constant 1 : i32
      %add3A_105 = arith.addi %add3A_80, %add3A_104 : i32
      "tpu.region"() ({
        %run_scoped3A_172 = tpu.sem_alloc : memref<!tpu.dma_semaphore, #tpu.memory_space<semaphore_mem>>
        %dma_start3A_173 = arith.constant 0 : i32
        %dma_start3A_174 = tpu.memref_slice %arg6[%add3A_105, %dma_start3A_173] : memref<160x128xi32, #tpu.memory_space<vmem>> -> memref<1x128xi32, #tpu.memory_space<vmem>>
        %dma_start3A_175 = tpu.memref_squeeze %dma_start3A_174 : memref<1x128xi32, #tpu.memory_space<vmem>> -> memref<128xi32, #tpu.memory_space<vmem>>
        %dma_start3A_176 = arith.constant 0 : i32
        %dma_start3A_177 = arith.constant 0 : i32
        %dma_start3A_178 = tpu.memref_slice %arg17[%dma_start3A_176, %dma_start3A_177] : memref<10112x64xf32, #tpu.memory_space<vmem_shared>> -> memref<10112x64xf32, #tpu.memory_space<vmem_shared>>
        tpu.enqueue_indirect_dma source(%arg8 : memref<128x64xf32, #tpu.memory_space<vmem>>) target(%dma_start3A_178 : memref<10112x64xf32, #tpu.memory_space<vmem_shared>>) offsets(%dma_start3A_175 : memref<128xi32, #tpu.memory_space<vmem>>) semaphore(%run_scoped3A_172 : memref<!tpu.dma_semaphore, #tpu.memory_space<semaphore_mem>>) {add = true}
        %dma_wait3A_179 = arith.constant 0 : i32
        %dma_wait3A_180 = tpu.memref_slice %arg6[%add3A_105, %dma_wait3A_179] : memref<160x128xi32, #tpu.memory_space<vmem>> -> memref<1x128xi32, #tpu.memory_space<vmem>>
        %dma_wait3A_181 = tpu.memref_squeeze %dma_wait3A_180 : memref<1x128xi32, #tpu.memory_space<vmem>> -> memref<128xi32, #tpu.memory_space<vmem>>
        %dma_wait3A_182 = arith.constant 0 : i32
        %dma_wait3A_183 = arith.constant 0 : i32
        %dma_wait3A_184 = tpu.memref_slice %arg17[%dma_wait3A_182, %dma_wait3A_183] : memref<10112x64xf32, #tpu.memory_space<vmem_shared>> -> memref<10112x64xf32, #tpu.memory_space<vmem_shared>>
        tpu.wait_indirect_dma semaphore(%run_scoped3A_172 : memref<!tpu.dma_semaphore, #tpu.memory_space<semaphore_mem>>) src(%arg8 : memref<128x64xf32, #tpu.memory_space<vmem>>) dst(%dma_wait3A_184 : memref<10112x64xf32, #tpu.memory_space<vmem_shared>>)
        tpu.yield
      }) : () -> ()
      %add3A_106 = arith.constant 1 : i32
      %add3A_107 = arith.addi %add3A_80, %add3A_106 : i32
      %add3A_108 = arith.constant 4 : i32
      %add3A_109 = arith.addi %add3A_107, %add3A_108 : i32
      %lt3A_110 = arith.constant 160 : i32
      %lt3A_111 = arith.cmpi slt, %add3A_109, %lt3A_110 : i32
      %convert_element_type3A_112 = arith.extui %lt3A_111 : i1 to i32
      %cond3A_113 = arith.constant 0 : i32
      %cond3A_114 = arith.cmpi ne, %convert_element_type3A_112, %cond3A_113 : i32
      scf.if %cond3A_114 {
        %add3A_172 = arith.constant 1 : i32
        %add3A_173 = arith.addi %add3A_80, %add3A_172 : i32
        %add3A_174 = arith.constant 4 : i32
        %add3A_175 = arith.addi %add3A_173, %add3A_174 : i32
        %dma_start3A_176 = arith.constant 0 : i32
        %dma_start3A_177 = tpu.memref_slice %arg5[%add3A_175, %dma_start3A_176] : memref<160x128xi32, #tpu.memory_space<vmem>> -> memref<1x128xi32, #tpu.memory_space<vmem>>
        %dma_start3A_178 = tpu.memref_squeeze %dma_start3A_177 : memref<1x128xi32, #tpu.memory_space<vmem>> -> memref<128xi32, #tpu.memory_space<vmem>>
        %dma_start3A_179 = arith.constant 0 : i32
        %dma_start3A_180 = arith.constant 0 : i32
        %dma_start3A_181 = tpu.memref_slice %arg2[%dma_start3A_179, %dma_start3A_180] : memref<20000x64xf32, #tpu.memory_space<hbm>> -> memref<20000x64xf32, #tpu.memory_space<hbm>>
        tpu.enqueue_indirect_dma source(%dma_start3A_181 : memref<20000x64xf32, #tpu.memory_space<hbm>>) target(%arg7 : memref<128x64xf32, #tpu.memory_space<vmem>>) offsets(%dma_start3A_178 : memref<128xi32, #tpu.memory_space<vmem>>) semaphore(%arg12 : memref<!tpu.dma_semaphore, #tpu.memory_space<semaphore_mem>>)
      } else {
      }
      %add3A_115 = arith.constant 2 : i32
      %add3A_116 = arith.addi %add3A_80, %add3A_115 : i32
      %dma_wait3A_117 = arith.constant 0 : i32
      %dma_wait3A_118 = tpu.memref_slice %arg5[%add3A_116, %dma_wait3A_117] : memref<160x128xi32, #tpu.memory_space<vmem>> -> memref<1x128xi32, #tpu.memory_space<vmem>>
      %dma_wait3A_119 = tpu.memref_squeeze %dma_wait3A_118 : memref<1x128xi32, #tpu.memory_space<vmem>> -> memref<128xi32, #tpu.memory_space<vmem>>
      %dma_wait3A_120 = arith.constant 0 : i32
      %dma_wait3A_121 = arith.constant 0 : i32
      %dma_wait3A_122 = tpu.memref_slice %arg2[%dma_wait3A_120, %dma_wait3A_121] : memref<20000x64xf32, #tpu.memory_space<hbm>> -> memref<20000x64xf32, #tpu.memory_space<hbm>>
      tpu.wait_indirect_dma semaphore(%arg14 : memref<!tpu.dma_semaphore, #tpu.memory_space<semaphore_mem>>) src(%dma_wait3A_122 : memref<20000x64xf32, #tpu.memory_space<hbm>>) dst(%arg9 : memref<128x64xf32, #tpu.memory_space<vmem>>)
      %add3A_123 = arith.constant 2 : i32
      %add3A_124 = arith.addi %add3A_80, %add3A_123 : i32
      "tpu.region"() ({
        %run_scoped3A_172 = tpu.sem_alloc : memref<!tpu.dma_semaphore, #tpu.memory_space<semaphore_mem>>
        %dma_start3A_173 = arith.constant 0 : i32
        %dma_start3A_174 = tpu.memref_slice %arg6[%add3A_124, %dma_start3A_173] : memref<160x128xi32, #tpu.memory_space<vmem>> -> memref<1x128xi32, #tpu.memory_space<vmem>>
        %dma_start3A_175 = tpu.memref_squeeze %dma_start3A_174 : memref<1x128xi32, #tpu.memory_space<vmem>> -> memref<128xi32, #tpu.memory_space<vmem>>
        %dma_start3A_176 = arith.constant 0 : i32
        %dma_start3A_177 = arith.constant 0 : i32
        %dma_start3A_178 = tpu.memref_slice %arg17[%dma_start3A_176, %dma_start3A_177] : memref<10112x64xf32, #tpu.memory_space<vmem_shared>> -> memref<10112x64xf32, #tpu.memory_space<vmem_shared>>
        tpu.enqueue_indirect_dma source(%arg9 : memref<128x64xf32, #tpu.memory_space<vmem>>) target(%dma_start3A_178 : memref<10112x64xf32, #tpu.memory_space<vmem_shared>>) offsets(%dma_start3A_175 : memref<128xi32, #tpu.memory_space<vmem>>) semaphore(%run_scoped3A_172 : memref<!tpu.dma_semaphore, #tpu.memory_space<semaphore_mem>>) {add = true}
        %dma_wait3A_179 = arith.constant 0 : i32
        %dma_wait3A_180 = tpu.memref_slice %arg6[%add3A_124, %dma_wait3A_179] : memref<160x128xi32, #tpu.memory_space<vmem>> -> memref<1x128xi32, #tpu.memory_space<vmem>>
        %dma_wait3A_181 = tpu.memref_squeeze %dma_wait3A_180 : memref<1x128xi32, #tpu.memory_space<vmem>> -> memref<128xi32, #tpu.memory_space<vmem>>
        %dma_wait3A_182 = arith.constant 0 : i32
        %dma_wait3A_183 = arith.constant 0 : i32
        %dma_wait3A_184 = tpu.memref_slice %arg17[%dma_wait3A_182, %dma_wait3A_183] : memref<10112x64xf32, #tpu.memory_space<vmem_shared>> -> memref<10112x64xf32, #tpu.memory_space<vmem_shared>>
        tpu.wait_indirect_dma semaphore(%run_scoped3A_172 : memref<!tpu.dma_semaphore, #tpu.memory_space<semaphore_mem>>) src(%arg9 : memref<128x64xf32, #tpu.memory_space<vmem>>) dst(%dma_wait3A_184 : memref<10112x64xf32, #tpu.memory_space<vmem_shared>>)
        tpu.yield
      }) : () -> ()
      %add3A_125 = arith.constant 2 : i32
      %add3A_126 = arith.addi %add3A_80, %add3A_125 : i32
      %add3A_127 = arith.constant 4 : i32
      %add3A_128 = arith.addi %add3A_126, %add3A_127 : i32
      %lt3A_129 = arith.constant 160 : i32
      %lt3A_130 = arith.cmpi slt, %add3A_128, %lt3A_129 : i32
      %convert_element_type3A_131 = arith.extui %lt3A_130 : i1 to i32
      %cond3A_132 = arith.constant 0 : i32
      %cond3A_133 = arith.cmpi ne, %convert_element_type3A_131, %cond3A_132 : i32
      scf.if %cond3A_133 {
        %add3A_172 = arith.constant 2 : i32
        %add3A_173 = arith.addi %add3A_80, %add3A_172 : i32
        %add3A_174 = arith.constant 4 : i32
        %add3A_175 = arith.addi %add3A_173, %add3A_174 : i32
        %dma_start3A_176 = arith.constant 0 : i32
        %dma_start3A_177 = tpu.memref_slice %arg5[%add3A_175, %dma_start3A_176] : memref<160x128xi32, #tpu.memory_space<vmem>> -> memref<1x128xi32, #tpu.memory_space<vmem>>
        %dma_start3A_178 = tpu.memref_squeeze %dma_start3A_177 : memref<1x128xi32, #tpu.memory_space<vmem>> -> memref<128xi32, #tpu.memory_space<vmem>>
        %dma_start3A_179 = arith.constant 0 : i32
        %dma_start3A_180 = arith.constant 0 : i32
        %dma_start3A_181 = tpu.memref_slice %arg2[%dma_start3A_179, %dma_start3A_180] : memref<20000x64xf32, #tpu.memory_space<hbm>> -> memref<20000x64xf32, #tpu.memory_space<hbm>>
        tpu.enqueue_indirect_dma source(%dma_start3A_181 : memref<20000x64xf32, #tpu.memory_space<hbm>>) target(%arg8 : memref<128x64xf32, #tpu.memory_space<vmem>>) offsets(%dma_start3A_178 : memref<128xi32, #tpu.memory_space<vmem>>) semaphore(%arg13 : memref<!tpu.dma_semaphore, #tpu.memory_space<semaphore_mem>>)
      } else {
      }
      %add3A_134 = arith.constant 3 : i32
      %add3A_135 = arith.addi %add3A_80, %add3A_134 : i32
      %dma_wait3A_136 = arith.constant 0 : i32
      %dma_wait3A_137 = tpu.memref_slice %arg5[%add3A_135, %dma_wait3A_136] : memref<160x128xi32, #tpu.memory_space<vmem>> -> memref<1x128xi32, #tpu.memory_space<vmem>>
      %dma_wait3A_138 = tpu.memref_squeeze %dma_wait3A_137 : memref<1x128xi32, #tpu.memory_space<vmem>> -> memref<128xi32, #tpu.memory_space<vmem>>
      %dma_wait3A_139 = arith.constant 0 : i32
      %dma_wait3A_140 = arith.constant 0 : i32
      %dma_wait3A_141 = tpu.memref_slice %arg2[%dma_wait3A_139, %dma_wait3A_140] : memref<20000x64xf32, #tpu.memory_space<hbm>> -> memref<20000x64xf32, #tpu.memory_space<hbm>>
      tpu.wait_indirect_dma semaphore(%arg15 : memref<!tpu.dma_semaphore, #tpu.memory_space<semaphore_mem>>) src(%dma_wait3A_141 : memref<20000x64xf32, #tpu.memory_space<hbm>>) dst(%arg10 : memref<128x64xf32, #tpu.memory_space<vmem>>)
      %add3A_142 = arith.constant 3 : i32
      %add3A_143 = arith.addi %add3A_80, %add3A_142 : i32
      "tpu.region"() ({
        %run_scoped3A_172 = tpu.sem_alloc : memref<!tpu.dma_semaphore, #tpu.memory_space<semaphore_mem>>
        %dma_start3A_173 = arith.constant 0 : i32
        %dma_start3A_174 = tpu.memref_slice %arg6[%add3A_143, %dma_start3A_173] : memref<160x128xi32, #tpu.memory_space<vmem>> -> memref<1x128xi32, #tpu.memory_space<vmem>>
        %dma_start3A_175 = tpu.memref_squeeze %dma_start3A_174 : memref<1x128xi32, #tpu.memory_space<vmem>> -> memref<128xi32, #tpu.memory_space<vmem>>
        %dma_start3A_176 = arith.constant 0 : i32
        %dma_start3A_177 = arith.constant 0 : i32
        %dma_start3A_178 = tpu.memref_slice %arg17[%dma_start3A_176, %dma_start3A_177] : memref<10112x64xf32, #tpu.memory_space<vmem_shared>> -> memref<10112x64xf32, #tpu.memory_space<vmem_shared>>
        tpu.enqueue_indirect_dma source(%arg10 : memref<128x64xf32, #tpu.memory_space<vmem>>) target(%dma_start3A_178 : memref<10112x64xf32, #tpu.memory_space<vmem_shared>>) offsets(%dma_start3A_175 : memref<128xi32, #tpu.memory_space<vmem>>) semaphore(%run_scoped3A_172 : memref<!tpu.dma_semaphore, #tpu.memory_space<semaphore_mem>>) {add = true}
        %dma_wait3A_179 = arith.constant 0 : i32
        %dma_wait3A_180 = tpu.memref_slice %arg6[%add3A_143, %dma_wait3A_179] : memref<160x128xi32, #tpu.memory_space<vmem>> -> memref<1x128xi32, #tpu.memory_space<vmem>>
        %dma_wait3A_181 = tpu.memref_squeeze %dma_wait3A_180 : memref<1x128xi32, #tpu.memory_space<vmem>> -> memref<128xi32, #tpu.memory_space<vmem>>
        %dma_wait3A_182 = arith.constant 0 : i32
        %dma_wait3A_183 = arith.constant 0 : i32
        %dma_wait3A_184 = tpu.memref_slice %arg17[%dma_wait3A_182, %dma_wait3A_183] : memref<10112x64xf32, #tpu.memory_space<vmem_shared>> -> memref<10112x64xf32, #tpu.memory_space<vmem_shared>>
        tpu.wait_indirect_dma semaphore(%run_scoped3A_172 : memref<!tpu.dma_semaphore, #tpu.memory_space<semaphore_mem>>) src(%arg10 : memref<128x64xf32, #tpu.memory_space<vmem>>) dst(%dma_wait3A_184 : memref<10112x64xf32, #tpu.memory_space<vmem_shared>>)
        tpu.yield
      }) : () -> ()
      %add3A_144 = arith.constant 3 : i32
      %add3A_145 = arith.addi %add3A_80, %add3A_144 : i32
      %add3A_146 = arith.constant 4 : i32
      %add3A_147 = arith.addi %add3A_145, %add3A_146 : i32
      %lt3A_148 = arith.constant 160 : i32
      %lt3A_149 = arith.cmpi slt, %add3A_147, %lt3A_148 : i32
      %convert_element_type3A_150 = arith.extui %lt3A_149 : i1 to i32
      %cond3A_151 = arith.constant 0 : i32
      %cond3A_152 = arith.cmpi ne, %convert_element_type3A_150, %cond3A_151 : i32
      scf.if %cond3A_152 {
        %add3A_172 = arith.constant 3 : i32
        %add3A_173 = arith.addi %add3A_80, %add3A_172 : i32
        %add3A_174 = arith.constant 4 : i32
        %add3A_175 = arith.addi %add3A_173, %add3A_174 : i32
        %dma_start3A_176 = arith.constant 0 : i32
        %dma_start3A_177 = tpu.memref_slice %arg5[%add3A_175, %dma_start3A_176] : memref<160x128xi32, #tpu.memory_space<vmem>> -> memref<1x128xi32, #tpu.memory_space<vmem>>
        %dma_start3A_178 = tpu.memref_squeeze %dma_start3A_177 : memref<1x128xi32, #tpu.memory_space<vmem>> -> memref<128xi32, #tpu.memory_space<vmem>>
        %dma_start3A_179 = arith.constant 0 : i32
        %dma_start3A_180 = arith.constant 0 : i32
        %dma_start3A_181 = tpu.memref_slice %arg2[%dma_start3A_179, %dma_start3A_180] : memref<20000x64xf32, #tpu.memory_space<hbm>> -> memref<20000x64xf32, #tpu.memory_space<hbm>>
        tpu.enqueue_indirect_dma source(%dma_start3A_181 : memref<20000x64xf32, #tpu.memory_space<hbm>>) target(%arg9 : memref<128x64xf32, #tpu.memory_space<vmem>>) offsets(%dma_start3A_178 : memref<128xi32, #tpu.memory_space<vmem>>) semaphore(%arg14 : memref<!tpu.dma_semaphore, #tpu.memory_space<semaphore_mem>>)
      } else {
      }
      %add3A_153 = arith.constant 4 : i32
      %add3A_154 = arith.addi %add3A_80, %add3A_153 : i32
      %dma_wait3A_155 = arith.constant 0 : i32
      %dma_wait3A_156 = tpu.memref_slice %arg5[%add3A_154, %dma_wait3A_155] : memref<160x128xi32, #tpu.memory_space<vmem>> -> memref<1x128xi32, #tpu.memory_space<vmem>>
      %dma_wait3A_157 = tpu.memref_squeeze %dma_wait3A_156 : memref<1x128xi32, #tpu.memory_space<vmem>> -> memref<128xi32, #tpu.memory_space<vmem>>
      %dma_wait3A_158 = arith.constant 0 : i32
      %dma_wait3A_159 = arith.constant 0 : i32
      %dma_wait3A_160 = tpu.memref_slice %arg2[%dma_wait3A_158, %dma_wait3A_159] : memref<20000x64xf32, #tpu.memory_space<hbm>> -> memref<20000x64xf32, #tpu.memory_space<hbm>>
      tpu.wait_indirect_dma semaphore(%arg16 : memref<!tpu.dma_semaphore, #tpu.memory_space<semaphore_mem>>) src(%dma_wait3A_160 : memref<20000x64xf32, #tpu.memory_space<hbm>>) dst(%arg11 : memref<128x64xf32, #tpu.memory_space<vmem>>)
      %add3A_161 = arith.constant 4 : i32
      %add3A_162 = arith.addi %add3A_80, %add3A_161 : i32
      "tpu.region"() ({
        %run_scoped3A_172 = tpu.sem_alloc : memref<!tpu.dma_semaphore, #tpu.memory_space<semaphore_mem>>
        %dma_start3A_173 = arith.constant 0 : i32
        %dma_start3A_174 = tpu.memref_slice %arg6[%add3A_162, %dma_start3A_173] : memref<160x128xi32, #tpu.memory_space<vmem>> -> memref<1x128xi32, #tpu.memory_space<vmem>>
        %dma_start3A_175 = tpu.memref_squeeze %dma_start3A_174 : memref<1x128xi32, #tpu.memory_space<vmem>> -> memref<128xi32, #tpu.memory_space<vmem>>
        %dma_start3A_176 = arith.constant 0 : i32
        %dma_start3A_177 = arith.constant 0 : i32
        %dma_start3A_178 = tpu.memref_slice %arg17[%dma_start3A_176, %dma_start3A_177] : memref<10112x64xf32, #tpu.memory_space<vmem_shared>> -> memref<10112x64xf32, #tpu.memory_space<vmem_shared>>
        tpu.enqueue_indirect_dma source(%arg11 : memref<128x64xf32, #tpu.memory_space<vmem>>) target(%dma_start3A_178 : memref<10112x64xf32, #tpu.memory_space<vmem_shared>>) offsets(%dma_start3A_175 : memref<128xi32, #tpu.memory_space<vmem>>) semaphore(%run_scoped3A_172 : memref<!tpu.dma_semaphore, #tpu.memory_space<semaphore_mem>>) {add = true}
        %dma_wait3A_179 = arith.constant 0 : i32
        %dma_wait3A_180 = tpu.memref_slice %arg6[%add3A_162, %dma_wait3A_179] : memref<160x128xi32, #tpu.memory_space<vmem>> -> memref<1x128xi32, #tpu.memory_space<vmem>>
        %dma_wait3A_181 = tpu.memref_squeeze %dma_wait3A_180 : memref<1x128xi32, #tpu.memory_space<vmem>> -> memref<128xi32, #tpu.memory_space<vmem>>
        %dma_wait3A_182 = arith.constant 0 : i32
        %dma_wait3A_183 = arith.constant 0 : i32
        %dma_wait3A_184 = tpu.memref_slice %arg17[%dma_wait3A_182, %dma_wait3A_183] : memref<10112x64xf32, #tpu.memory_space<vmem_shared>> -> memref<10112x64xf32, #tpu.memory_space<vmem_shared>>
        tpu.wait_indirect_dma semaphore(%run_scoped3A_172 : memref<!tpu.dma_semaphore, #tpu.memory_space<semaphore_mem>>) src(%arg11 : memref<128x64xf32, #tpu.memory_space<vmem>>) dst(%dma_wait3A_184 : memref<10112x64xf32, #tpu.memory_space<vmem_shared>>)
        tpu.yield
      }) : () -> ()
      %add3A_163 = arith.constant 4 : i32
      %add3A_164 = arith.addi %add3A_80, %add3A_163 : i32
      %add3A_165 = arith.constant 4 : i32
      %add3A_166 = arith.addi %add3A_164, %add3A_165 : i32
      %lt3A_167 = arith.constant 160 : i32
      %lt3A_168 = arith.cmpi slt, %add3A_166, %lt3A_167 : i32
      %convert_element_type3A_169 = arith.extui %lt3A_168 : i1 to i32
      %cond3A_170 = arith.constant 0 : i32
      %cond3A_171 = arith.cmpi ne, %convert_element_type3A_169, %cond3A_170 : i32
      scf.if %cond3A_171 {
        %add3A_172 = arith.constant 4 : i32
        %add3A_173 = arith.addi %add3A_80, %add3A_172 : i32
        %add3A_174 = arith.constant 4 : i32
        %add3A_175 = arith.addi %add3A_173, %add3A_174 : i32
        %dma_start3A_176 = arith.constant 0 : i32
        %dma_start3A_177 = tpu.memref_slice %arg5[%add3A_175, %dma_start3A_176] : memref<160x128xi32, #tpu.memory_space<vmem>> -> memref<1x128xi32, #tpu.memory_space<vmem>>
        %dma_start3A_178 = tpu.memref_squeeze %dma_start3A_177 : memref<1x128xi32, #tpu.memory_space<vmem>> -> memref<128xi32, #tpu.memory_space<vmem>>
        %dma_start3A_179 = arith.constant 0 : i32
        %dma_start3A_180 = arith.constant 0 : i32
        %dma_start3A_181 = tpu.memref_slice %arg2[%dma_start3A_179, %dma_start3A_180] : memref<20000x64xf32, #tpu.memory_space<hbm>> -> memref<20000x64xf32, #tpu.memory_space<hbm>>
        tpu.enqueue_indirect_dma source(%dma_start3A_181 : memref<20000x64xf32, #tpu.memory_space<hbm>>) target(%arg10 : memref<128x64xf32, #tpu.memory_space<vmem>>) offsets(%dma_start3A_178 : memref<128xi32, #tpu.memory_space<vmem>>) semaphore(%arg15 : memref<!tpu.dma_semaphore, #tpu.memory_space<semaphore_mem>>)
      } else {
      }
    }
    %scan3A_52 = arith.constant 32 : i32
    %barrier3A_53 = arith.constant 0 : index
    tpu.barrier barrier_id(%barrier3A_53)
    %mul3A_54 = arith.constant 64 : i32
    %mul3A_55 = arith.muli %arg0, %mul3A_54 : i32
    %add3A_56 = arith.constant 0 : i32
    %add3A_57 = arith.addi %mul3A_5, %add3A_56 : i32
    "tpu.region"() ({
      %run_scoped3A_76 = tpu.sem_alloc : memref<!tpu.dma_semaphore, #tpu.memory_space<semaphore_mem>>
      %dma_start3A_77 = arith.constant 0 : i32
      %dma_start3A_78 = tpu.memref_slice %arg17[%add3A_57, %dma_start3A_77] : memref<10112x64xf32, #tpu.memory_space<vmem_shared>> -> memref<128x64xf32, #tpu.memory_space<vmem_shared>>
      %dma_start3A_79 = arith.constant 0 : i32
      %dma_start3A_80 = tpu.memref_slice %arg17[%add3A_57, %dma_start3A_79] : memref<10112x64xf32, #tpu.memory_space<vmem_shared>> -> memref<128x64xf32, #tpu.memory_space<vmem_shared>>
      tpu.enqueue_dma source(%dma_start3A_80 : memref<128x64xf32, #tpu.memory_space<vmem_shared>>) target(%arg7 : memref<128x64xf32, #tpu.memory_space<vmem>>) target_semaphore(%run_scoped3A_76 : memref<!tpu.dma_semaphore, #tpu.memory_space<semaphore_mem>>)
      %dma_wait3A = arith.constant 0 : i32
      %dma_wait3A_81 = tpu.memref_slice %arg17[%add3A_57, %dma_wait3A] : memref<10112x64xf32, #tpu.memory_space<vmem_shared>> -> memref<128x64xf32, #tpu.memory_space<vmem_shared>>
      %dma_wait3A_82 = arith.constant 0 : i32
      %dma_wait3A_83 = tpu.memref_slice %arg17[%add3A_57, %dma_wait3A_82] : memref<10112x64xf32, #tpu.memory_space<vmem_shared>> -> memref<128x64xf32, #tpu.memory_space<vmem_shared>>
      tpu.wait_dma2 semaphore(%run_scoped3A_76 : memref<!tpu.dma_semaphore, #tpu.memory_space<semaphore_mem>>) src(%dma_wait3A_83 : memref<128x64xf32, #tpu.memory_space<vmem_shared>>) dst(%arg7 : memref<128x64xf32, #tpu.memory_space<vmem>>)
      tpu.yield
    }) : () -> ()
    %add3A_58 = arith.constant 0 : i32
    %add3A_59 = arith.addi %mul3A_5, %add3A_58 : i32
    "tpu.region"() ({
      %run_scoped3A_76 = tpu.sem_alloc : memref<!tpu.dma_semaphore, #tpu.memory_space<semaphore_mem>>
      %dma_start3A_77 = tpu.memref_slice %arg4[%add3A_59, %mul3A_55] : memref<10112x128xf32, #tpu.memory_space<hbm>> -> memref<128x64xf32, #tpu.memory_space<hbm>>
      %dma_start3A_78 = tpu.memref_slice %arg4[%add3A_59, %mul3A_55] : memref<10112x128xf32, #tpu.memory_space<hbm>> -> memref<128x64xf32, #tpu.memory_space<hbm>>
      tpu.enqueue_dma source(%arg7 : memref<128x64xf32, #tpu.memory_space<vmem>>) target(%dma_start3A_78 : memref<128x64xf32, #tpu.memory_space<hbm>>) target_semaphore(%run_scoped3A_76 : memref<!tpu.dma_semaphore, #tpu.memory_space<semaphore_mem>>)
      %dma_wait3A = tpu.memref_slice %arg4[%add3A_59, %mul3A_55] : memref<10112x128xf32, #tpu.memory_space<hbm>> -> memref<128x64xf32, #tpu.memory_space<hbm>>
      %dma_wait3A_79 = tpu.memref_slice %arg4[%add3A_59, %mul3A_55] : memref<10112x128xf32, #tpu.memory_space<hbm>> -> memref<128x64xf32, #tpu.memory_space<hbm>>
      tpu.wait_dma2 semaphore(%run_scoped3A_76 : memref<!tpu.dma_semaphore, #tpu.memory_space<semaphore_mem>>) src(%arg7 : memref<128x64xf32, #tpu.memory_space<vmem>>) dst(%dma_wait3A_79 : memref<128x64xf32, #tpu.memory_space<hbm>>)
      tpu.yield
    }) : () -> ()
    %add3A_60 = arith.constant 128 : i32
    %add3A_61 = arith.addi %mul3A_5, %add3A_60 : i32
    "tpu.region"() ({
      %run_scoped3A_76 = tpu.sem_alloc : memref<!tpu.dma_semaphore, #tpu.memory_space<semaphore_mem>>
      %dma_start3A_77 = arith.constant 0 : i32
      %dma_start3A_78 = tpu.memref_slice %arg17[%add3A_61, %dma_start3A_77] : memref<10112x64xf32, #tpu.memory_space<vmem_shared>> -> memref<128x64xf32, #tpu.memory_space<vmem_shared>>
      %dma_start3A_79 = arith.constant 0 : i32
      %dma_start3A_80 = tpu.memref_slice %arg17[%add3A_61, %dma_start3A_79] : memref<10112x64xf32, #tpu.memory_space<vmem_shared>> -> memref<128x64xf32, #tpu.memory_space<vmem_shared>>
      tpu.enqueue_dma source(%dma_start3A_80 : memref<128x64xf32, #tpu.memory_space<vmem_shared>>) target(%arg7 : memref<128x64xf32, #tpu.memory_space<vmem>>) target_semaphore(%run_scoped3A_76 : memref<!tpu.dma_semaphore, #tpu.memory_space<semaphore_mem>>)
      %dma_wait3A = arith.constant 0 : i32
      %dma_wait3A_81 = tpu.memref_slice %arg17[%add3A_61, %dma_wait3A] : memref<10112x64xf32, #tpu.memory_space<vmem_shared>> -> memref<128x64xf32, #tpu.memory_space<vmem_shared>>
      %dma_wait3A_82 = arith.constant 0 : i32
      %dma_wait3A_83 = tpu.memref_slice %arg17[%add3A_61, %dma_wait3A_82] : memref<10112x64xf32, #tpu.memory_space<vmem_shared>> -> memref<128x64xf32, #tpu.memory_space<vmem_shared>>
      tpu.wait_dma2 semaphore(%run_scoped3A_76 : memref<!tpu.dma_semaphore, #tpu.memory_space<semaphore_mem>>) src(%dma_wait3A_83 : memref<128x64xf32, #tpu.memory_space<vmem_shared>>) dst(%arg7 : memref<128x64xf32, #tpu.memory_space<vmem>>)
      tpu.yield
    }) : () -> ()
    %add3A_62 = arith.constant 128 : i32
    %add3A_63 = arith.addi %mul3A_5, %add3A_62 : i32
    "tpu.region"() ({
      %run_scoped3A_76 = tpu.sem_alloc : memref<!tpu.dma_semaphore, #tpu.memory_space<semaphore_mem>>
      %dma_start3A_77 = tpu.memref_slice %arg4[%add3A_63, %mul3A_55] : memref<10112x128xf32, #tpu.memory_space<hbm>> -> memref<128x64xf32, #tpu.memory_space<hbm>>
      %dma_start3A_78 = tpu.memref_slice %arg4[%add3A_63, %mul3A_55] : memref<10112x128xf32, #tpu.memory_space<hbm>> -> memref<128x64xf32, #tpu.memory_space<hbm>>
      tpu.enqueue_dma source(%arg7 : memref<128x64xf32, #tpu.memory_space<vmem>>) target(%dma_start3A_78 : memref<128x64xf32, #tpu.memory_space<hbm>>) target_semaphore(%run_scoped3A_76 : memref<!tpu.dma_semaphore, #tpu.memory_space<semaphore_mem>>)
      %dma_wait3A = tpu.memref_slice %arg4[%add3A_63, %mul3A_55] : memref<10112x128xf32, #tpu.memory_space<hbm>> -> memref<128x64xf32, #tpu.memory_space<hbm>>
      %dma_wait3A_79 = tpu.memref_slice %arg4[%add3A_63, %mul3A_55] : memref<10112x128xf32, #tpu.memory_space<hbm>> -> memref<128x64xf32, #tpu.memory_space<hbm>>
      tpu.wait_dma2 semaphore(%run_scoped3A_76 : memref<!tpu.dma_semaphore, #tpu.memory_space<semaphore_mem>>) src(%arg7 : memref<128x64xf32, #tpu.memory_space<vmem>>) dst(%dma_wait3A_79 : memref<128x64xf32, #tpu.memory_space<hbm>>)
      tpu.yield
    }) : () -> ()
    %add3A_64 = arith.constant 256 : i32
    %add3A_65 = arith.addi %mul3A_5, %add3A_64 : i32
    "tpu.region"() ({
      %run_scoped3A_76 = tpu.sem_alloc : memref<!tpu.dma_semaphore, #tpu.memory_space<semaphore_mem>>
      %dma_start3A_77 = arith.constant 0 : i32
      %dma_start3A_78 = tpu.memref_slice %arg17[%add3A_65, %dma_start3A_77] : memref<10112x64xf32, #tpu.memory_space<vmem_shared>> -> memref<128x64xf32, #tpu.memory_space<vmem_shared>>
      %dma_start3A_79 = arith.constant 0 : i32
      %dma_start3A_80 = tpu.memref_slice %arg17[%add3A_65, %dma_start3A_79] : memref<10112x64xf32, #tpu.memory_space<vmem_shared>> -> memref<128x64xf32, #tpu.memory_space<vmem_shared>>
      tpu.enqueue_dma source(%dma_start3A_80 : memref<128x64xf32, #tpu.memory_space<vmem_shared>>) target(%arg7 : memref<128x64xf32, #tpu.memory_space<vmem>>) target_semaphore(%run_scoped3A_76 : memref<!tpu.dma_semaphore, #tpu.memory_space<semaphore_mem>>)
      %dma_wait3A = arith.constant 0 : i32
      %dma_wait3A_81 = tpu.memref_slice %arg17[%add3A_65, %dma_wait3A] : memref<10112x64xf32, #tpu.memory_space<vmem_shared>> -> memref<128x64xf32, #tpu.memory_space<vmem_shared>>
      %dma_wait3A_82 = arith.constant 0 : i32
      %dma_wait3A_83 = tpu.memref_slice %arg17[%add3A_65, %dma_wait3A_82] : memref<10112x64xf32, #tpu.memory_space<vmem_shared>> -> memref<128x64xf32, #tpu.memory_space<vmem_shared>>
      tpu.wait_dma2 semaphore(%run_scoped3A_76 : memref<!tpu.dma_semaphore, #tpu.memory_space<semaphore_mem>>) src(%dma_wait3A_83 : memref<128x64xf32, #tpu.memory_space<vmem_shared>>) dst(%arg7 : memref<128x64xf32, #tpu.memory_space<vmem>>)
      tpu.yield
    }) : () -> ()
    %add3A_66 = arith.constant 256 : i32
    %add3A_67 = arith.addi %mul3A_5, %add3A_66 : i32
    "tpu.region"() ({
      %run_scoped3A_76 = tpu.sem_alloc : memref<!tpu.dma_semaphore, #tpu.memory_space<semaphore_mem>>
      %dma_start3A_77 = tpu.memref_slice %arg4[%add3A_67, %mul3A_55] : memref<10112x128xf32, #tpu.memory_space<hbm>> -> memref<128x64xf32, #tpu.memory_space<hbm>>
      %dma_start3A_78 = tpu.memref_slice %arg4[%add3A_67, %mul3A_55] : memref<10112x128xf32, #tpu.memory_space<hbm>> -> memref<128x64xf32, #tpu.memory_space<hbm>>
      tpu.enqueue_dma source(%arg7 : memref<128x64xf32, #tpu.memory_space<vmem>>) target(%dma_start3A_78 : memref<128x64xf32, #tpu.memory_space<hbm>>) target_semaphore(%run_scoped3A_76 : memref<!tpu.dma_semaphore, #tpu.memory_space<semaphore_mem>>)
      %dma_wait3A = tpu.memref_slice %arg4[%add3A_67, %mul3A_55] : memref<10112x128xf32, #tpu.memory_space<hbm>> -> memref<128x64xf32, #tpu.memory_space<hbm>>
      %dma_wait3A_79 = tpu.memref_slice %arg4[%add3A_67, %mul3A_55] : memref<10112x128xf32, #tpu.memory_space<hbm>> -> memref<128x64xf32, #tpu.memory_space<hbm>>
      tpu.wait_dma2 semaphore(%run_scoped3A_76 : memref<!tpu.dma_semaphore, #tpu.memory_space<semaphore_mem>>) src(%arg7 : memref<128x64xf32, #tpu.memory_space<vmem>>) dst(%dma_wait3A_79 : memref<128x64xf32, #tpu.memory_space<hbm>>)
      tpu.yield
    }) : () -> ()
    %add3A_68 = arith.constant 384 : i32
    %add3A_69 = arith.addi %mul3A_5, %add3A_68 : i32
    "tpu.region"() ({
      %run_scoped3A_76 = tpu.sem_alloc : memref<!tpu.dma_semaphore, #tpu.memory_space<semaphore_mem>>
      %dma_start3A_77 = arith.constant 0 : i32
      %dma_start3A_78 = tpu.memref_slice %arg17[%add3A_69, %dma_start3A_77] : memref<10112x64xf32, #tpu.memory_space<vmem_shared>> -> memref<128x64xf32, #tpu.memory_space<vmem_shared>>
      %dma_start3A_79 = arith.constant 0 : i32
      %dma_start3A_80 = tpu.memref_slice %arg17[%add3A_69, %dma_start3A_79] : memref<10112x64xf32, #tpu.memory_space<vmem_shared>> -> memref<128x64xf32, #tpu.memory_space<vmem_shared>>
      tpu.enqueue_dma source(%dma_start3A_80 : memref<128x64xf32, #tpu.memory_space<vmem_shared>>) target(%arg7 : memref<128x64xf32, #tpu.memory_space<vmem>>) target_semaphore(%run_scoped3A_76 : memref<!tpu.dma_semaphore, #tpu.memory_space<semaphore_mem>>)
      %dma_wait3A = arith.constant 0 : i32
      %dma_wait3A_81 = tpu.memref_slice %arg17[%add3A_69, %dma_wait3A] : memref<10112x64xf32, #tpu.memory_space<vmem_shared>> -> memref<128x64xf32, #tpu.memory_space<vmem_shared>>
      %dma_wait3A_82 = arith.constant 0 : i32
      %dma_wait3A_83 = tpu.memref_slice %arg17[%add3A_69, %dma_wait3A_82] : memref<10112x64xf32, #tpu.memory_space<vmem_shared>> -> memref<128x64xf32, #tpu.memory_space<vmem_shared>>
      tpu.wait_dma2 semaphore(%run_scoped3A_76 : memref<!tpu.dma_semaphore, #tpu.memory_space<semaphore_mem>>) src(%dma_wait3A_83 : memref<128x64xf32, #tpu.memory_space<vmem_shared>>) dst(%arg7 : memref<128x64xf32, #tpu.memory_space<vmem>>)
      tpu.yield
    }) : () -> ()
    %add3A_70 = arith.constant 384 : i32
    %add3A_71 = arith.addi %mul3A_5, %add3A_70 : i32
    "tpu.region"() ({
      %run_scoped3A_76 = tpu.sem_alloc : memref<!tpu.dma_semaphore, #tpu.memory_space<semaphore_mem>>
      %dma_start3A_77 = tpu.memref_slice %arg4[%add3A_71, %mul3A_55] : memref<10112x128xf32, #tpu.memory_space<hbm>> -> memref<128x64xf32, #tpu.memory_space<hbm>>
      %dma_start3A_78 = tpu.memref_slice %arg4[%add3A_71, %mul3A_55] : memref<10112x128xf32, #tpu.memory_space<hbm>> -> memref<128x64xf32, #tpu.memory_space<hbm>>
      tpu.enqueue_dma source(%arg7 : memref<128x64xf32, #tpu.memory_space<vmem>>) target(%dma_start3A_78 : memref<128x64xf32, #tpu.memory_space<hbm>>) target_semaphore(%run_scoped3A_76 : memref<!tpu.dma_semaphore, #tpu.memory_space<semaphore_mem>>)
      %dma_wait3A = tpu.memref_slice %arg4[%add3A_71, %mul3A_55] : memref<10112x128xf32, #tpu.memory_space<hbm>> -> memref<128x64xf32, #tpu.memory_space<hbm>>
      %dma_wait3A_79 = tpu.memref_slice %arg4[%add3A_71, %mul3A_55] : memref<10112x128xf32, #tpu.memory_space<hbm>> -> memref<128x64xf32, #tpu.memory_space<hbm>>
      tpu.wait_dma2 semaphore(%run_scoped3A_76 : memref<!tpu.dma_semaphore, #tpu.memory_space<semaphore_mem>>) src(%arg7 : memref<128x64xf32, #tpu.memory_space<vmem>>) dst(%dma_wait3A_79 : memref<128x64xf32, #tpu.memory_space<hbm>>)
      tpu.yield
    }) : () -> ()
    %add3A_72 = arith.constant 512 : i32
    %add3A_73 = arith.addi %mul3A_5, %add3A_72 : i32
    "tpu.region"() ({
      %run_scoped3A_76 = tpu.sem_alloc : memref<!tpu.dma_semaphore, #tpu.memory_space<semaphore_mem>>
      %dma_start3A_77 = arith.constant 0 : i32
      %dma_start3A_78 = arith.constant 0 : i32
      %dma_start3A_79 = tpu.memref_slice %arg7[%dma_start3A_77, %dma_start3A_78] : memref<128x64xf32, #tpu.memory_space<vmem>> -> memref<120x64xf32, #tpu.memory_space<vmem>>
      %dma_start3A_80 = arith.constant 0 : i32
      %dma_start3A_81 = tpu.memref_slice %arg17[%add3A_73, %dma_start3A_80] : memref<10112x64xf32, #tpu.memory_space<vmem_shared>> -> memref<120x64xf32, #tpu.memory_space<vmem_shared>>
      %dma_start3A_82 = arith.constant 0 : i32
      %dma_start3A_83 = arith.constant 0 : i32
      %dma_start3A_84 = tpu.memref_slice %arg7[%dma_start3A_82, %dma_start3A_83] : memref<128x64xf32, #tpu.memory_space<vmem>> -> memref<120x64xf32, #tpu.memory_space<vmem>>
      %dma_start3A_85 = arith.constant 0 : i32
      %dma_start3A_86 = tpu.memref_slice %arg17[%add3A_73, %dma_start3A_85] : memref<10112x64xf32, #tpu.memory_space<vmem_shared>> -> memref<120x64xf32, #tpu.memory_space<vmem_shared>>
      tpu.enqueue_dma source(%dma_start3A_86 : memref<120x64xf32, #tpu.memory_space<vmem_shared>>) target(%dma_start3A_84 : memref<120x64xf32, #tpu.memory_space<vmem>>) target_semaphore(%run_scoped3A_76 : memref<!tpu.dma_semaphore, #tpu.memory_space<semaphore_mem>>)
      %dma_wait3A = arith.constant 0 : i32
      %dma_wait3A_87 = arith.constant 0 : i32
      %dma_wait3A_88 = tpu.memref_slice %arg7[%dma_wait3A, %dma_wait3A_87] : memref<128x64xf32, #tpu.memory_space<vmem>> -> memref<120x64xf32, #tpu.memory_space<vmem>>
      %dma_wait3A_89 = arith.constant 0 : i32
      %dma_wait3A_90 = tpu.memref_slice %arg17[%add3A_73, %dma_wait3A_89] : memref<10112x64xf32, #tpu.memory_space<vmem_shared>> -> memref<120x64xf32, #tpu.memory_space<vmem_shared>>
      %dma_wait3A_91 = arith.constant 0 : i32
      %dma_wait3A_92 = arith.constant 0 : i32
      %dma_wait3A_93 = tpu.memref_slice %arg7[%dma_wait3A_91, %dma_wait3A_92] : memref<128x64xf32, #tpu.memory_space<vmem>> -> memref<120x64xf32, #tpu.memory_space<vmem>>
      %dma_wait3A_94 = arith.constant 0 : i32
      %dma_wait3A_95 = tpu.memref_slice %arg17[%add3A_73, %dma_wait3A_94] : memref<10112x64xf32, #tpu.memory_space<vmem_shared>> -> memref<120x64xf32, #tpu.memory_space<vmem_shared>>
      tpu.wait_dma2 semaphore(%run_scoped3A_76 : memref<!tpu.dma_semaphore, #tpu.memory_space<semaphore_mem>>) src(%dma_wait3A_95 : memref<120x64xf32, #tpu.memory_space<vmem_shared>>) dst(%dma_wait3A_93 : memref<120x64xf32, #tpu.memory_space<vmem>>)
      tpu.yield
    }) : () -> ()
    %add3A_74 = arith.constant 512 : i32
    %add3A_75 = arith.addi %mul3A_5, %add3A_74 : i32
    "tpu.region"() ({
      %run_scoped3A_76 = tpu.sem_alloc : memref<!tpu.dma_semaphore, #tpu.memory_space<semaphore_mem>>
      %dma_start3A_77 = arith.constant 0 : i32
      %dma_start3A_78 = arith.constant 0 : i32
      %dma_start3A_79 = tpu.memref_slice %arg7[%dma_start3A_77, %dma_start3A_78] : memref<128x64xf32, #tpu.memory_space<vmem>> -> memref<120x64xf32, #tpu.memory_space<vmem>>
      %dma_start3A_80 = tpu.memref_slice %arg4[%add3A_75, %mul3A_55] : memref<10112x128xf32, #tpu.memory_space<hbm>> -> memref<120x64xf32, #tpu.memory_space<hbm>>
      %dma_start3A_81 = tpu.memref_slice %arg4[%add3A_75, %mul3A_55] : memref<10112x128xf32, #tpu.memory_space<hbm>> -> memref<120x64xf32, #tpu.memory_space<hbm>>
      %dma_start3A_82 = arith.constant 0 : i32
      %dma_start3A_83 = arith.constant 0 : i32
      %dma_start3A_84 = tpu.memref_slice %arg7[%dma_start3A_82, %dma_start3A_83] : memref<128x64xf32, #tpu.memory_space<vmem>> -> memref<120x64xf32, #tpu.memory_space<vmem>>
      tpu.enqueue_dma source(%dma_start3A_84 : memref<120x64xf32, #tpu.memory_space<vmem>>) target(%dma_start3A_81 : memref<120x64xf32, #tpu.memory_space<hbm>>) target_semaphore(%run_scoped3A_76 : memref<!tpu.dma_semaphore, #tpu.memory_space<semaphore_mem>>)
      %dma_wait3A = arith.constant 0 : i32
      %dma_wait3A_85 = arith.constant 0 : i32
      %dma_wait3A_86 = tpu.memref_slice %arg7[%dma_wait3A, %dma_wait3A_85] : memref<128x64xf32, #tpu.memory_space<vmem>> -> memref<120x64xf32, #tpu.memory_space<vmem>>
      %dma_wait3A_87 = tpu.memref_slice %arg4[%add3A_75, %mul3A_55] : memref<10112x128xf32, #tpu.memory_space<hbm>> -> memref<120x64xf32, #tpu.memory_space<hbm>>
      %dma_wait3A_88 = tpu.memref_slice %arg4[%add3A_75, %mul3A_55] : memref<10112x128xf32, #tpu.memory_space<hbm>> -> memref<120x64xf32, #tpu.memory_space<hbm>>
      %dma_wait3A_89 = arith.constant 0 : i32
      %dma_wait3A_90 = arith.constant 0 : i32
      %dma_wait3A_91 = tpu.memref_slice %arg7[%dma_wait3A_89, %dma_wait3A_90] : memref<128x64xf32, #tpu.memory_space<vmem>> -> memref<120x64xf32, #tpu.memory_space<vmem>>
      tpu.wait_dma2 semaphore(%run_scoped3A_76 : memref<!tpu.dma_semaphore, #tpu.memory_space<semaphore_mem>>) src(%dma_wait3A_91 : memref<120x64xf32, #tpu.memory_space<vmem>>) dst(%dma_wait3A_88 : memref<120x64xf32, #tpu.memory_space<hbm>>)
      tpu.yield
    }) : () -> ()
    return
  }
}

module attributes {stable_mosaic.version = 14 : i64} {
  func.func @_scale_body(%arg0: i32, %arg1: memref<2000x128xf32, #tpu.memory_space<vmem>>, %arg2: memref<2000x1xf32, #tpu.memory_space<vmem>>, %arg3: memref<2000x128xf32, #tpu.memory_space<vmem>>) attributes {dimension_semantics = [#tpu.dimension_semantics<arbitrary>], iteration_bounds = array<i64: 5>, scalar_prefetch = 0 : i64, scratch_operands = 0 : i64, tpu.core_type = #tpu.core_type<tc>, window_params = [{transform_indices = @transform_0, window_bounds = array<i64: 2000, 128>}, {transform_indices = @transform_1, window_bounds = array<i64: 2000, 1>}, {transform_indices = @transform_2, window_bounds = array<i64: 2000, 128>}]} {
    %get3A = arith.constant 0 : index
    %get3A_0 = arith.constant 0 : index
    %get3A_1 = vector.load %arg1[%get3A, %get3A_0] : memref<2000x128xf32, #tpu.memory_space<vmem>>, vector<2000x128xf32>
    %get3A_2 = arith.constant 0 : index
    %get3A_3 = arith.constant 0 : index
    %get3A_4 = vector.load %arg2[%get3A_2, %get3A_3] : memref<2000x1xf32, #tpu.memory_space<vmem>>, vector<2000x1xf32>
    %gt3A = arith.constant 0.000000e+00 : f32
    %gt3A_5 = vector.broadcast %gt3A : f32 to vector<2000x1xf32>
    %gt3A_6 = arith.cmpf ogt, %get3A_4, %gt3A_5 : vector<2000x1xf32>
    %rsqrt3A = math.rsqrt %get3A_4 : vector<2000x1xf32>
    %jit3A = arith.constant 0.000000e+00 : f32
    %broadcast_in_dim3A = vector.broadcast %jit3A : f32 to vector<2000x1xf32>
    %select_n3A = arith.select %gt3A_6, %rsqrt3A, %broadcast_in_dim3A : vector<2000x1xi1>, vector<2000x1xf32>
    %mul3A = vector.broadcast %select_n3A : vector<2000x1xf32> to vector<2000x128xf32>
    %mul3A_7 = arith.mulf %get3A_1, %mul3A : vector<2000x128xf32>
    %swap3A = arith.constant 0 : index
    %swap3A_8 = arith.constant 0 : index
    %swap3A_9 = vector.load %arg3[%swap3A, %swap3A_8] : memref<2000x128xf32, #tpu.memory_space<vmem>>, vector<2000x128xf32>
    tpu.vector_store %arg3[%swap3A, %swap3A_8], %mul3A_7 {strides = array<i32>} : memref<2000x128xf32, #tpu.memory_space<vmem>>, vector<2000x128xf32>,
    return
  }
  func.func @transform_0(%arg0: i32) -> (i32, i32) {
    %c0_i32 = arith.constant 0 : i32
    %c0_i32_0 = arith.constant 0 : i32
    return %arg0, %c0_i32 : i32, i32
  }
  func.func @transform_1(%arg0: i32) -> (i32, i32) {
    %c0_i32 = arith.constant 0 : i32
    %c0_i32_0 = arith.constant 0 : i32
    return %arg0, %c0_i32 : i32, i32
  }
  func.func @transform_2(%arg0: i32) -> (i32, i32) {
    %c0_i32 = arith.constant 0 : i32
    %c0_i32_0 = arith.constant 0 : i32
    return %arg0, %c0_i32 : i32, i32
  }
}

module attributes {stable_mosaic.version = 14 : i64} {
  func.func @_layer_body(%arg0: i32, %arg1: memref<2000x128xf32, #tpu.memory_space<vmem>>, %arg2: memref<2000x1xf32, #tpu.memory_space<vmem>>, %arg3: memref<2000x1xf32, #tpu.memory_space<vmem>>, %arg4: memref<128x128xf32, #tpu.memory_space<vmem>>, %arg5: memref<1x128xf32, #tpu.memory_space<vmem>>, %arg6: memref<2000x128xf32, #tpu.memory_space<vmem>>) attributes {dimension_semantics = [#tpu.dimension_semantics<arbitrary>], iteration_bounds = array<i64: 5>, scalar_prefetch = 0 : i64, scratch_operands = 0 : i64, tpu.core_type = #tpu.core_type<tc>, window_params = [{transform_indices = @transform_0, window_bounds = array<i64: 2000, 128>}, {transform_indices = @transform_1, window_bounds = array<i64: 2000, 1>}, {transform_indices = @transform_2, window_bounds = array<i64: 2000, 1>}, {pipeline_mode = #tpu.pipeline_mode<synchronous>, transform_indices = @transform_3, window_bounds = array<i64: 128, 128>}, {pipeline_mode = #tpu.pipeline_mode<synchronous>, transform_indices = @transform_4, window_bounds = array<i64: 1, 128>}, {transform_indices = @transform_5, window_bounds = array<i64: 2000, 128>}]} {
    %get3A = arith.constant 0 : index
    %get3A_0 = arith.constant 0 : index
    %get3A_1 = vector.load %arg1[%get3A, %get3A_0] : memref<2000x128xf32, #tpu.memory_space<vmem>>, vector<2000x128xf32>
    %get3A_2 = arith.constant 0 : index
    %get3A_3 = arith.constant 0 : index
    %get3A_4 = vector.load %arg2[%get3A_2, %get3A_3] : memref<2000x1xf32, #tpu.memory_space<vmem>>, vector<2000x1xf32>
    %gt3A = arith.constant 0.000000e+00 : f32
    %gt3A_5 = vector.broadcast %gt3A : f32 to vector<2000x1xf32>
    %gt3A_6 = arith.cmpf ogt, %get3A_4, %gt3A_5 : vector<2000x1xf32>
    %rsqrt3A = math.rsqrt %get3A_4 : vector<2000x1xf32>
    %jit3A = arith.constant 0.000000e+00 : f32
    %broadcast_in_dim3A = vector.broadcast %jit3A : f32 to vector<2000x1xf32>
    %select_n3A = arith.select %gt3A_6, %rsqrt3A, %broadcast_in_dim3A : vector<2000x1xi1>, vector<2000x1xf32>
    %mul3A = vector.broadcast %select_n3A : vector<2000x1xf32> to vector<2000x128xf32>
    %mul3A_7 = arith.mulf %get3A_1, %mul3A : vector<2000x128xf32>
    %get3A_8 = arith.constant 0 : index
    %get3A_9 = arith.constant 0 : index
    %get3A_10 = vector.load %arg4[%get3A_8, %get3A_9] : memref<128x128xf32, #tpu.memory_space<vmem>>, vector<128x128xf32>
    %dot_general3A = arith.constant dense<0.000000e+00> : vector<2000x128xf32>
    %dot_general3A_11 = tpu.matmul %mul3A_7, %get3A_10, %dot_general3A {dimension_numbers = #tpu.dot_dimension_numbers<[1], [0], [0], [1], [0, 0, 1, 1], [], []>, transpose_lhs_hint = false} : vector<2000x128xf32>, vector<128x128xf32>, vector<2000x128xf32> -> vector<2000x128xf32>
    %get3A_12 = arith.constant 0 : index
    %get3A_13 = arith.constant 0 : index
    %get3A_14 = vector.load %arg5[%get3A_12, %get3A_13] : memref<1x128xf32, #tpu.memory_space<vmem>>, vector<1x128xf32>
    %add3A = vector.broadcast %get3A_14 : vector<1x128xf32> to vector<2000x128xf32>
    %add3A_15 = arith.addf %dot_general3A_11, %add3A : vector<2000x128xf32>
    %logistic3A = arith.negf %add3A_15 : vector<2000x128xf32>
    %logistic3A_16 = math.exp %logistic3A : vector<2000x128xf32>
    %logistic3A_17 = arith.constant 1.000000e+00 : f32
    %logistic3A_18 = vector.broadcast %logistic3A_17 : f32 to vector<2000x128xf32>
    %logistic3A_19 = arith.addf %logistic3A_18, %logistic3A_16 : vector<2000x128xf32>
    %logistic3A_20 = arith.divf %logistic3A_18, %logistic3A_19 : vector<2000x128xf32>
    %get3A_21 = arith.constant 0 : index
    %get3A_22 = arith.constant 0 : index
    %get3A_23 = vector.load %arg3[%get3A_21, %get3A_22] : memref<2000x1xf32, #tpu.memory_space<vmem>>, vector<2000x1xf32>
    %gt3A_24 = arith.constant 0.000000e+00 : f32
    %gt3A_25 = vector.broadcast %gt3A_24 : f32 to vector<2000x1xf32>
    %gt3A_26 = arith.cmpf ogt, %get3A_23, %gt3A_25 : vector<2000x1xf32>
    %rsqrt3A_27 = math.rsqrt %get3A_23 : vector<2000x1xf32>
    %jit3A_28 = arith.constant 0.000000e+00 : f32
    %broadcast_in_dim3A_29 = vector.broadcast %jit3A_28 : f32 to vector<2000x1xf32>
    %select_n3A_30 = arith.select %gt3A_26, %rsqrt3A_27, %broadcast_in_dim3A_29 : vector<2000x1xi1>, vector<2000x1xf32>
    %mul3A_31 = vector.broadcast %select_n3A_30 : vector<2000x1xf32> to vector<2000x128xf32>
    %mul3A_32 = arith.mulf %logistic3A_20, %mul3A_31 : vector<2000x128xf32>
    %swap3A = arith.constant 0 : index
    %swap3A_33 = arith.constant 0 : index
    %swap3A_34 = vector.load %arg6[%swap3A, %swap3A_33] : memref<2000x128xf32, #tpu.memory_space<vmem>>, vector<2000x128xf32>
    tpu.vector_store %arg6[%swap3A, %swap3A_33], %mul3A_32 {strides = array<i32>} : memref<2000x128xf32, #tpu.memory_space<vmem>>, vector<2000x128xf32>,
    return
  }
  func.func @transform_0(%arg0: i32) -> (i32, i32) {
    %c0_i32 = arith.constant 0 : i32
    %c0_i32_0 = arith.constant 0 : i32
    return %arg0, %c0_i32 : i32, i32
  }
  func.func @transform_1(%arg0: i32) -> (i32, i32) {
    %c0_i32 = arith.constant 0 : i32
    %c0_i32_0 = arith.constant 0 : i32
    return %arg0, %c0_i32 : i32, i32
  }
  func.func @transform_2(%arg0: i32) -> (i32, i32) {
    %c0_i32 = arith.constant 0 : i32
    %c0_i32_0 = arith.constant 0 : i32
    return %arg0, %c0_i32 : i32, i32
  }
  func.func @transform_3(%arg0: i32) -> (i32, i32) {
    %c0_i32 = arith.constant 0 : i32
    %c0_i32_0 = arith.constant 0 : i32
    %c0_i32_1 = arith.constant 0 : i32
    return %c0_i32, %c0_i32_0 : i32, i32
  }
  func.func @transform_4(%arg0: i32) -> (i32, i32) {
    %c0_i32 = arith.constant 0 : i32
    %c0_i32_0 = arith.constant 0 : i32
    %c0_i32_1 = arith.constant 0 : i32
    return %c0_i32, %c0_i32_0 : i32, i32
  }
  func.func @transform_5(%arg0: i32) -> (i32, i32) {
    %c0_i32 = arith.constant 0 : i32
    %c0_i32_0 = arith.constant 0 : i32
    return %arg0, %c0_i32 : i32, i32
  }
}

module attributes {stable_mosaic.version = 14 : i64} {
  func.func @_final_body(%arg0: i32, %arg1: memref<2000x128xf32, #tpu.memory_space<vmem>>, %arg2: memref<2000x1xf32, #tpu.memory_space<vmem>>, %arg3: memref<128x128xf32, #tpu.memory_space<vmem>>, %arg4: memref<1x128xf32, #tpu.memory_space<vmem>>, %arg5: memref<128x64xf32, #tpu.memory_space<vmem>>, %arg6: memref<1x64xf32, #tpu.memory_space<vmem>>, %arg7: memref<2000x64xf32, #tpu.memory_space<vmem>>) attributes {dimension_semantics = [#tpu.dimension_semantics<arbitrary>], iteration_bounds = array<i64: 5>, scalar_prefetch = 0 : i64, scratch_operands = 0 : i64, tpu.core_type = #tpu.core_type<tc>, window_params = [{transform_indices = @transform_0, window_bounds = array<i64: 2000, 128>}, {transform_indices = @transform_1, window_bounds = array<i64: 2000, 1>}, {pipeline_mode = #tpu.pipeline_mode<synchronous>, transform_indices = @transform_2, window_bounds = array<i64: 128, 128>}, {pipeline_mode = #tpu.pipeline_mode<synchronous>, transform_indices = @transform_3, window_bounds = array<i64: 1, 128>}, {pipeline_mode = #tpu.pipeline_mode<synchronous>, transform_indices = @transform_4, window_bounds = array<i64: 128, 64>}, {pipeline_mode = #tpu.pipeline_mode<synchronous>, transform_indices = @transform_5, window_bounds = array<i64: 1, 64>}, {transform_indices = @transform_6, window_bounds = array<i64: 2000, 64>}]} {
    %get3A = arith.constant 0 : index
    %get3A_0 = arith.constant 0 : index
    %get3A_1 = vector.load %arg1[%get3A, %get3A_0] : memref<2000x128xf32, #tpu.memory_space<vmem>>, vector<2000x128xf32>
    %get3A_2 = arith.constant 0 : index
    %get3A_3 = arith.constant 0 : index
    %get3A_4 = vector.load %arg2[%get3A_2, %get3A_3] : memref<2000x1xf32, #tpu.memory_space<vmem>>, vector<2000x1xf32>
    %gt3A = arith.constant 0.000000e+00 : f32
    %gt3A_5 = vector.broadcast %gt3A : f32 to vector<2000x1xf32>
    %gt3A_6 = arith.cmpf ogt, %get3A_4, %gt3A_5 : vector<2000x1xf32>
    %rsqrt3A = math.rsqrt %get3A_4 : vector<2000x1xf32>
    %jit3A = arith.constant 0.000000e+00 : f32
    %broadcast_in_dim3A = vector.broadcast %jit3A : f32 to vector<2000x1xf32>
    %select_n3A = arith.select %gt3A_6, %rsqrt3A, %broadcast_in_dim3A : vector<2000x1xi1>, vector<2000x1xf32>
    %mul3A = vector.broadcast %select_n3A : vector<2000x1xf32> to vector<2000x128xf32>
    %mul3A_7 = arith.mulf %get3A_1, %mul3A : vector<2000x128xf32>
    %get3A_8 = arith.constant 0 : index
    %get3A_9 = arith.constant 0 : index
    %get3A_10 = vector.load %arg3[%get3A_8, %get3A_9] : memref<128x128xf32, #tpu.memory_space<vmem>>, vector<128x128xf32>
    %dot_general3A = arith.constant dense<0.000000e+00> : vector<2000x128xf32>
    %dot_general3A_11 = tpu.matmul %mul3A_7, %get3A_10, %dot_general3A {dimension_numbers = #tpu.dot_dimension_numbers<[1], [0], [0], [1], [0, 0, 1, 1], [], []>, transpose_lhs_hint = false} : vector<2000x128xf32>, vector<128x128xf32>, vector<2000x128xf32> -> vector<2000x128xf32>
    %get3A_12 = arith.constant 0 : index
    %get3A_13 = arith.constant 0 : index
    %get3A_14 = vector.load %arg4[%get3A_12, %get3A_13] : memref<1x128xf32, #tpu.memory_space<vmem>>, vector<1x128xf32>
    %add3A = vector.broadcast %get3A_14 : vector<1x128xf32> to vector<2000x128xf32>
    %add3A_15 = arith.addf %dot_general3A_11, %add3A : vector<2000x128xf32>
    %logistic3A = arith.negf %add3A_15 : vector<2000x128xf32>
    %logistic3A_16 = math.exp %logistic3A : vector<2000x128xf32>
    %logistic3A_17 = arith.constant 1.000000e+00 : f32
    %logistic3A_18 = vector.broadcast %logistic3A_17 : f32 to vector<2000x128xf32>
    %logistic3A_19 = arith.addf %logistic3A_18, %logistic3A_16 : vector<2000x128xf32>
    %logistic3A_20 = arith.divf %logistic3A_18, %logistic3A_19 : vector<2000x128xf32>
    %get3A_21 = arith.constant 0 : index
    %get3A_22 = arith.constant 0 : index
    %get3A_23 = vector.load %arg5[%get3A_21, %get3A_22] : memref<128x64xf32, #tpu.memory_space<vmem>>, vector<128x64xf32>
    %dot_general3A_24 = arith.constant dense<0.000000e+00> : vector<2000x64xf32>
    %dot_general3A_25 = tpu.matmul %logistic3A_20, %get3A_23, %dot_general3A_24 {dimension_numbers = #tpu.dot_dimension_numbers<[1], [0], [0], [1], [0, 0, 1, 1], [], []>, transpose_lhs_hint = false} : vector<2000x128xf32>, vector<128x64xf32>, vector<2000x64xf32> -> vector<2000x64xf32>
    %get3A_26 = arith.constant 0 : index
    %get3A_27 = arith.constant 0 : index
    %get3A_28 = vector.load %arg6[%get3A_26, %get3A_27] : memref<1x64xf32, #tpu.memory_space<vmem>>, vector<1x64xf32>
    %add3A_29 = vector.broadcast %get3A_28 : vector<1x64xf32> to vector<2000x64xf32>
    %add3A_30 = arith.addf %dot_general3A_25, %add3A_29 : vector<2000x64xf32>
    %swap3A = arith.constant 0 : index
    %swap3A_31 = arith.constant 0 : index
    %swap3A_32 = vector.load %arg7[%swap3A, %swap3A_31] : memref<2000x64xf32, #tpu.memory_space<vmem>>, vector<2000x64xf32>
    tpu.vector_store %arg7[%swap3A, %swap3A_31], %add3A_30 {strides = array<i32>} : memref<2000x64xf32, #tpu.memory_space<vmem>>, vector<2000x64xf32>,
    return
  }
  func.func @transform_0(%arg0: i32) -> (i32, i32) {
    %c0_i32 = arith.constant 0 : i32
    %c0_i32_0 = arith.constant 0 : i32
    return %arg0, %c0_i32 : i32, i32
  }
  func.func @transform_1(%arg0: i32) -> (i32, i32) {
    %c0_i32 = arith.constant 0 : i32
    %c0_i32_0 = arith.constant 0 : i32
    return %arg0, %c0_i32 : i32, i32
  }
  func.func @transform_2(%arg0: i32) -> (i32, i32) {
    %c0_i32 = arith.constant 0 : i32
    %c0_i32_0 = arith.constant 0 : i32
    %c0_i32_1 = arith.constant 0 : i32
    return %c0_i32, %c0_i32_0 : i32, i32
  }
  func.func @transform_3(%arg0: i32) -> (i32, i32) {
    %c0_i32 = arith.constant 0 : i32
    %c0_i32_0 = arith.constant 0 : i32
    %c0_i32_1 = arith.constant 0 : i32
    return %c0_i32, %c0_i32_0 : i32, i32
  }
  func.func @transform_4(%arg0: i32) -> (i32, i32) {
    %c0_i32 = arith.constant 0 : i32
    %c0_i32_0 = arith.constant 0 : i32
    %c0_i32_1 = arith.constant 0 : i32
    return %c0_i32, %c0_i32_0 : i32, i32
  }
  func.func @transform_5(%arg0: i32) -> (i32, i32) {
    %c0_i32 = arith.constant 0 : i32
    %c0_i32_0 = arith.constant 0 : i32
    %c0_i32_1 = arith.constant 0 : i32
    return %c0_i32, %c0_i32_0 : i32, i32
  }
  func.func @transform_6(%arg0: i32) -> (i32, i32) {
    %c0_i32 = arith.constant 0 : i32
    %c0_i32_0 = arith.constant 0 : i32
    return %arg0, %c0_i32 : i32, i32
  }
}

</mosaic_0001>

<sc_bundles>
// kernel: kernel.11.cloned.1.call-start
scs
__scs_entry_jumppad:
0x0: {  	(pc) =	sbr.rel $0x88, $3  }
0x1: {  	(tag) =	ssettag $0x0;
	lr =	simm.s32 $0x1  }
0x2: {  	[smem:$0x3F99] =	sst lr;
	_ =	strace $0xD0000000  }
0x3: {  	_ = 	snop  }
0x4: {  	_ = 	snop  }
0x5: {  	_ = 	snop  }
0x6: {  	_ = 	snop  }
0x7: {  	_ = 	snop  }
__scs_overlays_trampoline_lowered:
0x8: {  	[smem:$0x3FA8] =	sst s0  }
0x9: {  	[smem:$0x3FA9] =	sst s1  }
0xa: {  	[smem:$0x3FAA] =	sst s2  }
0xb: {  	[smem:$0x3FAB] =	sst s3  }
0xc: {  	[smem:$0x3FAC] =	sst s4  }
0xd: {  	[smem:$0x3FAD] =	sst s5  }
0xe: {  	[smem:$0x3FAE] =	sst s6  }
0xf: {  	[smem:$0x3FAF] =	sst s7  }
0x10: {  	[smem:$0x3FB0] =	sst s8  }
0x11: {  	[smem:$0x3FB1] =	sst s9;
	s0 =	simm.s32 @!p0 $0x0  }
0x12: {  	s1 =	sld [smem:$0x3F97];
	s0 =	simm.s32 @p0 $0x1  }
0x13: {  	[smem:$0x3FB2] =	sst s0;
	s0 =	simm.s32 @!p1 $0x0  }
0x14: {  	s2 =	sld [smem:$0x3F96];
	s0 =	simm.s32 @p1 $0x1  }
0x15: {  	[smem:$0x3FB3] =	sst s0;
	s0 =	simm.s32 @!p2 $0x0  }
0x16: {  	s3 =	sld [smem:$0x3FDB];
	s0 =	simm.s32 @p2 $0x1  }
0x17: {  	s4 =	simm.s32 $0x1BF5;
	[smem:$0x3FB5] =	sst s0  }
0x18: {  	s0 =	sld [smem:$0x3F98];
	_ =	swait.ge [sflag:s4], $0x0  }
0x19: {  	s7 =	sld [smem:$0x3F99]  }
0x1a: {  	s8 =	sadd.s32 $0xFFFFE003, lr  }
0x1b: {  	s9 =	sadd.s32 $0xFFFFFEF7, lr;
	s5 =	simm.s32 $0xFFFFFFFF;
	p2 =	slt.u32 s8, $0xFFFFF086  }
0x1c: {  	p1 =	slt.u32 s9, $0xF7A;
	s5 =	simm.s32 @!p2 $0x0  }
0x1d: {  	s5 =	simm.s32 @p1 $0x1;
	p0 =	seq.s32 s7, s2  }
0x1e: {  	s7 =	smul.u32 @!p0 $0xF7A, s2;
	p2 =	seq.s32 @!p0 s5, $0x0  }
0x1f: {  	s9 =	smul.u32 $0xF7A, s1;
	s8 =	simm.s32 @!p0 $0x1BF5;
	p2 =	por !p2, p0  }
0x20: {  	[sflag:s8] =	ssyncset.s32 @!p0 $0xFFFFF086;
	s6 =	sadd.s32 @!p0 s3, s7;
	s7 =	simm.s32 @!p0 $0x108  }
0x21: {  	s3 =	sadd.s32 s3, s9;
	s6 =	sadd.s32 @!p0 $0x88, s6;
	s7 =	simm.s32 @p2 $0x1082  }
0x22: {  	[simem:s7], [sflag:s8] =	dma.local @!p0 [hbm:s6], $0xF7A  }
0x23: {  	s9 =	sor.u32 $0xD0000000, s2;
	s6 =	simm.s32 $0x108;
	_ =	swait.ge @!p0 [sflag:s8], $0x0  }
0x24: {  	s3 =	sadd.s32 $0x88, s3;
	s6 =	simm.s32 @!p1 $0x1082;
	[sflag:s4] =	ssyncset.s32 $0xFFFFF086  }
0x25: {  	[simem:s6], [sflag:s4] =	dma.local [hbm:s3], $0xF7A  }
0x26: {  	[smem:$0x3F99] =	sst s1;
	(tag) =	ssettag s2;
	_ =	strace s9  }
0x27: {  	s1 =	sld [smem:$0x3FA9]  }
0x28: {  	s2 =	sld [smem:$0x3FAA]  }
0x29: {  	s4 =	sld [smem:$0x3FAC]  }
0x2a: {  	p0 =	seq.s32 s5, $0x0;
	s5 =	sld [smem:$0x3FAD]  }
0x2b: {  	s6 =	sld [smem:$0x3FAE]  }
0x2c: {  	s7 =	sld [smem:$0x3FAF]  }
0x2d: {  	s3 =	simm.s32 $0x108;
	s8 =	sld [smem:$0x3FB0]  }
0x2e: {  	s3 =	simm.s32 @!p0 $0x1082;
	s9 =	sld [smem:$0x3FB1]  }
0x2f: {  	lr =	sadd.s32 s0, s3;
	s0 =	sld [smem:$0x3FA8]  }
0x30: {  	s3 =	sld [smem:$0x3FAB]  }
0x31: {  	[smem:$0x3FB4] =	sst s10  }
0x32: {  	s10 =	sld [smem:$0x3FB2];
	_ =	sdelay $0x3  }
0x33: {  	p0 =	seq.s32 s10, $0x1;
	s10 =	sld [smem:$0x3FB4];
	_ =	sdelay $0x3  }
0x34: {  	[smem:$0x3FB4] =	sst s10  }
0x35: {  	s10 =	sld [smem:$0x3FB3];
	_ =	sdelay $0x3  }
0x36: {  	p1 =	seq.s32 s10, $0x1;
	s10 =	sld [smem:$0x3FB4];
	_ =	sdelay $0x3  }
0x37: {  	[smem:$0x3FB4] =	sst s10  }
0x38: {  	s10 =	sld [smem:$0x3FB5]  }
0x39: {  	_ = 	snop;
	(pc) =	sbr.ind lr, $3  }
0x3a: {  	_ = 	snop  }
0x3b: {  	_ = 	snop  }
0x3c: {  	p2 =	seq.s32 s10, $0x1;
	s10 =	sld [smem:$0x3FB4]  }
0x3d: {  	_ =	shalt  }
0x3e: {  	_ =	shalt  }
0x3f: {  	_ =	shalt  }
0x40: {  	_ =	shalt  }
0x41: {  	_ =	shalt  }
0x42: {  	_ =	shalt  }
0x43: {  	_ =	shalt  }
0x44: {  	_ =	shalt  }
0x45: {  	_ =	shalt  }
0x46: {  	_ =	shalt  }
0x47: {  	_ =	shalt  }
0x48: {  	_ =	shalt  }
0x49: {  	_ =	shalt  }
0x4a: {  	_ =	shalt  }
0x4b: {  	_ =	shalt  }
0x4c: {  	_ =	shalt  }
0x4d: {  	_ =	shalt  }
0x4e: {  	_ =	shalt  }
0x4f: {  	_ =	shalt  }
0x50: {  	_ =	shalt  }
0x51: {  	_ =	shalt  }
0x52: {  	_ =	shalt  }
0x53: {  	_ =	shalt  }
0x54: {  	_ =	shalt  }
0x55: {  	_ =	shalt  }
0x56: {  	_ =	shalt  }
0x57: {  	_ =	shalt  }
0x58: {  	_ =	shalt  }
0x59: {  	_ =	shalt  }
0x5a: {  	_ =	shalt  }
0x5b: {  	_ =	shalt  }
0x5c: {  	_ =	shalt  }
0x5d: {  	_ =	shalt  }
0x5e: {  	_ =	shalt  }
0x5f: {  	_ =	shalt  }
0x60: {  	_ =	shalt  }
0x61: {  	_ =	shalt  }
0x62: {  	_ =	shalt  }
0x63: {  	_ =	shalt  }
0x64: {  	_ =	shalt  }
0x65: {  	_ =	shalt  }
0x66: {  	_ =	shalt  }
0x67: {  	_ =	shalt  }
0x68: {  	_ =	shalt  }
0x69: {  	_ =	shalt  }
0x6a: {  	_ =	shalt  }
0x6b: {  	_ =	shalt  }
0x6c: {  	_ =	shalt  }
0x6d: {  	_ =	shalt  }
0x6e: {  	_ =	shalt  }
0x6f: {  	_ =	shalt  }
0x70: {  	_ =	shalt  }
0x71: {  	_ =	shalt  }
0x72: {  	_ =	shalt  }
0x73: {  	_ =	shalt  }
0x74: {  	_ =	shalt  }
0x75: {  	_ =	shalt  }
0x76: {  	_ =	shalt  }
0x77: {  	_ =	shalt  }
0x78: {  	_ =	shalt  }
0x79: {  	_ =	shalt  }
0x7a: {  	_ =	shalt  }
0x7b: {  	_ =	shalt  }
0x7c: {  	_ =	shalt  }
0x7d: {  	_ =	shalt  }
0x7e: {  	_ =	shalt  }
0x7f: {  	_ =	shalt  }
0x80: {  	_ =	shalt  }
0x81: {  	_ =	shalt  }
0x82: {  	_ =	shalt  }
0x83: {  	_ =	shalt  }
0x84: {  	_ =	shalt  }
0x85: {  	_ =	shalt  }
0x86: {  	_ =	shalt  }
0x87: {  	_ =	shalt  }
.Lfunc_end0:
.L_simem_size_0:
called_computation.1_lowered:
.L_overlay_start_0:
0x88: {  	s2 =	sld [smem:$0x3FD9]  }
0x89: {  	s3 =	sld [smem:$0x3FFE];
	_ =	sdelay $0x1  }
0x8a: {  	s1 =	srdreg.scid  }
0x8b: {  	s0 =	sand.u32 $0x1, s1  }
0x8c: {  	s16 =	sshll.u32 s0, $0xA;
	s2 =	sadd.s32 s3, s2  }
0x8d: {  	s2 =	sadd.s32 s2, s16  }
0x8e: {  	[smem:$0x3FC0] =	sst s2  }
0x8f: {  	_ = 	snop  }
0x90: {  	(tm) =	ssettm $0x1  }
0x91: {  	s17 =	sld [smem:$0x3FFB];
	_ =	sdelay $0x3  }
0x92: {  	_ =	strace s17  }
0x93: {  	s2 =	sld [smem:$0x3FFC];
	_ =	sdelay $0x3  }
0x94: {  	_ =	strace s2  }
0x95: {  	s2 =	sld [smem:$0x3FFD];
	_ =	sdelay $0x3  }
0x96: {  	_ =	strace s2  }
0x97: {  	_ =	strace $0x8FFFFFFF  }
0x98: {  	s18 =	sld [smem:$0x3FDB];
	_ =	sdelay $0x1  }
0x99: {  	s19 =	simm.s32 $_scs_section_size  }
0x9a: {  	s4 =	simm.s32 $_size__tile_overlayer_lowered;
	s5 =	simm.s32 $_tile_overlayer_lowered  }
0x9b: {  	s22 =	simm.s32 $0x1BFF;
	s21 =	sshll.u32 s5, $0x1;
	s2 =	sadd.s32 s19, s18  }
0x9c: {  	s6 =	simm.s32 $0x0;
	s20 =	sshll.u32 s4, $0x1;
	s4 =	sadd.s32 s21, s2  }
0x9d: {  	[timem:s6], [sflag:s22] =	dma.local [hbm:s4], s20  }
0x9e: {  	_ =	swait.ge [sflag:s22], s20  }
0x9f: {  	s3 =	ssub.s32 $0x0, s20;
	[sflag:s22] =	ssyncset.done $0x0  }
0xa0: {  	[sflag:s22] =	ssyncadd.s32 s3;
	_ =	sdelay $0x1  }
0xa1: {  	s23 =	simm.s32 $0x1B8B  }
0xa2: {  	_ =	swait.ge [sflag:s23], $0x1  }
0xa3: {  	[sflag:s23] =	ssyncset.done $0x0  }
0xa4: {  	s25 =	simm.s32 $0x1B8E;
	s24 =	sld [smem:$0x3FFE];
	[sflag:s23] =	ssyncadd.s32 $0xFFFFFFFF  }
0xa5: {  	s26 =	simm.s32 $execute0_lowered;
	[smem:$0x3FD2] =	sst s25  }
0xa6: {  	s4 =	sshll.u32 s26, $0x1;
	_ =	strace $0x80000049;
	[dreg:$0x1] =	wrdreg $0xFFFFFFFF  }
0xa7: {  	s28 =	simm.s32 $_size_execute0_lowered;
	s2 =	sadd.s32 s2, s4;
	[dreg:$0x0] =	wrdreg $0x0  }
0xa8: {  	s4 =	sshll.u32 s28, $0x1;
	[dreg:$0x2] =	wrdreg s2  }
0xa9: {  	[dreg:$0x3] =	wrdreg s4  }
0xaa: {  	[dreg:$0x4] =	wrdreg $0xC0  }
0xab: {  	_ =	task [dreg:s6], $0x5FFFF  }
0xac: {  	[dreg:$0x1] =	wrdreg $0xFFFFFFFF  }
0xad: {  	[dreg:$0x0] =	wrdreg $0x60  }
0xae: {  	[dreg:$0x2] =	wrdreg s24  }
0xaf: {  	[dreg:$0x3] =	wrdreg $0x140000  }
0xb0: {  	[dreg:$0x4] =	wrdreg $0x9  }
0xb1: {  	_ =	task.clear_ibuf [dreg:s6], $0x5FFFF;
	_ =	strace $0x90000049  }
0xb2: {  	s29 =	simm.s32 $0x9;
	_ =	strace $0x8000004B  }
0xb3: {  	_ =	swait.ge [sflag:s29], $0x1  }
0xb4: {  	[sflag:s29] =	ssyncadd.s32 $0xFFFFFFFF  }
0xb5: {  	_ =	strace $0x9000004B  }
0xb6: {  	_ =	sfence  }
0xb7: {  	s30 =	sld [smem:$0x0];
	_ =	sdelay $0x2  }
0xb8: {  	s31 =	sshll.u32 s1, $0xD;
	s1 =	sshrl.u32 s1, $0x2  }
0xb9: {  	s3 =	sand.u32 $0x4000, s31;
	s1 =	sadd.s32 s1, s30  }
0xba: {  	s0 =	sor.u32 s3, s0;
	s1 =	sshll.u32 s1, $0x11  }
0xbb: {  	s0 =	sor.u32 s1, s0  }
0xbc: {  	s0 =	sadd.s32 $0x8F2B, s0  }
0xbd: {  	[sflag:s0] =	ssyncadd.remote.s32 $0x1  }
0xbe: {  	_ =	sfence.sel $0xFFFF  }
0xbf: {  	[dreg:$0x0] =	wrdreg $0xFFFFFFFF;
	(pc) =	sbr.abs _section_cstart, $3  }
0xc0: {  	[dreg:$0x1] =	wrdreg $0xFFFFFFFF  }
0xc1: {  	_ =	task.clear_ibuf [dreg:s6], $0x2FFFF;
	_ =	strace $0x9FFFFFFF  }
0xc2: {  	(tm) =	ssettm $0x7FFFFFFF  }
0xc3: {  	_ =	shalt  }
tec
execute0_lowered:
.L_overlay_start_1:
0x0: {  	(tag) =	ssettag $0x1  }
0x1: {  	s0 =	rddreg [dreg:$0x0]  }
0x2: {  	s2 =	rddreg [dreg:$0x1];
	s3 =	simm.s32 $0x0;
	s12 =	stileid.u32  }
0x3: {  	s1 =	srdreg.scid;
	s18 =	simm.s32 $0xA000;
	s19 =	simm.s32 $0x6  }
0x4: {  	s21 =	simm.s32 $0x80;
	s28 =	simm.s32 $0x1;
	s5 =	smul.u32 $0x5000, s12  }
0x5: {  	s29 =	simm.s32 $0x12000;
	s30 =	simm.s32 $0x2;
	s8 =	smul.u32 $0x278, s12  }
0x6: {  	s31 =	simm.s32 $0x3;
	[smem:$0x7FF] =	sst s3;
	s7 =	smul.u32 $0x27800, s12  }
0x7: {  	s20 =	sand.u32 $0x1, s1;
	s4 =	sadd.s32 $0x16E00, s0;
	s12 =	smul.u32 $0x13C00, s12  }
0x8: {  	_ =	strace $0x8000004A;
	s1 =	ssub.s32 $0x2, s20;
	s17 =	sshll.u32 s20, $0x6  }
0x9: {  	v0 =	vmov s20;
	s20 =	simm.s32 $0x40;
	s5 =	sshrl.u32 s5, $0x3;
	s6 =	sshrl.u32 s1, $0x1  }
0xa: {  	s22 =	sshrl.u32 s7, $0x2;
	s10 =	sadd.s32 $0x80, s8;
	s14 =	sadd.s32 $0x100, s8  }
0xb: {  	s15 =	sadd.s32 $0x180, s8;
	s16 =	sadd.s32 $0x200, s8;
	s12 =	sor.u32 s17, s12  }
0xc: {  	s11 =	sadd.s32 s5, s0;
	s0 =	sadd.s32 $0x3E000, s0;
	s1 =	ssub.s32 s1, s6  }
0xd: {  	s5 =	sadd.s32 s22, s2;
	s23 =	sshll.u32 s10, $0x6;
	s24 =	sshll.u32 s14, $0x6  }
0xe: {  	s9 =	sshll.u32 s15, $0x6;
	s25 =	sshll.u32 s16, $0x6;
	s13 =	sshll.u32 s10, $0x7  }
0xf: {  	s12 =	sshrl.u32 s12, $0x3;
	s14 =	sshll.u32 s14, $0x7;
	s15 =	sshll.u32 s15, $0x7  }
0x10: {  	s16 =	sshll.u32 s16, $0x7;
	s22 =	simm.s32 $0xC000;
	s6 =	sadd.s32 s23, s2  }
0x11: {  	s7 =	sadd.s32 s24, s2;
	s8 =	sadd.s32 s9, s2;
	s9 =	sadd.s32 s25, s2  }
0x12: {  	s26 =	sadd.s32 $0x2E00, s11;
	s13 =	sor.u32 s17, s13;
	s11 =	sadd.s32 $0xCE00, s11  }
0x13: {  	s12 =	sadd.s32 s0, s12;
	s14 =	sor.u32 s17, s14;
	s15 =	sor.u32 s17, s15  }
0x14: {  	s16 =	sor.u32 s17, s16;
	s17 =	smax.u32 s1, $0x1;
	s24 =	simm.s32 $0xE000  }
0x15: {  	s1 =	simm.s32 $0x5;
	[dreg:$0x3] =	wrdreg s26;
	s13 =	sshrl.u32 s13, $0x3  }
0x16: {  	s14 =	sshrl.u32 s14, $0x3;
	s15 =	sshrl.u32 s15, $0x3;
	s16 =	sshrl.u32 s16, $0x3  }
0x17: {  	s26 =	simm.s32 $0x10000;
	s13 =	sadd.s32 s0, s13;
	s14 =	sadd.s32 s0, s14  }
0x18: {  	v1 =	vimm.f32 $0.0e+00;
	s15 =	sadd.s32 s0, s15;
	s16 =	sadd.s32 s0, s16;
	s0 =	simm.s32 $0x4  }
.LBB2_1:
0x19: {  	s25 =	simm.s32 $0x100;
	s23 =	simm.s32 $0x0  }
.LBB2_2:
0x1a: {  	p0 =	sne.s32 s25, $0x7F00;
	[tilespmem:s23+$0xA030] =	vst v1;
	s10 =	smov.u32 s25;
	s25 =	sadd.s32 $0x100, s25  }
.Ltmp0:
0x1b: {  	[tilespmem:s23+$0xA020] =	vst v1;
	(pc) =	sbr.rel @p0 .LBB2_2-.Ltmp0, $3  }
0x1c: {  	[tilespmem:s23+$0xA000] =	vst v1  }
0x1d: {  	[tilespmem:s23+$0xA010] =	vst v1;
	_ =	sdelay $0x1  }
0x1e: {  	s23 =	sshra.s32 s10, $0x2  }
0x1f: {  	[tilespmem:s23+$0xA030] =	vst v1  }
0x20: {  	[tilespmem:s23+$0xA020] =	vst v1  }
0x21: {  	[tilespmem:s23+$0xA000] =	vst v1  }
0x22: {  	[tilespmem:s23+$0xA010] =	vst v1  }
0x23: {  	[spmem:s5] =	stream.linear.scatter [tilespmem:s18], [sflag:$0x6], $0x2000, $0x38;
	[tilespmem:$0x1DE00] =	vst v63  }
0x24: {  	_ =	swait.ge [sflag:s19], $0x2000  }
0x25: {  	[sflag:s19] =	ssyncset.done $0x0  }
0x26: {  	[sflag:s19] =	ssyncadd.s32 $0xFFFFE000  }
0x27: {  	[spmem:s6] =	stream.linear.scatter [tilespmem:s18], [sflag:$0x6], $0x2000, $0x38;
	[tilespmem:$0x1DE00] =	vst v63  }
0x28: {  	_ =	swait.ge [sflag:s19], $0x2000  }
0x29: {  	[sflag:s19] =	ssyncset.done $0x0  }
0x2a: {  	[sflag:s19] =	ssyncadd.s32 $0xFFFFE000  }
0x2b: {  	[spmem:s7] =	stream.linear.scatter [tilespmem:s18], [sflag:$0x6], $0x2000, $0x38;
	[tilespmem:$0x1DE00] =	vst v63  }
0x2c: {  	_ =	swait.ge [sflag:s19], $0x2000  }
0x2d: {  	[sflag:s19] =	ssyncset.done $0x0  }
0x2e: {  	[sflag:s19] =	ssyncadd.s32 $0xFFFFE000  }
0x2f: {  	[spmem:s8] =	stream.linear.scatter [tilespmem:s18], [sflag:$0x6], $0x2000, $0x38;
	[tilespmem:$0x1DE00] =	vst v63  }
0x30: {  	_ =	swait.ge [sflag:s19], $0x2000  }
0x31: {  	[sflag:s19] =	ssyncset.done $0x0  }
0x32: {  	[sflag:s19] =	ssyncadd.s32 $0xFFFFE000  }
0x33: {  	[spmem:s9] =	stream.linear.scatter [tilespmem:s18], [sflag:$0x6], $0x1E00, $0x38;
	[tilespmem:$0x1DE00] =	vst v63  }
0x34: {  	_ =	swait.ge [sflag:s19], $0x1E00  }
0x35: {  	[sflag:s19] =	ssyncset.done $0x0  }
0x36: {  	s10 =	simm.s32 $0x0;
	s25 =	rddreg [dreg:$0x3];
	[sflag:s19] =	ssyncadd.s32 $0xFFFFE200  }
0x37: {  	[tilespmem:s10], [sflag:$0x6] =	stream.linear.gather [hbm4b:s25+s10], $0x5000, $0x38;
	[tilespmem:$0x1DE00] =	vst v63  }
0x38: {  	_ =	swait.ge [sflag:s19], $0x5000  }
0x39: {  	[sflag:s19] =	ssyncset.done $0x0  }
0x3a: {  	s25 =	simm.s32 $0x5000;
	[sflag:s19] =	ssyncadd.s32 $0xFFFFB000  }
0x3b: {  	[tilespmem:s25], [sflag:$0x6] =	stream.linear.gather [hbm4b:s11+s10], $0x5000, $0x38;
	[tilespmem:$0x1DE00] =	vst v63  }
0x3c: {  	_ =	swait.ge [sflag:s19], $0x5000  }
0x3d: {  	[sflag:s19] =	ssyncset.done $0x0  }
0x3e: {  	s23 =	simm.s32 $0x0;
	[sflag:s19] =	ssyncadd.s32 $0xFFFFB000  }
0x3f: {  	v3 =	vld [tilespmem:s23+$0x0]  }
0x40: {  	v4 =	vld [tilespmem:s23+$0x10]  }
0x41: {  	v6 =	vld [tilespmem:s23+$0x20]  }
0x42: {  	v5 =	vld [tilespmem:s23+$0x30]  }
0x43: {  	v2 =	vld [tilespmem:s23+$0x40]  }
0x44: {  	v7 =	vshll.u32 v3, $0x1;
	v3 =	vld [tilespmem:s23+$0x50]  }
0x45: {  	s25 =	simm.s32 $0x200;
	v8 =	vshll.u32 v4, $0x1;
	v4 =	vld [tilespmem:s23+$0x60];
	v7 =	vor.u32 v0, v7  }
.LBB2_4:
0x46: {  	s10 =	sshra.s32 s25, $0x2;
	p0 =	sne.s32 s25, $0x13E00;
	[tilespmem:s23+$0x0] =	vst v7;
	v7 =	vor.u32 v0, v8;
	v6 =	vshll.u32 v6, $0x1;
	v8 =	vld [tilespmem:s23+$0x70]  }
0x47: {  	v9 =	vld [tilespmem:s10+$0x0];
	[tilespmem:s23+$0x10] =	vst v7;
	v6 =	vor.u32 v0, v6;
	v5 =	vshll.u32 v5, $0x1  }
0x48: {  	v10 =	vld [tilespmem:s10+$0x10];
	[tilespmem:s23+$0x20] =	vst v6;
	v5 =	vor.u32 v0, v5;
	v2 =	vshll.u32 v2, $0x1  }
.Ltmp1:
0x49: {  	v6 =	vld [tilespmem:s10+$0x20];
	[tilespmem:s23+$0x30] =	vst v5;
	v2 =	vor.u32 v0, v2;
	v3 =	vshll.u32 v3, $0x1;
	(pc) =	sbr.rel @p0 .LBB2_4-.Ltmp1, $4  }
0x4a: {  	v5 =	vld [tilespmem:s10+$0x30];
	[tilespmem:s23+$0x40] =	vst v2;
	v3 =	vor.u32 v0, v3;
	v4 =	vshll.u32 v4, $0x1  }
0x4b: {  	v2 =	vld [tilespmem:s10+$0x40];
	[tilespmem:s23+$0x50] =	vst v3;
	v4 =	vor.u32 v0, v4;
	v7 =	vshll.u32 v8, $0x1  }
0x4c: {  	v8 =	vshll.u32 v9, $0x1;
	v3 =	vld [tilespmem:s10+$0x50];
	[tilespmem:s23+$0x60] =	vst v4;
	v9 =	vor.u32 v0, v7  }
0x4d: {  	s25 =	sadd.s32 $0x200, s25;
	v7 =	vor.u32 v0, v8;
	v8 =	vshll.u32 v10, $0x1;
	v4 =	vld [tilespmem:s10+$0x60];
	[tilespmem:s23+$0x70] =	vst v9;
	s23 =	smov.u32 s10  }
0x4e: {  	[tilespmem:s23+$0x0] =	vst v7;
	v62 =	vor.u32 v0, v8;
	v6 =	vshll.u32 v6, $0x1;
	v63 =	vld [tilespmem:s23+$0x70]  }
0x4f: {  	[tilespmem:s23+$0x10] =	vst v62;
	v6 =	vor.u32 v0, v6;
	v5 =	vshll.u32 v5, $0x1  }
0x50: {  	[tilespmem:s23+$0x20] =	vst v6;
	v5 =	vor.u32 v0, v5;
	v2 =	vshll.u32 v2, $0x1  }
0x51: {  	[tilespmem:s23+$0x30] =	vst v5;
	v2 =	vor.u32 v0, v2;
	v3 =	vshll.u32 v3, $0x1  }
0x52: {  	[tilespmem:s23+$0x40] =	vst v2;
	v2 =	vor.u32 v0, v3;
	v3 =	vshll.u32 v4, $0x1  }
0x53: {  	[tilespmem:s23+$0x50] =	vst v2;
	v2 =	vor.u32 v0, v3;
	v3 =	vshll.u32 v63, $0x1  }
0x54: {  	[tilespmem:s23+$0x60] =	vst v2;
	v2 =	vor.u32 v0, v3  }
0x55: {  	[tilespmem:s23+$0x70] =	vst v2  }
0x56: {  	s10 =	simm.s32 $0x0;
	[bflag:$0x0] =	sbarrier.arrive $0xFFFF  }
0x57: {  	[tilespmem:s18], [sflag:$0x1] =	stream.indirect.gather [hbm4b:s4+s21], $0x40, s10, s21, $0xb8;
	[tilespmem:$0x1DE00] =	vst v63  }
0x58: {  	_ = 	snop  }
0x59: {  	[tilespmem:s22], [sflag:$0x2] =	stream.indirect.gather [hbm4b:s4+s21], $0x40, s21, s21, $0xb8;
	[tilespmem:$0x1DE00] =	vst v63  }
0x5a: {  	s25 =	simm.s32 $0x100  }
0x5b: {  	[tilespmem:s24], [sflag:$0x3] =	stream.indirect.gather [hbm4b:s4+s21], $0x40, s25, s21, $0xb8;
	[tilespmem:$0x1DE00] =	vst v63  }
0x5c: {  	s23 =	simm.s32 $0x180  }
0x5d: {  	[tilespmem:s26], [sflag:$0x4] =	stream.indirect.gather [hbm4b:s4+s21], $0x40, s23, s21, $0xb8;
	[tilespmem:$0x1DE00] =	vst v63  }
0x5e: {  	_ =	swait.ge [sflag:s28], $0x2000  }
0x5f: {  	[sflag:s28] =	ssyncset.done $0x0  }
0x60: {  	s25 =	simm.s32 $0x5000;
	[sflag:s28] =	ssyncadd.s32 $0xFFFFE000  }
0x61: {  	[spmem:s2] =	stream.indirect.scatter.add.f32 [tilespmem:s18], [sflag:$0x6], $0x40, s25, s21, $0xb8;
	[tilespmem:$0x1DE00] =	vst v63  }
0x62: {  	_ =	swait.ge [sflag:s19], $0x2000  }
0x63: {  	[sflag:s19] =	ssyncset.done $0x0  }
0x64: {  	s23 =	simm.s32 $0x200;
	[sflag:s19] =	ssyncadd.s32 $0xFFFFE000  }
0x65: {  	[tilespmem:s29], [sflag:$0x5] =	stream.indirect.gather [hbm4b:s4+s21], $0x40, s23, s21, $0xb8;
	[tilespmem:$0x1DE00] =	vst v63  }
0x66: {  	_ =	swait.ge [sflag:s30], $0x2000  }
0x67: {  	[sflag:s30] =	ssyncset.done $0x0  }
0x68: {  	s25 =	simm.s32 $0x5080;
	[sflag:s30] =	ssyncadd.s32 $0xFFFFE000  }
0x69: {  	[spmem:s2] =	stream.indirect.scatter.add.f32 [tilespmem:s22], [sflag:$0x6], $0x40, s25, s21, $0xb8;
	[tilespmem:$0x1DE00] =	vst v63  }
0x6a: {  	_ =	swait.ge [sflag:s19], $0x2000  }
0x6b: {  	[sflag:s19] =	ssyncset.done $0x0  }
0x6c: {  	s23 =	simm.s32 $0x280;
	[sflag:s19] =	ssyncadd.s32 $0xFFFFE000  }
0x6d: {  	[tilespmem:s18], [sflag:$0x1] =	stream.indirect.gather [hbm4b:s4+s21], $0x40, s23, s21, $0xb8;
	[tilespmem:$0x1DE00] =	vst v63  }
0x6e: {  	_ =	swait.ge [sflag:s31], $0x2000  }
0x6f: {  	[sflag:s31] =	ssyncset.done $0x0  }
0x70: {  	s25 =	simm.s32 $0x5100;
	[sflag:s31] =	ssyncadd.s32 $0xFFFFE000  }
0x71: {  	[spmem:s2] =	stream.indirect.scatter.add.f32 [tilespmem:s24], [sflag:$0x6], $0x40, s25, s21, $0xb8;
	[tilespmem:$0x1DE00] =	vst v63  }
0x72: {  	_ =	swait.ge [sflag:s19], $0x2000  }
0x73: {  	[sflag:s19] =	ssyncset.done $0x0  }
0x74: {  	s23 =	simm.s32 $0x300;
	[sflag:s19] =	ssyncadd.s32 $0xFFFFE000  }
0x75: {  	[tilespmem:s22], [sflag:$0x2] =	stream.indirect.gather [hbm4b:s4+s21], $0x40, s23, s21, $0xb8;
	[tilespmem:$0x1DE00] =	vst v63  }
0x76: {  	_ =	swait.ge [sflag:s0], $0x2000  }
0x77: {  	[sflag:s0] =	ssyncset.done $0x0  }
0x78: {  	s25 =	simm.s32 $0x5180;
	[sflag:s0] =	ssyncadd.s32 $0xFFFFE000  }
0x79: {  	[spmem:s2] =	stream.indirect.scatter.add.f32 [tilespmem:s26], [sflag:$0x6], $0x40, s25, s21, $0xb8;
	[tilespmem:$0x1DE00] =	vst v63  }
0x7a: {  	_ =	swait.ge [sflag:s19], $0x2000  }
0x7b: {  	[sflag:s19] =	ssyncset.done $0x0  }
0x7c: {  	s23 =	simm.s32 $0x380;
	[sflag:s19] =	ssyncadd.s32 $0xFFFFE000  }
0x7d: {  	[tilespmem:s24], [sflag:$0x3] =	stream.indirect.gather [hbm4b:s4+s21], $0x40, s23, s21, $0xb8;
	[tilespmem:$0x1DE00] =	vst v63  }
0x7e: {  	_ =	swait.ge [sflag:s1], $0x2000  }
0x7f: {  	[sflag:s1] =	ssyncset.done $0x0  }
0x80: {  	s25 =	simm.s32 $0x5200;
	[sflag:s1] =	ssyncadd.s32 $0xFFFFE000  }
0x81: {  	[spmem:s2] =	stream.indirect.scatter.add.f32 [tilespmem:s29], [sflag:$0x6], $0x40, s25, s21, $0xb8;
	[tilespmem:$0x1DE00] =	vst v63  }
0x82: {  	_ =	swait.ge [sflag:s19], $0x2000  }
0x83: {  	[sflag:s19] =	ssyncset.done $0x0  }
0x84: {  	s23 =	simm.s32 $0xA00;
	s25 =	simm.s32 $0x400;
	[sflag:s19] =	ssyncadd.s32 $0xFFFFE000  }
.LBB2_6:
0x85: {  	[tilespmem:s26], [sflag:$0x4] =	stream.indirect.gather [hbm4b:s4+s21], $0x40, s25, s21, $0xb8;
	[tilespmem:$0x1DE00] =	vst v63  }
0x86: {  	s10 =	smov.u32 s23  }
0x87: {  	p0 =	sne.s32 s23, $0x12C00;
	s23 =	sadd.s32 $0xA00, s23;
	_ =	swait.ge [sflag:s28], $0x2000  }
0x88: {  	s25 =	sshra.s32 s10, $0x2;
	[sflag:s28] =	ssyncset.done $0x0  }
0x89: {  	s10 =	sadd.s32 $0x5000, s25;
	[sflag:s28] =	ssyncadd.s32 $0xFFFFE000  }
0x8a: {  	[spmem:s2] =	stream.indirect.scatter.add.f32 [tilespmem:s18], [sflag:$0x6], $0x40, s10, s21, $0xb8;
	[tilespmem:$0x1DE00] =	vst v63  }
0x8b: {  	_ =	swait.ge [sflag:s19], $0x2000  }
0x8c: {  	[sflag:s19] =	ssyncset.done $0x0  }
0x8d: {  	s10 =	sadd.s32 $0x200, s25;
	[sflag:s19] =	ssyncadd.s32 $0xFFFFE000  }
0x8e: {  	[tilespmem:s29], [sflag:$0x5] =	stream.indirect.gather [hbm4b:s4+s21], $0x40, s10, s21, $0xb8;
	[tilespmem:$0x1DE00] =	vst v63  }
0x8f: {  	_ =	swait.ge [sflag:s30], $0x2000  }
0x90: {  	[sflag:s30] =	ssyncset.done $0x0  }
0x91: {  	s10 =	sadd.s32 $0x5080, s25;
	[sflag:s30] =	ssyncadd.s32 $0xFFFFE000  }
0x92: {  	[spmem:s2] =	stream.indirect.scatter.add.f32 [tilespmem:s22], [sflag:$0x6], $0x40, s10, s21, $0xb8;
	[tilespmem:$0x1DE00] =	vst v63  }
0x93: {  	_ =	swait.ge [sflag:s19], $0x2000  }
0x94: {  	[sflag:s19] =	ssyncset.done $0x0  }
0x95: {  	s10 =	sadd.s32 $0x280, s25;
	[sflag:s19] =	ssyncadd.s32 $0xFFFFE000  }
0x96: {  	[tilespmem:s18], [sflag:$0x1] =	stream.indirect.gather [hbm4b:s4+s21], $0x40, s10, s21, $0xb8;
	[tilespmem:$0x1DE00] =	vst v63  }
0x97: {  	_ =	swait.ge [sflag:s31], $0x2000  }
0x98: {  	[sflag:s31] =	ssyncset.done $0x0  }
0x99: {  	s10 =	sadd.s32 $0x5100, s25;
	[sflag:s31] =	ssyncadd.s32 $0xFFFFE000  }
0x9a: {  	[spmem:s2] =	stream.indirect.scatter.add.f32 [tilespmem:s24], [sflag:$0x6], $0x40, s10, s21, $0xb8;
	[tilespmem:$0x1DE00] =	vst v63  }
0x9b: {  	_ =	swait.ge [sflag:s19], $0x2000  }
0x9c: {  	[sflag:s19] =	ssyncset.done $0x0  }
0x9d: {  	s10 =	sadd.s32 $0x300, s25;
	[sflag:s19] =	ssyncadd.s32 $0xFFFFE000  }
0x9e: {  	[tilespmem:s22], [sflag:$0x2] =	stream.indirect.gather [hbm4b:s4+s21], $0x40, s10, s21, $0xb8;
	[tilespmem:$0x1DE00] =	vst v63  }
0x9f: {  	_ =	swait.ge [sflag:s0], $0x2000  }
0xa0: {  	[sflag:s0] =	ssyncset.done $0x0  }
0xa1: {  	s10 =	sadd.s32 $0x5180, s25;
	[sflag:s0] =	ssyncadd.s32 $0xFFFFE000  }
0xa2: {  	[spmem:s2] =	stream.indirect.scatter.add.f32 [tilespmem:s26], [sflag:$0x6], $0x40, s10, s21, $0xb8;
	[tilespmem:$0x1DE00] =	vst v63  }
0xa3: {  	_ =	swait.ge [sflag:s19], $0x2000  }
0xa4: {  	[sflag:s19] =	ssyncset.done $0x0  }
0xa5: {  	s10 =	sadd.s32 $0x380, s25;
	[sflag:s19] =	ssyncadd.s32 $0xFFFFE000  }
0xa6: {  	[tilespmem:s24], [sflag:$0x3] =	stream.indirect.gather [hbm4b:s4+s21], $0x40, s10, s21, $0xb8;
	[tilespmem:$0x1DE00] =	vst v63  }
0xa7: {  	_ =	swait.ge [sflag:s1], $0x2000  }
0xa8: {  	[sflag:s1] =	ssyncset.done $0x0  }
.Ltmp2:
0xa9: {  	s10 =	sadd.s32 $0x5200, s25;
	[sflag:s1] =	ssyncadd.s32 $0xFFFFE000;
	(pc) =	sbr.rel @p0 .LBB2_6-.Ltmp2, $4  }
0xaa: {  	[spmem:s2] =	stream.indirect.scatter.add.f32 [tilespmem:s29], [sflag:$0x6], $0x40, s10, s21, $0xb8;
	[tilespmem:$0x1DE00] =	vst v63  }
0xab: {  	_ =	swait.ge [sflag:s19], $0x2000  }
0xac: {  	[sflag:s19] =	ssyncset.done $0x0  }
0xad: {  	s25 =	sadd.s32 $0x400, s25;
	[sflag:s19] =	ssyncadd.s32 $0xFFFFE000  }
0xae: {  	[tilespmem:s26], [sflag:$0x4] =	stream.indirect.gather [hbm4b:s4+s21], $0x40, s25, s21, $0xb8;
	[tilespmem:$0x1DE00] =	vst v63  }
0xaf: {  	_ =	swait.ge [sflag:s28], $0x2000  }
0xb0: {  	[sflag:s28] =	ssyncset.done $0x0  }
0xb1: {  	s10 =	simm.s32 $0x9D80;
	[sflag:s28] =	ssyncadd.s32 $0xFFFFE000  }
0xb2: {  	[spmem:s2] =	stream.indirect.scatter.add.f32 [tilespmem:s18], [sflag:$0x6], $0x40, s10, s21, $0xb8;
	[tilespmem:$0x1DE00] =	vst v63  }
0xb3: {  	_ =	swait.ge [sflag:s19], $0x2000  }
0xb4: {  	[sflag:s19] =	ssyncset.done $0x0  }
0xb5: {  	s25 =	simm.s32 $0x4F80;
	[sflag:s19] =	ssyncadd.s32 $0xFFFFE000  }
0xb6: {  	[tilespmem:s29], [sflag:$0x5] =	stream.indirect.gather [hbm4b:s4+s21], $0x40, s25, s21, $0xb8;
	[tilespmem:$0x1DE00] =	vst v63  }
0xb7: {  	_ =	swait.ge [sflag:s30], $0x2000  }
0xb8: {  	[sflag:s30] =	ssyncset.done $0x0  }
0xb9: {  	s23 =	simm.s32 $0x9E00;
	[sflag:s30] =	ssyncadd.s32 $0xFFFFE000  }
0xba: {  	[spmem:s2] =	stream.indirect.scatter.add.f32 [tilespmem:s22], [sflag:$0x6], $0x40, s23, s21, $0xb8;
	[tilespmem:$0x1DE00] =	vst v63  }
0xbb: {  	_ =	swait.ge [sflag:s19], $0x2000  }
0xbc: {  	[sflag:s19] =	ssyncset.done $0x0  }
0xbd: {  	[sflag:s19] =	ssyncadd.s32 $0xFFFFE000  }
0xbe: {  	_ =	swait.ge [sflag:s31], $0x2000  }
0xbf: {  	[sflag:s31] =	ssyncset.done $0x0  }
0xc0: {  	s25 =	simm.s32 $0x9E80;
	[sflag:s31] =	ssyncadd.s32 $0xFFFFE000  }
0xc1: {  	[spmem:s2] =	stream.indirect.scatter.add.f32 [tilespmem:s24], [sflag:$0x6], $0x40, s25, s21, $0xb8;
	[tilespmem:$0x1DE00] =	vst v63  }
0xc2: {  	_ =	swait.ge [sflag:s19], $0x2000  }
0xc3: {  	[sflag:s19] =	ssyncset.done $0x0  }
0xc4: {  	[sflag:s19] =	ssyncadd.s32 $0xFFFFE000  }
0xc5: {  	_ =	swait.ge [sflag:s0], $0x2000  }
0xc6: {  	[sflag:s0] =	ssyncset.done $0x0  }
0xc7: {  	s23 =	simm.s32 $0x9F00;
	[sflag:s0] =	ssyncadd.s32 $0xFFFFE000  }
0xc8: {  	[spmem:s2] =	stream.indirect.scatter.add.f32 [tilespmem:s26], [sflag:$0x6], $0x40, s23, s21, $0xb8;
	[tilespmem:$0x1DE00] =	vst v63  }
0xc9: {  	_ =	swait.ge [sflag:s19], $0x2000  }
0xca: {  	[sflag:s19] =	ssyncset.done $0x0  }
0xcb: {  	[sflag:s19] =	ssyncadd.s32 $0xFFFFE000  }
0xcc: {  	_ =	swait.ge [sflag:s1], $0x2000  }
0xcd: {  	[sflag:s1] =	ssyncset.done $0x0  }
0xce: {  	s25 =	simm.s32 $0x9F80;
	[sflag:s1] =	ssyncadd.s32 $0xFFFFE000  }
0xcf: {  	[spmem:s2] =	stream.indirect.scatter.add.f32 [tilespmem:s29], [sflag:$0x6], $0x40, s25, s21, $0xb8;
	[tilespmem:$0x1DE00] =	vst v63  }
0xd0: {  	_ =	swait.ge [sflag:s19], $0x2000  }
0xd1: {  	[sflag:s19] =	ssyncset.done $0x0  }
0xd2: {  	[sflag:s19] =	ssyncadd.s32 $0xFFFFE000  }
0xd3: {  	[bflag:$0x0] =	sbarrier.arrive $0xFFFF  }
0xd4: {  	[tilespmem:s18], [sflag:$0x6] =	stream.linear.gather [spmem:s5], $0x2000, $0x38;
	[tilespmem:$0x1DE00] =	vst v63  }
0xd5: {  	_ =	swait.ge [sflag:s19], $0x2000  }
0xd6: {  	[sflag:s19] =	ssyncset.done $0x0  }
0xd7: {  	[sflag:s19] =	ssyncadd.s32 $0xFFFFE000  }
0xd8: {  	[hbm4b:s12+s20] =	stream.strided.scatter [tilespmem:s18], [sflag:$0x6], $0x2000, s21, s20, $0x38;
	[tilespmem:$0x1DE00] =	vst v63  }
0xd9: {  	_ =	swait.ge [sflag:s19], $0x2000  }
0xda: {  	[sflag:s19] =	ssyncset.done $0x0  }
0xdb: {  	[sflag:s19] =	ssyncadd.s32 $0xFFFFE000  }
0xdc: {  	[tilespmem:s18], [sflag:$0x6] =	stream.linear.gather [spmem:s6], $0x2000, $0x38;
	[tilespmem:$0x1DE00] =	vst v63  }
0xdd: {  	_ =	swait.ge [sflag:s19], $0x2000  }
0xde: {  	[sflag:s19] =	ssyncset.done $0x0  }
0xdf: {  	[sflag:s19] =	ssyncadd.s32 $0xFFFFE000  }
0xe0: {  	[hbm4b:s13+s20] =	stream.strided.scatter [tilespmem:s18], [sflag:$0x6], $0x2000, s21, s20, $0x38;
	[tilespmem:$0x1DE00] =	vst v63  }
0xe1: {  	_ =	swait.ge [sflag:s19], $0x2000  }
0xe2: {  	[sflag:s19] =	ssyncset.done $0x0  }
0xe3: {  	[sflag:s19] =	ssyncadd.s32 $0xFFFFE000  }
0xe4: {  	[tilespmem:s18], [sflag:$0x6] =	stream.linear.gather [spmem:s7], $0x2000, $0x38;
	[tilespmem:$0x1DE00] =	vst v63  }
0xe5: {  	_ =	swait.ge [sflag:s19], $0x2000  }
0xe6: {  	[sflag:s19] =	ssyncset.done $0x0  }
0xe7: {  	[sflag:s19] =	ssyncadd.s32 $0xFFFFE000  }
0xe8: {  	[hbm4b:s14+s20] =	stream.strided.scatter [tilespmem:s18], [sflag:$0x6], $0x2000, s21, s20, $0x38;
	[tilespmem:$0x1DE00] =	vst v63  }
0xe9: {  	_ =	swait.ge [sflag:s19], $0x2000  }
0xea: {  	[sflag:s19] =	ssyncset.done $0x0  }
0xeb: {  	[sflag:s19] =	ssyncadd.s32 $0xFFFFE000  }
0xec: {  	[tilespmem:s18], [sflag:$0x6] =	stream.linear.gather [spmem:s8], $0x2000, $0x38;
	[tilespmem:$0x1DE00] =	vst v63  }
0xed: {  	_ =	swait.ge [sflag:s19], $0x2000  }
0xee: {  	[sflag:s19] =	ssyncset.done $0x0  }
0xef: {  	[sflag:s19] =	ssyncadd.s32 $0xFFFFE000  }
0xf0: {  	[hbm4b:s15+s20] =	stream.strided.scatter [tilespmem:s18], [sflag:$0x6], $0x2000, s21, s20, $0x38;
	[tilespmem:$0x1DE00] =	vst v63  }
0xf1: {  	_ =	swait.ge [sflag:s19], $0x2000  }
0xf2: {  	[sflag:s19] =	ssyncset.done $0x0  }
0xf3: {  	[sflag:s19] =	ssyncadd.s32 $0xFFFFE000  }
0xf4: {  	[tilespmem:s18], [sflag:$0x6] =	stream.linear.gather [spmem:s9], $0x1E00, $0x38;
	[tilespmem:$0x1DE00] =	vst v63  }
0xf5: {  	s3 =	sadd.s32 $0x1, s3;
	_ =	swait.ge [sflag:s19], $0x1E00  }
0xf6: {  	p0 =	sne.s32 s3, s17;
	[sflag:s19] =	ssyncset.done $0x0  }
.Ltmp3:
0xf7: {  	[sflag:s19] =	ssyncadd.s32 $0xFFFFE200;
	(pc) =	sbr.rel @p0 .LBB2_1-.Ltmp3, $4  }
0xf8: {  	[hbm4b:s16+s20] =	stream.strided.scatter [tilespmem:s18], [sflag:$0x6], $0x1E00, s21, s20, $0x38;
	[tilespmem:$0x1DE00] =	vst v63  }
0xf9: {  	_ =	swait.ge [sflag:s19], $0x1E00  }
0xfa: {  	[sflag:s19] =	ssyncset.done $0x0  }
0xfb: {  	[sflag:s19] =	ssyncadd.s32 $0xFFFFE200  }
0xfc: {  	_ =	sfence.sel $0x180000  }
0xfd: {  	[bflag:$0x0] =	sbarrier.arrive $0xFFFF  }
0xfe: {  	_ =	strace $0x9000004A  }
0xff: {  	s0 =	stileid.u32;
	[bflag:$0x2] =	sbarrier.arrive $0xFFFF  }
0x100: {  	p0 =	sne.s32 s0, $0x0;
	s0 =	rddreg [dreg:$0x2]  }
0x101: {  	s0 =	sadd.s32 @!p0 $0x100000, s0  }
0x102: {  	[sflag:s0] =	ssyncadd.tile.s32 @!p0 $0x1;
	_ =	shalt  }
.Lfunc_end2:
_tile_overlayer_lowered:
.L_overlay_start_2:
0x103: {  	(tag) =	ssettag $0x2  }
0x104: {  	s0 =	rddreg [dreg:$0x0];
	s2 =	stileid.u32  }
0x105: {  	s1 =	rddreg [dreg:$0x1];
	p0 =	sne.s32 s2, $0x0  }
0x106: {  	s3 =	rddreg [dreg:$0x2];
	[bflag:$0x3] =	sbarrier.arrive $0xFFFF;
	s2 =	simm.s32 @!p0 $0x1C06  }
0x107: {  	[timem:s3], [sflag:s2] =	dma.local @!p0 [hbm:s0], s1  }
0x108: {  	s0 =	simm.s32 @!p0 $0x6  }
0x109: {  	_ =	swait.ge @!p0 [sflag:s0], s1  }
0x10a: {  	s1 =	ssub.s32 @!p0 $0x0, s1;
	[sflag:s0] =	ssyncset.done @!p0 $0x0  }
0x10b: {  	[sflag:s0] =	ssyncadd.s32 @!p0 s1  }
0x10c: {  	[bflag:$0x3] =	sbarrier.arrive $0xFFFF  }
0x10d: {  	_ =	shalt  }

// kernel: kernel.14.cloned.1.call-start
scs
__scs_entry_jumppad:
0x0: {  	(pc) =	sbr.rel $0x88, $3  }
0x1: {  	(tag) =	ssettag $0x0;
	lr =	simm.s32 $0x1  }
0x2: {  	[smem:$0x3F99] =	sst lr;
	_ =	strace $0xD0000000  }
0x3: {  	_ = 	snop  }
0x4: {  	_ = 	snop  }
0x5: {  	_ = 	snop  }
0x6: {  	_ = 	snop  }
0x7: {  	_ = 	snop  }
__scs_overlays_trampoline_lowered:
0x8: {  	[smem:$0x3FA8] =	sst s0  }
0x9: {  	[smem:$0x3FA9] =	sst s1  }
0xa: {  	[smem:$0x3FAA] =	sst s2  }
0xb: {  	[smem:$0x3FAB] =	sst s3  }
0xc: {  	[smem:$0x3FAC] =	sst s4  }
0xd: {  	[smem:$0x3FAD] =	sst s5  }
0xe: {  	[smem:$0x3FAE] =	sst s6  }
0xf: {  	[smem:$0x3FAF] =	sst s7  }
0x10: {  	[smem:$0x3FB0] =	sst s8  }
0x11: {  	[smem:$0x3FB1] =	sst s9;
	s0 =	simm.s32 @!p0 $0x0  }
0x12: {  	s1 =	sld [smem:$0x3F97];
	s0 =	simm.s32 @p0 $0x1  }
0x13: {  	[smem:$0x3FB2] =	sst s0;
	s0 =	simm.s32 @!p1 $0x0  }
0x14: {  	s2 =	sld [smem:$0x3F96];
	s0 =	simm.s32 @p1 $0x1  }
0x15: {  	[smem:$0x3FB3] =	sst s0;
	s0 =	simm.s32 @!p2 $0x0  }
0x16: {  	s3 =	sld [smem:$0x3FDB];
	s0 =	simm.s32 @p2 $0x1  }
0x17: {  	s4 =	simm.s32 $0x1BF5;
	[smem:$0x3FB5] =	sst s0  }
0x18: {  	s0 =	sld [smem:$0x3F98];
	_ =	swait.ge [sflag:s4], $0x0  }
0x19: {  	s7 =	sld [smem:$0x3F99]  }
0x1a: {  	s8 =	sadd.s32 $0xFFFFE003, lr  }
0x1b: {  	s9 =	sadd.s32 $0xFFFFFEF7, lr;
	s5 =	simm.s32 $0xFFFFFFFF;
	p2 =	slt.u32 s8, $0xFFFFF086  }
0x1c: {  	p1 =	slt.u32 s9, $0xF7A;
	s5 =	simm.s32 @!p2 $0x0  }
0x1d: {  	s5 =	simm.s32 @p1 $0x1;
	p0 =	seq.s32 s7, s2  }
0x1e: {  	s7 =	smul.u32 @!p0 $0xF7A, s2;
	p2 =	seq.s32 @!p0 s5, $0x0  }
0x1f: {  	s9 =	smul.u32 $0xF7A, s1;
	s8 =	simm.s32 @!p0 $0x1BF5;
	p2 =	por !p2, p0  }
0x20: {  	[sflag:s8] =	ssyncset.s32 @!p0 $0xFFFFF086;
	s6 =	sadd.s32 @!p0 s3, s7;
	s7 =	simm.s32 @!p0 $0x108  }
0x21: {  	s3 =	sadd.s32 s3, s9;
	s6 =	sadd.s32 @!p0 $0x88, s6;
	s7 =	simm.s32 @p2 $0x1082  }
0x22: {  	[simem:s7], [sflag:s8] =	dma.local @!p0 [hbm:s6], $0xF7A  }
0x23: {  	s9 =	sor.u32 $0xD0000000, s2;
	s6 =	simm.s32 $0x108;
	_ =	swait.ge @!p0 [sflag:s8], $0x0  }
0x24: {  	s3 =	sadd.s32 $0x88, s3;
	s6 =	simm.s32 @!p1 $0x1082;
	[sflag:s4] =	ssyncset.s32 $0xFFFFF086  }
0x25: {  	[simem:s6], [sflag:s4] =	dma.local [hbm:s3], $0xF7A  }
0x26: {  	[smem:$0x3F99] =	sst s1;
	(tag) =	ssettag s2;
	_ =	strace s9  }
0x27: {  	s1 =	sld [smem:$0x3FA9]  }
0x28: {  	s2 =	sld [smem:$0x3FAA]  }
0x29: {  	s4 =	sld [smem:$0x3FAC]  }
0x2a: {  	p0 =	seq.s32 s5, $0x0;
	s5 =	sld [smem:$0x3FAD]  }
0x2b: {  	s6 =	sld [smem:$0x3FAE]  }
0x2c: {  	s7 =	sld [smem:$0x3FAF]  }
0x2d: {  	s3 =	simm.s32 $0x108;
	s8 =	sld [smem:$0x3FB0]  }
0x2e: {  	s3 =	simm.s32 @!p0 $0x1082;
	s9 =	sld [smem:$0x3FB1]  }
0x2f: {  	lr =	sadd.s32 s0, s3;
	s0 =	sld [smem:$0x3FA8]  }
0x30: {  	s3 =	sld [smem:$0x3FAB]  }
0x31: {  	[smem:$0x3FB4] =	sst s10  }
0x32: {  	s10 =	sld [smem:$0x3FB2];
	_ =	sdelay $0x3  }
0x33: {  	p0 =	seq.s32 s10, $0x1;
	s10 =	sld [smem:$0x3FB4];
	_ =	sdelay $0x3  }
0x34: {  	[smem:$0x3FB4] =	sst s10  }
0x35: {  	s10 =	sld [smem:$0x3FB3];
	_ =	sdelay $0x3  }
0x36: {  	p1 =	seq.s32 s10, $0x1;
	s10 =	sld [smem:$0x3FB4];
	_ =	sdelay $0x3  }
0x37: {  	[smem:$0x3FB4] =	sst s10  }
0x38: {  	s10 =	sld [smem:$0x3FB5]  }
0x39: {  	_ = 	snop;
	(pc) =	sbr.ind lr, $3  }
0x3a: {  	_ = 	snop  }
0x3b: {  	_ = 	snop  }
0x3c: {  	p2 =	seq.s32 s10, $0x1;
	s10 =	sld [smem:$0x3FB4]  }
0x3d: {  	_ =	shalt  }
0x3e: {  	_ =	shalt  }
0x3f: {  	_ =	shalt  }
0x40: {  	_ =	shalt  }
0x41: {  	_ =	shalt  }
0x42: {  	_ =	shalt  }
0x43: {  	_ =	shalt  }
0x44: {  	_ =	shalt  }
0x45: {  	_ =	shalt  }
0x46: {  	_ =	shalt  }
0x47: {  	_ =	shalt  }
0x48: {  	_ =	shalt  }
0x49: {  	_ =	shalt  }
0x4a: {  	_ =	shalt  }
0x4b: {  	_ =	shalt  }
0x4c: {  	_ =	shalt  }
0x4d: {  	_ =	shalt  }
0x4e: {  	_ =	shalt  }
0x4f: {  	_ =	shalt  }
0x50: {  	_ =	shalt  }
0x51: {  	_ =	shalt  }
0x52: {  	_ =	shalt  }
0x53: {  	_ =	shalt  }
0x54: {  	_ =	shalt  }
0x55: {  	_ =	shalt  }
0x56: {  	_ =	shalt  }
0x57: {  	_ =	shalt  }
0x58: {  	_ =	shalt  }
0x59: {  	_ =	shalt  }
0x5a: {  	_ =	shalt  }
0x5b: {  	_ =	shalt  }
0x5c: {  	_ =	shalt  }
0x5d: {  	_ =	shalt  }
0x5e: {  	_ =	shalt  }
0x5f: {  	_ =	shalt  }
0x60: {  	_ =	shalt  }
0x61: {  	_ =	shalt  }
0x62: {  	_ =	shalt  }
0x63: {  	_ =	shalt  }
0x64: {  	_ =	shalt  }
0x65: {  	_ =	shalt  }
0x66: {  	_ =	shalt  }
0x67: {  	_ =	shalt  }
0x68: {  	_ =	shalt  }
0x69: {  	_ =	shalt  }
0x6a: {  	_ =	shalt  }
0x6b: {  	_ =	shalt  }
0x6c: {  	_ =	shalt  }
0x6d: {  	_ =	shalt  }
0x6e: {  	_ =	shalt  }
0x6f: {  	_ =	shalt  }
0x70: {  	_ =	shalt  }
0x71: {  	_ =	shalt  }
0x72: {  	_ =	shalt  }
0x73: {  	_ =	shalt  }
0x74: {  	_ =	shalt  }
0x75: {  	_ =	shalt  }
0x76: {  	_ =	shalt  }
0x77: {  	_ =	shalt  }
0x78: {  	_ =	shalt  }
0x79: {  	_ =	shalt  }
0x7a: {  	_ =	shalt  }
0x7b: {  	_ =	shalt  }
0x7c: {  	_ =	shalt  }
0x7d: {  	_ =	shalt  }
0x7e: {  	_ =	shalt  }
0x7f: {  	_ =	shalt  }
0x80: {  	_ =	shalt  }
0x81: {  	_ =	shalt  }
0x82: {  	_ =	shalt  }
0x83: {  	_ =	shalt  }
0x84: {  	_ =	shalt  }
0x85: {  	_ =	shalt  }
0x86: {  	_ =	shalt  }
0x87: {  	_ =	shalt  }
.Lfunc_end0:
.L_simem_size_0:
called_computation.2_lowered:
.L_overlay_start_0:
0x88: {  	s2 =	sld [smem:$0x3FD9]  }
0x89: {  	s3 =	sld [smem:$0x3FFE];
	_ =	sdelay $0x1  }
0x8a: {  	s1 =	srdreg.scid  }
0x8b: {  	s0 =	sand.u32 $0x1, s1  }
0x8c: {  	s16 =	sshll.u32 s0, $0xA;
	s2 =	sadd.s32 s3, s2  }
0x8d: {  	s2 =	sadd.s32 s2, s16  }
0x8e: {  	[smem:$0x3FC0] =	sst s2  }
0x8f: {  	_ = 	snop  }
0x90: {  	(tm) =	ssettm $0x1  }
0x91: {  	s17 =	sld [smem:$0x3FFB];
	_ =	sdelay $0x3  }
0x92: {  	_ =	strace s17  }
0x93: {  	s2 =	sld [smem:$0x3FFC];
	_ =	sdelay $0x3  }
0x94: {  	_ =	strace s2  }
0x95: {  	s2 =	sld [smem:$0x3FFD];
	_ =	sdelay $0x3  }
0x96: {  	_ =	strace s2  }
0x97: {  	_ =	strace $0x8FFFFFFF  }
0x98: {  	s18 =	sld [smem:$0x3FDB];
	_ =	sdelay $0x1  }
0x99: {  	s19 =	simm.s32 $_scs_section_size  }
0x9a: {  	s4 =	simm.s32 $_size__tile_overlayer_lowered;
	s5 =	simm.s32 $_tile_overlayer_lowered  }
0x9b: {  	s22 =	simm.s32 $0x1BFF;
	s21 =	sshll.u32 s5, $0x1;
	s2 =	sadd.s32 s19, s18  }
0x9c: {  	s6 =	simm.s32 $0x0;
	s20 =	sshll.u32 s4, $0x1;
	s4 =	sadd.s32 s21, s2  }
0x9d: {  	[timem:s6], [sflag:s22] =	dma.local [hbm:s4], s20  }
0x9e: {  	_ =	swait.ge [sflag:s22], s20  }
0x9f: {  	s3 =	ssub.s32 $0x0, s20;
	[sflag:s22] =	ssyncset.done $0x0  }
0xa0: {  	[sflag:s22] =	ssyncadd.s32 s3;
	_ =	sdelay $0x1  }
0xa1: {  	s23 =	simm.s32 $0x1B8B  }
0xa2: {  	_ =	swait.ge [sflag:s23], $0x1  }
0xa3: {  	[sflag:s23] =	ssyncset.done $0x0  }
0xa4: {  	s25 =	simm.s32 $0x1B8E;
	s24 =	sld [smem:$0x3FFE];
	[sflag:s23] =	ssyncadd.s32 $0xFFFFFFFF  }
0xa5: {  	s26 =	simm.s32 $execute0_lowered;
	[smem:$0x3FD2] =	sst s25  }
0xa6: {  	s4 =	sshll.u32 s26, $0x1;
	_ =	strace $0x8000004C;
	[dreg:$0x1] =	wrdreg $0xFFFFFFFF  }
0xa7: {  	s28 =	simm.s32 $_size_execute0_lowered;
	s2 =	sadd.s32 s2, s4;
	[dreg:$0x0] =	wrdreg $0x0  }
0xa8: {  	s4 =	sshll.u32 s28, $0x1;
	[dreg:$0x2] =	wrdreg s2  }
0xa9: {  	[dreg:$0x3] =	wrdreg s4  }
0xaa: {  	[dreg:$0x4] =	wrdreg $0xC0  }
0xab: {  	_ =	task [dreg:s6], $0x5FFFF  }
0xac: {  	[dreg:$0x1] =	wrdreg $0xFFFFFFFF  }
0xad: {  	[dreg:$0x0] =	wrdreg $0x60  }
0xae: {  	[dreg:$0x2] =	wrdreg s24  }
0xaf: {  	[dreg:$0x3] =	wrdreg $0x140000  }
0xb0: {  	[dreg:$0x4] =	wrdreg $0x9  }
0xb1: {  	_ =	task.clear_ibuf [dreg:s6], $0x5FFFF;
	_ =	strace $0x9000004C  }
0xb2: {  	s29 =	simm.s32 $0x9;
	_ =	strace $0x8000004E  }
0xb3: {  	_ =	swait.ge [sflag:s29], $0x1  }
0xb4: {  	[sflag:s29] =	ssyncadd.s32 $0xFFFFFFFF  }
0xb5: {  	_ =	strace $0x9000004E  }
0xb6: {  	_ =	sfence  }
0xb7: {  	s30 =	sld [smem:$0x0];
	_ =	sdelay $0x2  }
0xb8: {  	s31 =	sshll.u32 s1, $0xD;
	s1 =	sshrl.u32 s1, $0x2  }
0xb9: {  	s3 =	sand.u32 $0x4000, s31;
	s1 =	sadd.s32 s1, s30  }
0xba: {  	s0 =	sor.u32 s3, s0;
	s1 =	sshll.u32 s1, $0x11  }
0xbb: {  	s0 =	sor.u32 s1, s0  }
0xbc: {  	s0 =	sadd.s32 $0x8F2B, s0  }
0xbd: {  	[sflag:s0] =	ssyncadd.remote.s32 $0x1  }
0xbe: {  	_ =	sfence.sel $0xFFFF  }
0xbf: {  	[dreg:$0x0] =	wrdreg $0xFFFFFFFF;
	(pc) =	sbr.abs _section_cstart, $3  }
0xc0: {  	[dreg:$0x1] =	wrdreg $0xFFFFFFFF  }
0xc1: {  	_ =	task.clear_ibuf [dreg:s6], $0x2FFFF;
	_ =	strace $0x9FFFFFFF  }
0xc2: {  	(tm) =	ssettm $0x7FFFFFFF  }
0xc3: {  	_ =	shalt  }
tec
execute0_lowered:
.L_overlay_start_1:
0x0: {  	(tag) =	ssettag $0x1  }
0x1: {  	s0 =	rddreg [dreg:$0x0]  }
0x2: {  	s2 =	rddreg [dreg:$0x1];
	s3 =	simm.s32 $0x0;
	s12 =	stileid.u32  }
0x3: {  	s1 =	srdreg.scid;
	s18 =	simm.s32 $0xA000;
	s19 =	simm.s32 $0x6  }
0x4: {  	s21 =	simm.s32 $0x80;
	s28 =	simm.s32 $0x1;
	s5 =	smul.u32 $0x5000, s12  }
0x5: {  	s29 =	simm.s32 $0x12000;
	s30 =	simm.s32 $0x2;
	s8 =	smul.u32 $0x278, s12  }
0x6: {  	s31 =	simm.s32 $0x3;
	[smem:$0x7FF] =	sst s3;
	s7 =	smul.u32 $0x27800, s12  }
0x7: {  	s20 =	sand.u32 $0x1, s1;
	s4 =	sadd.s32 $0x16E00, s0;
	s12 =	smul.u32 $0x13C00, s12  }
0x8: {  	_ =	strace $0x8000004D;
	s1 =	ssub.s32 $0x2, s20;
	s17 =	sshll.u32 s20, $0x6  }
0x9: {  	v0 =	vmov s20;
	s20 =	simm.s32 $0x40;
	s5 =	sshrl.u32 s5, $0x3;
	s6 =	sshrl.u32 s1, $0x1  }
0xa: {  	s22 =	sshrl.u32 s7, $0x2;
	s10 =	sadd.s32 $0x80, s8;
	s14 =	sadd.s32 $0x100, s8  }
0xb: {  	s15 =	sadd.s32 $0x180, s8;
	s16 =	sadd.s32 $0x200, s8;
	s12 =	sor.u32 s17, s12  }
0xc: {  	s11 =	sadd.s32 s5, s0;
	s0 =	sadd.s32 $0x3E000, s0;
	s1 =	ssub.s32 s1, s6  }
0xd: {  	s5 =	sadd.s32 s22, s2;
	s23 =	sshll.u32 s10, $0x6;
	s24 =	sshll.u32 s14, $0x6  }
0xe: {  	s9 =	sshll.u32 s15, $0x6;
	s25 =	sshll.u32 s16, $0x6;
	s13 =	sshll.u32 s10, $0x7  }
0xf: {  	s12 =	sshrl.u32 s12, $0x3;
	s14 =	sshll.u32 s14, $0x7;
	s15 =	sshll.u32 s15, $0x7  }
0x10: {  	s16 =	sshll.u32 s16, $0x7;
	s22 =	simm.s32 $0xC000;
	s6 =	sadd.s32 s23, s2  }
0x11: {  	s7 =	sadd.s32 s24, s2;
	s8 =	sadd.s32 s9, s2;
	s9 =	sadd.s32 s25, s2  }
0x12: {  	s26 =	sadd.s32 $0x2E00, s11;
	s13 =	sor.u32 s17, s13;
	s11 =	sadd.s32 $0xCE00, s11  }
0x13: {  	s12 =	sadd.s32 s0, s12;
	s14 =	sor.u32 s17, s14;
	s15 =	sor.u32 s17, s15  }
0x14: {  	s16 =	sor.u32 s17, s16;
	s17 =	smax.u32 s1, $0x1;
	s24 =	simm.s32 $0xE000  }
0x15: {  	s1 =	simm.s32 $0x5;
	[dreg:$0x3] =	wrdreg s26;
	s13 =	sshrl.u32 s13, $0x3  }
0x16: {  	s14 =	sshrl.u32 s14, $0x3;
	s15 =	sshrl.u32 s15, $0x3;
	s16 =	sshrl.u32 s16, $0x3  }
0x17: {  	s26 =	simm.s32 $0x10000;
	s13 =	sadd.s32 s0, s13;
	s14 =	sadd.s32 s0, s14  }
0x18: {  	v1 =	vimm.f32 $0.0e+00;
	s15 =	sadd.s32 s0, s15;
	s16 =	sadd.s32 s0, s16;
	s0 =	simm.s32 $0x4  }
.LBB2_1:
0x19: {  	s25 =	simm.s32 $0x100;
	s23 =	simm.s32 $0x0  }
.LBB2_2:
0x1a: {  	p0 =	sne.s32 s25, $0x7F00;
	[tilespmem:s23+$0xA030] =	vst v1;
	s10 =	smov.u32 s25;
	s25 =	sadd.s32 $0x100, s25  }
.Ltmp0:
0x1b: {  	[tilespmem:s23+$0xA020] =	vst v1;
	(pc) =	sbr.rel @p0 .LBB2_2-.Ltmp0, $3  }
0x1c: {  	[tilespmem:s23+$0xA000] =	vst v1  }
0x1d: {  	[tilespmem:s23+$0xA010] =	vst v1;
	_ =	sdelay $0x1  }
0x1e: {  	s23 =	sshra.s32 s10, $0x2  }
0x1f: {  	[tilespmem:s23+$0xA030] =	vst v1  }
0x20: {  	[tilespmem:s23+$0xA020] =	vst v1  }
0x21: {  	[tilespmem:s23+$0xA000] =	vst v1  }
0x22: {  	[tilespmem:s23+$0xA010] =	vst v1  }
0x23: {  	[spmem:s5] =	stream.linear.scatter [tilespmem:s18], [sflag:$0x6], $0x2000, $0x38;
	[tilespmem:$0x1DE00] =	vst v63  }
0x24: {  	_ =	swait.ge [sflag:s19], $0x2000  }
0x25: {  	[sflag:s19] =	ssyncset.done $0x0  }
0x26: {  	[sflag:s19] =	ssyncadd.s32 $0xFFFFE000  }
0x27: {  	[spmem:s6] =	stream.linear.scatter [tilespmem:s18], [sflag:$0x6], $0x2000, $0x38;
	[tilespmem:$0x1DE00] =	vst v63  }
0x28: {  	_ =	swait.ge [sflag:s19], $0x2000  }
0x29: {  	[sflag:s19] =	ssyncset.done $0x0  }
0x2a: {  	[sflag:s19] =	ssyncadd.s32 $0xFFFFE000  }
0x2b: {  	[spmem:s7] =	stream.linear.scatter [tilespmem:s18], [sflag:$0x6], $0x2000, $0x38;
	[tilespmem:$0x1DE00] =	vst v63  }
0x2c: {  	_ =	swait.ge [sflag:s19], $0x2000  }
0x2d: {  	[sflag:s19] =	ssyncset.done $0x0  }
0x2e: {  	[sflag:s19] =	ssyncadd.s32 $0xFFFFE000  }
0x2f: {  	[spmem:s8] =	stream.linear.scatter [tilespmem:s18], [sflag:$0x6], $0x2000, $0x38;
	[tilespmem:$0x1DE00] =	vst v63  }
0x30: {  	_ =	swait.ge [sflag:s19], $0x2000  }
0x31: {  	[sflag:s19] =	ssyncset.done $0x0  }
0x32: {  	[sflag:s19] =	ssyncadd.s32 $0xFFFFE000  }
0x33: {  	[spmem:s9] =	stream.linear.scatter [tilespmem:s18], [sflag:$0x6], $0x1E00, $0x38;
	[tilespmem:$0x1DE00] =	vst v63  }
0x34: {  	_ =	swait.ge [sflag:s19], $0x1E00  }
0x35: {  	[sflag:s19] =	ssyncset.done $0x0  }
0x36: {  	s10 =	simm.s32 $0x0;
	s25 =	rddreg [dreg:$0x3];
	[sflag:s19] =	ssyncadd.s32 $0xFFFFE200  }
0x37: {  	[tilespmem:s10], [sflag:$0x6] =	stream.linear.gather [hbm4b:s25+s10], $0x5000, $0x38;
	[tilespmem:$0x1DE00] =	vst v63  }
0x38: {  	_ =	swait.ge [sflag:s19], $0x5000  }
0x39: {  	[sflag:s19] =	ssyncset.done $0x0  }
0x3a: {  	s25 =	simm.s32 $0x5000;
	[sflag:s19] =	ssyncadd.s32 $0xFFFFB000  }
0x3b: {  	[tilespmem:s25], [sflag:$0x6] =	stream.linear.gather [hbm4b:s11+s10], $0x5000, $0x38;
	[tilespmem:$0x1DE00] =	vst v63  }
0x3c: {  	_ =	swait.ge [sflag:s19], $0x5000  }
0x3d: {  	[sflag:s19] =	ssyncset.done $0x0  }
0x3e: {  	s23 =	simm.s32 $0x0;
	[sflag:s19] =	ssyncadd.s32 $0xFFFFB000  }
0x3f: {  	v3 =	vld [tilespmem:s23+$0x0]  }
0x40: {  	v4 =	vld [tilespmem:s23+$0x10]  }
0x41: {  	v6 =	vld [tilespmem:s23+$0x20]  }
0x42: {  	v5 =	vld [tilespmem:s23+$0x30]  }
0x43: {  	v2 =	vld [tilespmem:s23+$0x40]  }
0x44: {  	v7 =	vshll.u32 v3, $0x1;
	v3 =	vld [tilespmem:s23+$0x50]  }
0x45: {  	s25 =	simm.s32 $0x200;
	v8 =	vshll.u32 v4, $0x1;
	v4 =	vld [tilespmem:s23+$0x60];
	v7 =	vor.u32 v0, v7  }
.LBB2_4:
0x46: {  	s10 =	sshra.s32 s25, $0x2;
	p0 =	sne.s32 s25, $0x13E00;
	[tilespmem:s23+$0x0] =	vst v7;
	v7 =	vor.u32 v0, v8;
	v6 =	vshll.u32 v6, $0x1;
	v8 =	vld [tilespmem:s23+$0x70]  }
0x47: {  	v9 =	vld [tilespmem:s10+$0x0];
	[tilespmem:s23+$0x10] =	vst v7;
	v6 =	vor.u32 v0, v6;
	v5 =	vshll.u32 v5, $0x1  }
0x48: {  	v10 =	vld [tilespmem:s10+$0x10];
	[tilespmem:s23+$0x20] =	vst v6;
	v5 =	vor.u32 v0, v5;
	v2 =	vshll.u32 v2, $0x1  }
.Ltmp1:
0x49: {  	v6 =	vld [tilespmem:s10+$0x20];
	[tilespmem:s23+$0x30] =	vst v5;
	v2 =	vor.u32 v0, v2;
	v3 =	vshll.u32 v3, $0x1;
	(pc) =	sbr.rel @p0 .LBB2_4-.Ltmp1, $4  }
0x4a: {  	v5 =	vld [tilespmem:s10+$0x30];
	[tilespmem:s23+$0x40] =	vst v2;
	v3 =	vor.u32 v0, v3;
	v4 =	vshll.u32 v4, $0x1  }
0x4b: {  	v2 =	vld [tilespmem:s10+$0x40];
	[tilespmem:s23+$0x50] =	vst v3;
	v4 =	vor.u32 v0, v4;
	v7 =	vshll.u32 v8, $0x1  }
0x4c: {  	v8 =	vshll.u32 v9, $0x1;
	v3 =	vld [tilespmem:s10+$0x50];
	[tilespmem:s23+$0x60] =	vst v4;
	v9 =	vor.u32 v0, v7  }
0x4d: {  	s25 =	sadd.s32 $0x200, s25;
	v7 =	vor.u32 v0, v8;
	v8 =	vshll.u32 v10, $0x1;
	v4 =	vld [tilespmem:s10+$0x60];
	[tilespmem:s23+$0x70] =	vst v9;
	s23 =	smov.u32 s10  }
0x4e: {  	[tilespmem:s23+$0x0] =	vst v7;
	v62 =	vor.u32 v0, v8;
	v6 =	vshll.u32 v6, $0x1;
	v63 =	vld [tilespmem:s23+$0x70]  }
0x4f: {  	[tilespmem:s23+$0x10] =	vst v62;
	v6 =	vor.u32 v0, v6;
	v5 =	vshll.u32 v5, $0x1  }
0x50: {  	[tilespmem:s23+$0x20] =	vst v6;
	v5 =	vor.u32 v0, v5;
	v2 =	vshll.u32 v2, $0x1  }
0x51: {  	[tilespmem:s23+$0x30] =	vst v5;
	v2 =	vor.u32 v0, v2;
	v3 =	vshll.u32 v3, $0x1  }
0x52: {  	[tilespmem:s23+$0x40] =	vst v2;
	v2 =	vor.u32 v0, v3;
	v3 =	vshll.u32 v4, $0x1  }
0x53: {  	[tilespmem:s23+$0x50] =	vst v2;
	v2 =	vor.u32 v0, v3;
	v3 =	vshll.u32 v63, $0x1  }
0x54: {  	[tilespmem:s23+$0x60] =	vst v2;
	v2 =	vor.u32 v0, v3  }
0x55: {  	[tilespmem:s23+$0x70] =	vst v2  }
0x56: {  	s10 =	simm.s32 $0x0;
	[bflag:$0x0] =	sbarrier.arrive $0xFFFF  }
0x57: {  	[tilespmem:s18], [sflag:$0x1] =	stream.indirect.gather [hbm4b:s4+s21], $0x40, s10, s21, $0xb8;
	[tilespmem:$0x1DE00] =	vst v63  }
0x58: {  	_ = 	snop  }
0x59: {  	[tilespmem:s22], [sflag:$0x2] =	stream.indirect.gather [hbm4b:s4+s21], $0x40, s21, s21, $0xb8;
	[tilespmem:$0x1DE00] =	vst v63  }
0x5a: {  	s25 =	simm.s32 $0x100  }
0x5b: {  	[tilespmem:s24], [sflag:$0x3] =	stream.indirect.gather [hbm4b:s4+s21], $0x40, s25, s21, $0xb8;
	[tilespmem:$0x1DE00] =	vst v63  }
0x5c: {  	s23 =	simm.s32 $0x180  }
0x5d: {  	[tilespmem:s26], [sflag:$0x4] =	stream.indirect.gather [hbm4b:s4+s21], $0x40, s23, s21, $0xb8;
	[tilespmem:$0x1DE00] =	vst v63  }
0x5e: {  	_ =	swait.ge [sflag:s28], $0x2000  }
0x5f: {  	[sflag:s28] =	ssyncset.done $0x0  }
0x60: {  	s25 =	simm.s32 $0x5000;
	[sflag:s28] =	ssyncadd.s32 $0xFFFFE000  }
0x61: {  	[spmem:s2] =	stream.indirect.scatter.add.f32 [tilespmem:s18], [sflag:$0x6], $0x40, s25, s21, $0xb8;
	[tilespmem:$0x1DE00] =	vst v63  }
0x62: {  	_ =	swait.ge [sflag:s19], $0x2000  }
0x63: {  	[sflag:s19] =	ssyncset.done $0x0  }
0x64: {  	s23 =	simm.s32 $0x200;
	[sflag:s19] =	ssyncadd.s32 $0xFFFFE000  }
0x65: {  	[tilespmem:s29], [sflag:$0x5] =	stream.indirect.gather [hbm4b:s4+s21], $0x40, s23, s21, $0xb8;
	[tilespmem:$0x1DE00] =	vst v63  }
0x66: {  	_ =	swait.ge [sflag:s30], $0x2000  }
0x67: {  	[sflag:s30] =	ssyncset.done $0x0  }
0x68: {  	s25 =	simm.s32 $0x5080;
	[sflag:s30] =	ssyncadd.s32 $0xFFFFE000  }
0x69: {  	[spmem:s2] =	stream.indirect.scatter.add.f32 [tilespmem:s22], [sflag:$0x6], $0x40, s25, s21, $0xb8;
	[tilespmem:$0x1DE00] =	vst v63  }
0x6a: {  	_ =	swait.ge [sflag:s19], $0x2000  }
0x6b: {  	[sflag:s19] =	ssyncset.done $0x0  }
0x6c: {  	s23 =	simm.s32 $0x280;
	[sflag:s19] =	ssyncadd.s32 $0xFFFFE000  }
0x6d: {  	[tilespmem:s18], [sflag:$0x1] =	stream.indirect.gather [hbm4b:s4+s21], $0x40, s23, s21, $0xb8;
	[tilespmem:$0x1DE00] =	vst v63  }
0x6e: {  	_ =	swait.ge [sflag:s31], $0x2000  }
0x6f: {  	[sflag:s31] =	ssyncset.done $0x0  }
0x70: {  	s25 =	simm.s32 $0x5100;
	[sflag:s31] =	ssyncadd.s32 $0xFFFFE000  }
0x71: {  	[spmem:s2] =	stream.indirect.scatter.add.f32 [tilespmem:s24], [sflag:$0x6], $0x40, s25, s21, $0xb8;
	[tilespmem:$0x1DE00] =	vst v63  }
0x72: {  	_ =	swait.ge [sflag:s19], $0x2000  }
0x73: {  	[sflag:s19] =	ssyncset.done $0x0  }
0x74: {  	s23 =	simm.s32 $0x300;
	[sflag:s19] =	ssyncadd.s32 $0xFFFFE000  }
0x75: {  	[tilespmem:s22], [sflag:$0x2] =	stream.indirect.gather [hbm4b:s4+s21], $0x40, s23, s21, $0xb8;
	[tilespmem:$0x1DE00] =	vst v63  }
0x76: {  	_ =	swait.ge [sflag:s0], $0x2000  }
0x77: {  	[sflag:s0] =	ssyncset.done $0x0  }
0x78: {  	s25 =	simm.s32 $0x5180;
	[sflag:s0] =	ssyncadd.s32 $0xFFFFE000  }
0x79: {  	[spmem:s2] =	stream.indirect.scatter.add.f32 [tilespmem:s26], [sflag:$0x6], $0x40, s25, s21, $0xb8;
	[tilespmem:$0x1DE00] =	vst v63  }
0x7a: {  	_ =	swait.ge [sflag:s19], $0x2000  }
0x7b: {  	[sflag:s19] =	ssyncset.done $0x0  }
0x7c: {  	s23 =	simm.s32 $0x380;
	[sflag:s19] =	ssyncadd.s32 $0xFFFFE000  }
0x7d: {  	[tilespmem:s24], [sflag:$0x3] =	stream.indirect.gather [hbm4b:s4+s21], $0x40, s23, s21, $0xb8;
	[tilespmem:$0x1DE00] =	vst v63  }
0x7e: {  	_ =	swait.ge [sflag:s1], $0x2000  }
0x7f: {  	[sflag:s1] =	ssyncset.done $0x0  }
0x80: {  	s25 =	simm.s32 $0x5200;
	[sflag:s1] =	ssyncadd.s32 $0xFFFFE000  }
0x81: {  	[spmem:s2] =	stream.indirect.scatter.add.f32 [tilespmem:s29], [sflag:$0x6], $0x40, s25, s21, $0xb8;
	[tilespmem:$0x1DE00] =	vst v63  }
0x82: {  	_ =	swait.ge [sflag:s19], $0x2000  }
0x83: {  	[sflag:s19] =	ssyncset.done $0x0  }
0x84: {  	s23 =	simm.s32 $0xA00;
	s25 =	simm.s32 $0x400;
	[sflag:s19] =	ssyncadd.s32 $0xFFFFE000  }
.LBB2_6:
0x85: {  	[tilespmem:s26], [sflag:$0x4] =	stream.indirect.gather [hbm4b:s4+s21], $0x40, s25, s21, $0xb8;
	[tilespmem:$0x1DE00] =	vst v63  }
0x86: {  	s10 =	smov.u32 s23  }
0x87: {  	p0 =	sne.s32 s23, $0x12C00;
	s23 =	sadd.s32 $0xA00, s23;
	_ =	swait.ge [sflag:s28], $0x2000  }
0x88: {  	s25 =	sshra.s32 s10, $0x2;
	[sflag:s28] =	ssyncset.done $0x0  }
0x89: {  	s10 =	sadd.s32 $0x5000, s25;
	[sflag:s28] =	ssyncadd.s32 $0xFFFFE000  }
0x8a: {  	[spmem:s2] =	stream.indirect.scatter.add.f32 [tilespmem:s18], [sflag:$0x6], $0x40, s10, s21, $0xb8;
	[tilespmem:$0x1DE00] =	vst v63  }
0x8b: {  	_ =	swait.ge [sflag:s19], $0x2000  }
0x8c: {  	[sflag:s19] =	ssyncset.done $0x0  }
0x8d: {  	s10 =	sadd.s32 $0x200, s25;
	[sflag:s19] =	ssyncadd.s32 $0xFFFFE000  }
0x8e: {  	[tilespmem:s29], [sflag:$0x5] =	stream.indirect.gather [hbm4b:s4+s21], $0x40, s10, s21, $0xb8;
	[tilespmem:$0x1DE00] =	vst v63  }
0x8f: {  	_ =	swait.ge [sflag:s30], $0x2000  }
0x90: {  	[sflag:s30] =	ssyncset.done $0x0  }
0x91: {  	s10 =	sadd.s32 $0x5080, s25;
	[sflag:s30] =	ssyncadd.s32 $0xFFFFE000  }
0x92: {  	[spmem:s2] =	stream.indirect.scatter.add.f32 [tilespmem:s22], [sflag:$0x6], $0x40, s10, s21, $0xb8;
	[tilespmem:$0x1DE00] =	vst v63  }
0x93: {  	_ =	swait.ge [sflag:s19], $0x2000  }
0x94: {  	[sflag:s19] =	ssyncset.done $0x0  }
0x95: {  	s10 =	sadd.s32 $0x280, s25;
	[sflag:s19] =	ssyncadd.s32 $0xFFFFE000  }
0x96: {  	[tilespmem:s18], [sflag:$0x1] =	stream.indirect.gather [hbm4b:s4+s21], $0x40, s10, s21, $0xb8;
	[tilespmem:$0x1DE00] =	vst v63  }
0x97: {  	_ =	swait.ge [sflag:s31], $0x2000  }
0x98: {  	[sflag:s31] =	ssyncset.done $0x0  }
0x99: {  	s10 =	sadd.s32 $0x5100, s25;
	[sflag:s31] =	ssyncadd.s32 $0xFFFFE000  }
0x9a: {  	[spmem:s2] =	stream.indirect.scatter.add.f32 [tilespmem:s24], [sflag:$0x6], $0x40, s10, s21, $0xb8;
	[tilespmem:$0x1DE00] =	vst v63  }
0x9b: {  	_ =	swait.ge [sflag:s19], $0x2000  }
0x9c: {  	[sflag:s19] =	ssyncset.done $0x0  }
0x9d: {  	s10 =	sadd.s32 $0x300, s25;
	[sflag:s19] =	ssyncadd.s32 $0xFFFFE000  }
0x9e: {  	[tilespmem:s22], [sflag:$0x2] =	stream.indirect.gather [hbm4b:s4+s21], $0x40, s10, s21, $0xb8;
	[tilespmem:$0x1DE00] =	vst v63  }
0x9f: {  	_ =	swait.ge [sflag:s0], $0x2000  }
0xa0: {  	[sflag:s0] =	ssyncset.done $0x0  }
0xa1: {  	s10 =	sadd.s32 $0x5180, s25;
	[sflag:s0] =	ssyncadd.s32 $0xFFFFE000  }
0xa2: {  	[spmem:s2] =	stream.indirect.scatter.add.f32 [tilespmem:s26], [sflag:$0x6], $0x40, s10, s21, $0xb8;
	[tilespmem:$0x1DE00] =	vst v63  }
0xa3: {  	_ =	swait.ge [sflag:s19], $0x2000  }
0xa4: {  	[sflag:s19] =	ssyncset.done $0x0  }
0xa5: {  	s10 =	sadd.s32 $0x380, s25;
	[sflag:s19] =	ssyncadd.s32 $0xFFFFE000  }
0xa6: {  	[tilespmem:s24], [sflag:$0x3] =	stream.indirect.gather [hbm4b:s4+s21], $0x40, s10, s21, $0xb8;
	[tilespmem:$0x1DE00] =	vst v63  }
0xa7: {  	_ =	swait.ge [sflag:s1], $0x2000  }
0xa8: {  	[sflag:s1] =	ssyncset.done $0x0  }
.Ltmp2:
0xa9: {  	s10 =	sadd.s32 $0x5200, s25;
	[sflag:s1] =	ssyncadd.s32 $0xFFFFE000;
	(pc) =	sbr.rel @p0 .LBB2_6-.Ltmp2, $4  }
0xaa: {  	[spmem:s2] =	stream.indirect.scatter.add.f32 [tilespmem:s29], [sflag:$0x6], $0x40, s10, s21, $0xb8;
	[tilespmem:$0x1DE00] =	vst v63  }
0xab: {  	_ =	swait.ge [sflag:s19], $0x2000  }
0xac: {  	[sflag:s19] =	ssyncset.done $0x0  }
0xad: {  	s25 =	sadd.s32 $0x400, s25;
	[sflag:s19] =	ssyncadd.s32 $0xFFFFE000  }
0xae: {  	[tilespmem:s26], [sflag:$0x4] =	stream.indirect.gather [hbm4b:s4+s21], $0x40, s25, s21, $0xb8;
	[tilespmem:$0x1DE00] =	vst v63  }
0xaf: {  	_ =	swait.ge [sflag:s28], $0x2000  }
0xb0: {  	[sflag:s28] =	ssyncset.done $0x0  }
0xb1: {  	s10 =	simm.s32 $0x9D80;
	[sflag:s28] =	ssyncadd.s32 $0xFFFFE000  }
0xb2: {  	[spmem:s2] =	stream.indirect.scatter.add.f32 [tilespmem:s18], [sflag:$0x6], $0x40, s10, s21, $0xb8;
	[tilespmem:$0x1DE00] =	vst v63  }
0xb3: {  	_ =	swait.ge [sflag:s19], $0x2000  }
0xb4: {  	[sflag:s19] =	ssyncset.done $0x0  }
0xb5: {  	s25 =	simm.s32 $0x4F80;
	[sflag:s19] =	ssyncadd.s32 $0xFFFFE000  }
0xb6: {  	[tilespmem:s29], [sflag:$0x5] =	stream.indirect.gather [hbm4b:s4+s21], $0x40, s25, s21, $0xb8;
	[tilespmem:$0x1DE00] =	vst v63  }
0xb7: {  	_ =	swait.ge [sflag:s30], $0x2000  }
0xb8: {  	[sflag:s30] =	ssyncset.done $0x0  }
0xb9: {  	s23 =	simm.s32 $0x9E00;
	[sflag:s30] =	ssyncadd.s32 $0xFFFFE000  }
0xba: {  	[spmem:s2] =	stream.indirect.scatter.add.f32 [tilespmem:s22], [sflag:$0x6], $0x40, s23, s21, $0xb8;
	[tilespmem:$0x1DE00] =	vst v63  }
0xbb: {  	_ =	swait.ge [sflag:s19], $0x2000  }
0xbc: {  	[sflag:s19] =	ssyncset.done $0x0  }
0xbd: {  	[sflag:s19] =	ssyncadd.s32 $0xFFFFE000  }
0xbe: {  	_ =	swait.ge [sflag:s31], $0x2000  }
0xbf: {  	[sflag:s31] =	ssyncset.done $0x0  }
0xc0: {  	s25 =	simm.s32 $0x9E80;
	[sflag:s31] =	ssyncadd.s32 $0xFFFFE000  }
0xc1: {  	[spmem:s2] =	stream.indirect.scatter.add.f32 [tilespmem:s24], [sflag:$0x6], $0x40, s25, s21, $0xb8;
	[tilespmem:$0x1DE00] =	vst v63  }
0xc2: {  	_ =	swait.ge [sflag:s19], $0x2000  }
0xc3: {  	[sflag:s19] =	ssyncset.done $0x0  }
0xc4: {  	[sflag:s19] =	ssyncadd.s32 $0xFFFFE000  }
0xc5: {  	_ =	swait.ge [sflag:s0], $0x2000  }
0xc6: {  	[sflag:s0] =	ssyncset.done $0x0  }
0xc7: {  	s23 =	simm.s32 $0x9F00;
	[sflag:s0] =	ssyncadd.s32 $0xFFFFE000  }
0xc8: {  	[spmem:s2] =	stream.indirect.scatter.add.f32 [tilespmem:s26], [sflag:$0x6], $0x40, s23, s21, $0xb8;
	[tilespmem:$0x1DE00] =	vst v63  }
0xc9: {  	_ =	swait.ge [sflag:s19], $0x2000  }
0xca: {  	[sflag:s19] =	ssyncset.done $0x0  }
0xcb: {  	[sflag:s19] =	ssyncadd.s32 $0xFFFFE000  }
0xcc: {  	_ =	swait.ge [sflag:s1], $0x2000  }
0xcd: {  	[sflag:s1] =	ssyncset.done $0x0  }
0xce: {  	s25 =	simm.s32 $0x9F80;
	[sflag:s1] =	ssyncadd.s32 $0xFFFFE000  }
0xcf: {  	[spmem:s2] =	stream.indirect.scatter.add.f32 [tilespmem:s29], [sflag:$0x6], $0x40, s25, s21, $0xb8;
	[tilespmem:$0x1DE00] =	vst v63  }
0xd0: {  	_ =	swait.ge [sflag:s19], $0x2000  }
0xd1: {  	[sflag:s19] =	ssyncset.done $0x0  }
0xd2: {  	[sflag:s19] =	ssyncadd.s32 $0xFFFFE000  }
0xd3: {  	[bflag:$0x0] =	sbarrier.arrive $0xFFFF  }
0xd4: {  	[tilespmem:s18], [sflag:$0x6] =	stream.linear.gather [spmem:s5], $0x2000, $0x38;
	[tilespmem:$0x1DE00] =	vst v63  }
0xd5: {  	_ =	swait.ge [sflag:s19], $0x2000  }
0xd6: {  	[sflag:s19] =	ssyncset.done $0x0  }
0xd7: {  	[sflag:s19] =	ssyncadd.s32 $0xFFFFE000  }
0xd8: {  	[hbm4b:s12+s20] =	stream.strided.scatter [tilespmem:s18], [sflag:$0x6], $0x2000, s21, s20, $0x38;
	[tilespmem:$0x1DE00] =	vst v63  }
0xd9: {  	_ =	swait.ge [sflag:s19], $0x2000  }
0xda: {  	[sflag:s19] =	ssyncset.done $0x0  }
0xdb: {  	[sflag:s19] =	ssyncadd.s32 $0xFFFFE000  }
0xdc: {  	[tilespmem:s18], [sflag:$0x6] =	stream.linear.gather [spmem:s6], $0x2000, $0x38;
	[tilespmem:$0x1DE00] =	vst v63  }
0xdd: {  	_ =	swait.ge [sflag:s19], $0x2000  }
0xde: {  	[sflag:s19] =	ssyncset.done $0x0  }
0xdf: {  	[sflag:s19] =	ssyncadd.s32 $0xFFFFE000  }
0xe0: {  	[hbm4b:s13+s20] =	stream.strided.scatter [tilespmem:s18], [sflag:$0x6], $0x2000, s21, s20, $0x38;
	[tilespmem:$0x1DE00] =	vst v63  }
0xe1: {  	_ =	swait.ge [sflag:s19], $0x2000  }
0xe2: {  	[sflag:s19] =	ssyncset.done $0x0  }
0xe3: {  	[sflag:s19] =	ssyncadd.s32 $0xFFFFE000  }
0xe4: {  	[tilespmem:s18], [sflag:$0x6] =	stream.linear.gather [spmem:s7], $0x2000, $0x38;
	[tilespmem:$0x1DE00] =	vst v63  }
0xe5: {  	_ =	swait.ge [sflag:s19], $0x2000  }
0xe6: {  	[sflag:s19] =	ssyncset.done $0x0  }
0xe7: {  	[sflag:s19] =	ssyncadd.s32 $0xFFFFE000  }
0xe8: {  	[hbm4b:s14+s20] =	stream.strided.scatter [tilespmem:s18], [sflag:$0x6], $0x2000, s21, s20, $0x38;
	[tilespmem:$0x1DE00] =	vst v63  }
0xe9: {  	_ =	swait.ge [sflag:s19], $0x2000  }
0xea: {  	[sflag:s19] =	ssyncset.done $0x0  }
0xeb: {  	[sflag:s19] =	ssyncadd.s32 $0xFFFFE000  }
0xec: {  	[tilespmem:s18], [sflag:$0x6] =	stream.linear.gather [spmem:s8], $0x2000, $0x38;
	[tilespmem:$0x1DE00] =	vst v63  }
0xed: {  	_ =	swait.ge [sflag:s19], $0x2000  }
0xee: {  	[sflag:s19] =	ssyncset.done $0x0  }
0xef: {  	[sflag:s19] =	ssyncadd.s32 $0xFFFFE000  }
0xf0: {  	[hbm4b:s15+s20] =	stream.strided.scatter [tilespmem:s18], [sflag:$0x6], $0x2000, s21, s20, $0x38;
	[tilespmem:$0x1DE00] =	vst v63  }
0xf1: {  	_ =	swait.ge [sflag:s19], $0x2000  }
0xf2: {  	[sflag:s19] =	ssyncset.done $0x0  }
0xf3: {  	[sflag:s19] =	ssyncadd.s32 $0xFFFFE000  }
0xf4: {  	[tilespmem:s18], [sflag:$0x6] =	stream.linear.gather [spmem:s9], $0x1E00, $0x38;
	[tilespmem:$0x1DE00] =	vst v63  }
0xf5: {  	s3 =	sadd.s32 $0x1, s3;
	_ =	swait.ge [sflag:s19], $0x1E00  }
0xf6: {  	p0 =	sne.s32 s3, s17;
	[sflag:s19] =	ssyncset.done $0x0  }
.Ltmp3:
0xf7: {  	[sflag:s19] =	ssyncadd.s32 $0xFFFFE200;
	(pc) =	sbr.rel @p0 .LBB2_1-.Ltmp3, $4  }
0xf8: {  	[hbm4b:s16+s20] =	stream.strided.scatter [tilespmem:s18], [sflag:$0x6], $0x1E00, s21, s20, $0x38;
	[tilespmem:$0x1DE00] =	vst v63  }
0xf9: {  	_ =	swait.ge [sflag:s19], $0x1E00  }
0xfa: {  	[sflag:s19] =	ssyncset.done $0x0  }
0xfb: {  	[sflag:s19] =	ssyncadd.s32 $0xFFFFE200  }
0xfc: {  	_ =	sfence.sel $0x180000  }
0xfd: {  	[bflag:$0x0] =	sbarrier.arrive $0xFFFF  }
0xfe: {  	_ =	strace $0x9000004D  }
0xff: {  	s0 =	stileid.u32;
	[bflag:$0x2] =	sbarrier.arrive $0xFFFF  }
0x100: {  	p0 =	sne.s32 s0, $0x0;
	s0 =	rddreg [dreg:$0x2]  }
0x101: {  	s0 =	sadd.s32 @!p0 $0x100000, s0  }
0x102: {  	[sflag:s0] =	ssyncadd.tile.s32 @!p0 $0x1;
	_ =	shalt  }
.Lfunc_end2:
_tile_overlayer_lowered:
.L_overlay_start_2:
0x103: {  	(tag) =	ssettag $0x2  }
0x104: {  	s0 =	rddreg [dreg:$0x0];
	s2 =	stileid.u32  }
0x105: {  	s1 =	rddreg [dreg:$0x1];
	p0 =	sne.s32 s2, $0x0  }
0x106: {  	s3 =	rddreg [dreg:$0x2];
	[bflag:$0x3] =	sbarrier.arrive $0xFFFF;
	s2 =	simm.s32 @!p0 $0x1C06  }
0x107: {  	[timem:s3], [sflag:s2] =	dma.local @!p0 [hbm:s0], s1  }
0x108: {  	s0 =	simm.s32 @!p0 $0x6  }
0x109: {  	_ =	swait.ge @!p0 [sflag:s0], s1  }
0x10a: {  	s1 =	ssub.s32 @!p0 $0x0, s1;
	[sflag:s0] =	ssyncset.done @!p0 $0x0  }
0x10b: {  	[sflag:s0] =	ssyncadd.s32 @!p0 s1  }
0x10c: {  	[bflag:$0x3] =	sbarrier.arrive $0xFFFF  }
0x10d: {  	_ =	shalt  }

// kernel: kernel.8.cloned.1.call-start
scs
__scs_entry_jumppad:
0x0: {  	(pc) =	sbr.rel $0x88, $3  }
0x1: {  	(tag) =	ssettag $0x0;
	lr =	simm.s32 $0x1  }
0x2: {  	[smem:$0x3F99] =	sst lr;
	_ =	strace $0xD0000000  }
0x3: {  	_ = 	snop  }
0x4: {  	_ = 	snop  }
0x5: {  	_ = 	snop  }
0x6: {  	_ = 	snop  }
0x7: {  	_ = 	snop  }
__scs_overlays_trampoline_lowered:
0x8: {  	[smem:$0x3FA8] =	sst s0  }
0x9: {  	[smem:$0x3FA9] =	sst s1  }
0xa: {  	[smem:$0x3FAA] =	sst s2  }
0xb: {  	[smem:$0x3FAB] =	sst s3  }
0xc: {  	[smem:$0x3FAC] =	sst s4  }
0xd: {  	[smem:$0x3FAD] =	sst s5  }
0xe: {  	[smem:$0x3FAE] =	sst s6  }
0xf: {  	[smem:$0x3FAF] =	sst s7  }
0x10: {  	[smem:$0x3FB0] =	sst s8  }
0x11: {  	[smem:$0x3FB1] =	sst s9;
	s0 =	simm.s32 @!p0 $0x0  }
0x12: {  	s1 =	sld [smem:$0x3F97];
	s0 =	simm.s32 @p0 $0x1  }
0x13: {  	[smem:$0x3FB2] =	sst s0;
	s0 =	simm.s32 @!p1 $0x0  }
0x14: {  	s2 =	sld [smem:$0x3F96];
	s0 =	simm.s32 @p1 $0x1  }
0x15: {  	[smem:$0x3FB3] =	sst s0;
	s0 =	simm.s32 @!p2 $0x0  }
0x16: {  	s3 =	sld [smem:$0x3FDB];
	s0 =	simm.s32 @p2 $0x1  }
0x17: {  	s4 =	simm.s32 $0x1BF5;
	[smem:$0x3FB5] =	sst s0  }
0x18: {  	s0 =	sld [smem:$0x3F98];
	_ =	swait.ge [sflag:s4], $0x0  }
0x19: {  	s7 =	sld [smem:$0x3F99]  }
0x1a: {  	s8 =	sadd.s32 $0xFFFFE003, lr  }
0x1b: {  	s9 =	sadd.s32 $0xFFFFFEF7, lr;
	s5 =	simm.s32 $0xFFFFFFFF;
	p2 =	slt.u32 s8, $0xFFFFF086  }
0x1c: {  	p1 =	slt.u32 s9, $0xF7A;
	s5 =	simm.s32 @!p2 $0x0  }
0x1d: {  	s5 =	simm.s32 @p1 $0x1;
	p0 =	seq.s32 s7, s2  }
0x1e: {  	s7 =	smul.u32 @!p0 $0xF7A, s2;
	p2 =	seq.s32 @!p0 s5, $0x0  }
0x1f: {  	s9 =	smul.u32 $0xF7A, s1;
	s8 =	simm.s32 @!p0 $0x1BF5;
	p2 =	por !p2, p0  }
0x20: {  	[sflag:s8] =	ssyncset.s32 @!p0 $0xFFFFF086;
	s6 =	sadd.s32 @!p0 s3, s7;
	s7 =	simm.s32 @!p0 $0x108  }
0x21: {  	s3 =	sadd.s32 s3, s9;
	s6 =	sadd.s32 @!p0 $0x88, s6;
	s7 =	simm.s32 @p2 $0x1082  }
0x22: {  	[simem:s7], [sflag:s8] =	dma.local @!p0 [hbm:s6], $0xF7A  }
0x23: {  	s9 =	sor.u32 $0xD0000000, s2;
	s6 =	simm.s32 $0x108;
	_ =	swait.ge @!p0 [sflag:s8], $0x0  }
0x24: {  	s3 =	sadd.s32 $0x88, s3;
	s6 =	simm.s32 @!p1 $0x1082;
	[sflag:s4] =	ssyncset.s32 $0xFFFFF086  }
0x25: {  	[simem:s6], [sflag:s4] =	dma.local [hbm:s3], $0xF7A  }
0x26: {  	[smem:$0x3F99] =	sst s1;
	(tag) =	ssettag s2;
	_ =	strace s9  }
0x27: {  	s1 =	sld [smem:$0x3FA9]  }
0x28: {  	s2 =	sld [smem:$0x3FAA]  }
0x29: {  	s4 =	sld [smem:$0x3FAC]  }
0x2a: {  	p0 =	seq.s32 s5, $0x0;
	s5 =	sld [smem:$0x3FAD]  }
0x2b: {  	s6 =	sld [smem:$0x3FAE]  }
0x2c: {  	s7 =	sld [smem:$0x3FAF]  }
0x2d: {  	s3 =	simm.s32 $0x108;
	s8 =	sld [smem:$0x3FB0]  }
0x2e: {  	s3 =	simm.s32 @!p0 $0x1082;
	s9 =	sld [smem:$0x3FB1]  }
0x2f: {  	lr =	sadd.s32 s0, s3;
	s0 =	sld [smem:$0x3FA8]  }
0x30: {  	s3 =	sld [smem:$0x3FAB]  }
0x31: {  	[smem:$0x3FB4] =	sst s10  }
0x32: {  	s10 =	sld [smem:$0x3FB2];
	_ =	sdelay $0x3  }
0x33: {  	p0 =	seq.s32 s10, $0x1;
	s10 =	sld [smem:$0x3FB4];
	_ =	sdelay $0x3  }
0x34: {  	[smem:$0x3FB4] =	sst s10  }
0x35: {  	s10 =	sld [smem:$0x3FB3];
	_ =	sdelay $0x3  }
0x36: {  	p1 =	seq.s32 s10, $0x1;
	s10 =	sld [smem:$0x3FB4];
	_ =	sdelay $0x3  }
0x37: {  	[smem:$0x3FB4] =	sst s10  }
0x38: {  	s10 =	sld [smem:$0x3FB5]  }
0x39: {  	_ = 	snop;
	(pc) =	sbr.ind lr, $3  }
0x3a: {  	_ = 	snop  }
0x3b: {  	_ = 	snop  }
0x3c: {  	p2 =	seq.s32 s10, $0x1;
	s10 =	sld [smem:$0x3FB4]  }
0x3d: {  	_ =	shalt  }
0x3e: {  	_ =	shalt  }
0x3f: {  	_ =	shalt  }
0x40: {  	_ =	shalt  }
0x41: {  	_ =	shalt  }
0x42: {  	_ =	shalt  }
0x43: {  	_ =	shalt  }
0x44: {  	_ =	shalt  }
0x45: {  	_ =	shalt  }
0x46: {  	_ =	shalt  }
0x47: {  	_ =	shalt  }
0x48: {  	_ =	shalt  }
0x49: {  	_ =	shalt  }
0x4a: {  	_ =	shalt  }
0x4b: {  	_ =	shalt  }
0x4c: {  	_ =	shalt  }
0x4d: {  	_ =	shalt  }
0x4e: {  	_ =	shalt  }
0x4f: {  	_ =	shalt  }
0x50: {  	_ =	shalt  }
0x51: {  	_ =	shalt  }
0x52: {  	_ =	shalt  }
0x53: {  	_ =	shalt  }
0x54: {  	_ =	shalt  }
0x55: {  	_ =	shalt  }
0x56: {  	_ =	shalt  }
0x57: {  	_ =	shalt  }
0x58: {  	_ =	shalt  }
0x59: {  	_ =	shalt  }
0x5a: {  	_ =	shalt  }
0x5b: {  	_ =	shalt  }
0x5c: {  	_ =	shalt  }
0x5d: {  	_ =	shalt  }
0x5e: {  	_ =	shalt  }
0x5f: {  	_ =	shalt  }
0x60: {  	_ =	shalt  }
0x61: {  	_ =	shalt  }
0x62: {  	_ =	shalt  }
0x63: {  	_ =	shalt  }
0x64: {  	_ =	shalt  }
0x65: {  	_ =	shalt  }
0x66: {  	_ =	shalt  }
0x67: {  	_ =	shalt  }
0x68: {  	_ =	shalt  }
0x69: {  	_ =	shalt  }
0x6a: {  	_ =	shalt  }
0x6b: {  	_ =	shalt  }
0x6c: {  	_ =	shalt  }
0x6d: {  	_ =	shalt  }
0x6e: {  	_ =	shalt  }
0x6f: {  	_ =	shalt  }
0x70: {  	_ =	shalt  }
0x71: {  	_ =	shalt  }
0x72: {  	_ =	shalt  }
0x73: {  	_ =	shalt  }
0x74: {  	_ =	shalt  }
0x75: {  	_ =	shalt  }
0x76: {  	_ =	shalt  }
0x77: {  	_ =	shalt  }
0x78: {  	_ =	shalt  }
0x79: {  	_ =	shalt  }
0x7a: {  	_ =	shalt  }
0x7b: {  	_ =	shalt  }
0x7c: {  	_ =	shalt  }
0x7d: {  	_ =	shalt  }
0x7e: {  	_ =	shalt  }
0x7f: {  	_ =	shalt  }
0x80: {  	_ =	shalt  }
0x81: {  	_ =	shalt  }
0x82: {  	_ =	shalt  }
0x83: {  	_ =	shalt  }
0x84: {  	_ =	shalt  }
0x85: {  	_ =	shalt  }
0x86: {  	_ =	shalt  }
0x87: {  	_ =	shalt  }
.Lfunc_end0:
.L_simem_size_0:
called_computation_lowered:
.L_overlay_start_0:
0x88: {  	s2 =	sld [smem:$0x3FD9]  }
0x89: {  	s3 =	sld [smem:$0x3FFE];
	_ =	sdelay $0x1  }
0x8a: {  	s1 =	srdreg.scid  }
0x8b: {  	s0 =	sand.u32 $0x1, s1  }
0x8c: {  	s17 =	sshll.u32 s0, $0xA;
	s2 =	sadd.s32 s3, s2  }
0x8d: {  	s2 =	sadd.s32 s2, s17  }
0x8e: {  	[smem:$0x3FC0] =	sst s2  }
0x8f: {  	_ = 	snop  }
0x90: {  	s2 =	sld [smem:$0x3FD0];
	(tm) =	ssettm $0x1  }
0x91: {  	s18 =	sld [smem:$0x3FFB];
	_ =	sdelay $0x3  }
0x92: {  	_ =	strace s18  }
0x93: {  	s3 =	sld [smem:$0x3FFC];
	_ =	sdelay $0x3  }
0x94: {  	_ =	strace s3  }
0x95: {  	s3 =	sld [smem:$0x3FFD];
	_ =	sdelay $0x3  }
0x96: {  	_ =	strace s3  }
0x97: {  	_ =	strace $0x8FFFFFFF  }
0x98: {  	s19 =	sld [smem:$0x3FDB];
	_ =	sdelay $0x1  }
0x99: {  	s4 =	simm.s32 $_scs_section_size  }
0x9a: {  	s5 =	simm.s32 $_size__tile_overlayer_lowered;
	s6 =	simm.s32 $_tile_overlayer_lowered  }
0x9b: {  	s22 =	simm.s32 $0x1BFF;
	s21 =	sshll.u32 s6, $0x1;
	s3 =	sadd.s32 s4, s19  }
0x9c: {  	s7 =	simm.s32 $0x0;
	s20 =	sshll.u32 s5, $0x1;
	s5 =	sadd.s32 s21, s3  }
0x9d: {  	[timem:s7], [sflag:s22] =	dma.local [hbm:s5], s20  }
0x9e: {  	_ =	swait.ge [sflag:s22], s20  }
0x9f: {  	s4 =	ssub.s32 $0x0, s20;
	[sflag:s22] =	ssyncset.done $0x0  }
0xa0: {  	[sflag:s22] =	ssyncadd.s32 s4;
	_ =	sdelay $0x1  }
0xa1: {  	s23 =	simm.s32 $0x1B8B  }
0xa2: {  	_ =	swait.ge [sflag:s23], $0x1  }
0xa3: {  	[sflag:s23] =	ssyncset.done $0x0  }
0xa4: {  	s25 =	simm.s32 $0x1B8E;
	s24 =	sld [smem:$0x3FFE];
	[sflag:s23] =	ssyncadd.s32 $0xFFFFFFFF  }
0xa5: {  	s26 =	simm.s32 $execute0_lowered;
	[smem:$0x3FD2] =	sst s25  }
0xa6: {  	s5 =	sshll.u32 s26, $0x1;
	_ =	strace $0x80000046;
	[dreg:$0x1] =	wrdreg $0xFFFFFFFF  }
0xa7: {  	s28 =	simm.s32 $_size_execute0_lowered;
	s3 =	sadd.s32 s3, s5;
	[dreg:$0x0] =	wrdreg $0x0  }
0xa8: {  	s5 =	sshll.u32 s28, $0x1;
	[dreg:$0x2] =	wrdreg s3  }
0xa9: {  	[dreg:$0x3] =	wrdreg s5  }
0xaa: {  	[dreg:$0x4] =	wrdreg $0xC0  }
0xab: {  	_ =	task [dreg:s7], $0x5FFFF  }
0xac: {  	[dreg:$0x1] =	wrdreg $0xFFFFFFFF  }
0xad: {  	[dreg:$0x0] =	wrdreg $0x60  }
0xae: {  	[dreg:$0x2] =	wrdreg s24  }
0xaf: {  	[dreg:$0x3] =	wrdreg s2  }
0xb0: {  	[dreg:$0x4] =	wrdreg $0x53000  }
0xb1: {  	[dreg:$0x5] =	wrdreg $0x9  }
0xb2: {  	_ =	task.clear_ibuf [dreg:s7], $0x6FFFF;
	_ =	strace $0x90000046  }
0xb3: {  	s29 =	simm.s32 $0x9;
	_ =	strace $0x80000048  }
0xb4: {  	_ =	swait.ge [sflag:s29], $0x1  }
0xb5: {  	[sflag:s29] =	ssyncadd.s32 $0xFFFFFFFF  }
0xb6: {  	_ =	strace $0x90000048  }
0xb7: {  	_ =	sfence  }
0xb8: {  	s30 =	sld [smem:$0x0];
	_ =	sdelay $0x2  }
0xb9: {  	s31 =	sshll.u32 s1, $0xD;
	s1 =	sshrl.u32 s1, $0x2  }
0xba: {  	s3 =	sand.u32 $0x4000, s31;
	s1 =	sadd.s32 s1, s30  }
0xbb: {  	s0 =	sor.u32 s3, s0;
	s1 =	sshll.u32 s1, $0x11  }
0xbc: {  	s0 =	sor.u32 s1, s0  }
0xbd: {  	s0 =	sadd.s32 $0x8F2B, s0  }
0xbe: {  	[sflag:s0] =	ssyncadd.remote.s32 $0x1  }
0xbf: {  	_ =	sfence.sel $0xFFFF  }
0xc0: {  	[dreg:$0x0] =	wrdreg $0xFFFFFFFF;
	(pc) =	sbr.abs _section_cstart, $3  }
0xc1: {  	[dreg:$0x1] =	wrdreg $0xFFFFFFFF  }
0xc2: {  	_ =	task.clear_ibuf [dreg:s7], $0x2FFFF;
	_ =	strace $0x9FFFFFFF  }
0xc3: {  	(tm) =	ssettm $0x7FFFFFFF  }
tec
execute0_lowered:
.L_overlay_start_1:
0x0: {  	(tag) =	ssettag $0x1  }
0x1: {  	s4 =	rddreg [dreg:$0x0]  }
0x2: {  	s0 =	srdreg.scid;
	s6 =	rddreg [dreg:$0x1]  }
0x3: {  	s2 =	rddreg [dreg:$0x2];
	s5 =	sand.u32 $0x1, s0  }
0x4: {  	s0 =	stileid.u32;
	s7 =	smul.u32 $0x50000, s5  }
0x5: {  	s1 =	rddreg [dreg:$0x3];
	s3 =	simm.s32 $0x0;
	s8 =	smul.u32 $0x5000, s0  }
0x6: {  	s11 =	simm.s32 $0x5000;
	s12 =	simm.s32 $0x0;
	s9 =	smul.u32 $0x280, s0  }
0x7: {  	[smem:$0x7FF] =	sst s3;
	s10 =	smul.u32 $0x2800, s5;
	s5 =	ssub.s32 $0x2, s5  }
0x8: {  	_ =	strace $0x80000047;
	s31 =	sshrl.u32 s5, $0x1;
	s7 =	sadd.s32 s8, s7  }
0x9: {  	s10 =	sadd.s32 s9, s10;
	s8 =	ssub.s32 s5, s31;
	s7 =	sshrl.u32 s7, $0x3  }
0xa: {  	s10 =	sshrl.u32 s10, $0x3;
	s7 =	sadd.s32 s7, s4;
	s4 =	sadd.s32 s9, s2  }
0xb: {  	s6 =	sadd.s32 s6, s10;
	s9 =	simm.s32 $0x1;
	s10 =	simm.s32 $0x80  }
0xc: {  	v0 =	vimm.f32 $1.000000000e+00;
	v1 =	vimm.f32 $0.0e+00;
	s5 =	sadd.s32 $0x2E00, s7;
	s7 =	smax.u32 s8, $0x1;
	s8 =	simm.s32 $0x5080  }
.LBB2_1:
0xd: {  	[tilespmem:$0x5000] =	vst v0  }
0xe: {  	[tilespmem:$0x5010] =	vst v0  }
0xf: {  	[tilespmem:$0x5020] =	vst v0  }
0x10: {  	[tilespmem:$0x5030] =	vst v0  }
0x11: {  	[tilespmem:$0x5040] =	vst v0  }
0x12: {  	[tilespmem:$0x5050] =	vst v0  }
0x13: {  	[tilespmem:$0x5060] =	vst v0  }
0x14: {  	[tilespmem:$0x5070] =	vst v0  }
0x15: {  	[tilespmem:$0x5080] =	vst v1  }
0x16: {  	[tilespmem:$0x5090] =	vst v1  }
0x17: {  	[tilespmem:$0x50A0] =	vst v1  }
0x18: {  	[tilespmem:$0x50B0] =	vst v1  }
0x19: {  	[tilespmem:$0x50C0] =	vst v1  }
0x1a: {  	[tilespmem:$0x50D0] =	vst v1  }
0x1b: {  	[tilespmem:$0x50E0] =	vst v1  }
0x1c: {  	[tilespmem:$0x50F0] =	vst v1  }
0x1d: {  	[tilespmem:$0x5100] =	vst v1  }
0x1e: {  	[tilespmem:$0x5110] =	vst v1  }
0x1f: {  	[tilespmem:$0x5120] =	vst v1  }
0x20: {  	[tilespmem:$0x5130] =	vst v1  }
0x21: {  	[tilespmem:$0x5140] =	vst v1  }
0x22: {  	[tilespmem:$0x5150] =	vst v1  }
0x23: {  	[tilespmem:$0x5160] =	vst v1  }
0x24: {  	[tilespmem:$0x5170] =	vst v1  }
0x25: {  	[tilespmem:$0x5180] =	vst v1  }
0x26: {  	[tilespmem:$0x5190] =	vst v1  }
0x27: {  	[tilespmem:$0x51A0] =	vst v1  }
0x28: {  	[tilespmem:$0x51B0] =	vst v1  }
0x29: {  	[tilespmem:$0x51C0] =	vst v1  }
0x2a: {  	[tilespmem:$0x51D0] =	vst v1  }
0x2b: {  	[tilespmem:$0x51E0] =	vst v1  }
0x2c: {  	[tilespmem:$0x51F0] =	vst v1  }
0x2d: {  	[tilespmem:$0x5200] =	vst v1  }
0x2e: {  	[tilespmem:$0x5210] =	vst v1  }
0x2f: {  	[tilespmem:$0x5220] =	vst v1  }
0x30: {  	[tilespmem:$0x5230] =	vst v1  }
0x31: {  	[tilespmem:$0x5240] =	vst v1  }
0x32: {  	[tilespmem:$0x5250] =	vst v1  }
0x33: {  	[tilespmem:$0x5260] =	vst v1  }
0x34: {  	[tilespmem:$0x5270] =	vst v1  }
0x35: {  	[tilespmem:$0x5280] =	vst v1  }
0x36: {  	[tilespmem:$0x5290] =	vst v1  }
0x37: {  	[tilespmem:$0x52A0] =	vst v1  }
0x38: {  	[tilespmem:$0x52B0] =	vst v1  }
0x39: {  	[tilespmem:$0x52C0] =	vst v1  }
0x3a: {  	[tilespmem:$0x52D0] =	vst v1  }
0x3b: {  	[tilespmem:$0x52E0] =	vst v1  }
0x3c: {  	[tilespmem:$0x52F0] =	vst v1  }
0x3d: {  	[spmem:s4] =	stream.linear.scatter [tilespmem:s8], [sflag:$0x1], $0x280, $0x38;
	[tilespmem:$0x5580] =	vst v63  }
0x3e: {  	_ =	swait.ge [sflag:s9], $0x280  }
0x3f: {  	[sflag:s9] =	ssyncset.done $0x0  }
0x40: {  	[sflag:s9] =	ssyncadd.s32 $0xFFFFFD80  }
0x41: {  	[tilespmem:s3], [sflag:$0x1] =	stream.linear.gather [hbm4b:s5+s3], $0x5000, $0x38;
	[tilespmem:$0x5580] =	vst v63  }
0x42: {  	_ =	swait.ge [sflag:s9], $0x5000  }
0x43: {  	[sflag:s9] =	ssyncset.done $0x0  }
0x44: {  	[sflag:s9] =	ssyncadd.s32 $0xFFFFB000  }
0x45: {  	s13 =	simm.s32 $0x0;
	[bflag:$0x0] =	sbarrier.arrive $0xFFFF  }
0x46: {  	[spmem:s2] =	stream.indirect.scatter.add.f32 [tilespmem:s11], [sflag:$0x1], $0x1, s13, s10, $0xb8;
	[tilespmem:$0x5580] =	vst v63  }
0x47: {  	_ =	swait.ge [sflag:s9], $0x80  }
0x48: {  	s13 =	simm.s32 $0x200;
	[sflag:s9] =	ssyncset.done $0x0  }
.LBB2_2:
0x49: {  	s14 =	sshra.s32 s13, $0x2;
	[sflag:s9] =	ssyncadd.s32 $0xFFFFFF80;
	p0 =	sne.s32 s13, $0x13E00  }
0x4a: {  	[spmem:s2] =	stream.indirect.scatter.add.f32 [tilespmem:s11], [sflag:$0x1], $0x1, s14, s10, $0xb8;
	[tilespmem:$0x5580] =	vst v63  }
.Ltmp0:
0x4b: {  	_ = 	snop;
	(pc) =	sbr.rel @p0 .LBB2_2-.Ltmp0, $4  }
0x4c: {  	_ = 	snop  }
0x4d: {  	s13 =	sadd.s32 $0x200, s13  }
0x4e: {  	_ =	swait.ge [sflag:s9], $0x80  }
0x4f: {  	[sflag:s9] =	ssyncset.done $0x0  }
0x50: {  	[sflag:s9] =	ssyncadd.s32 $0xFFFFFF80  }
0x51: {  	[bflag:$0x0] =	sbarrier.arrive $0xFFFF  }
0x52: {  	[tilespmem:s8], [sflag:$0x1] =	stream.linear.gather [spmem:s4], $0x280, $0x38;
	[tilespmem:$0x5580] =	vst v63  }
0x53: {  	s12 =	sadd.s32 $0x1, s12;
	_ =	swait.ge [sflag:s9], $0x280  }
0x54: {  	p0 =	sne.s32 s12, s7;
	[sflag:s9] =	ssyncset.done $0x0  }
.Ltmp1:
0x55: {  	[sflag:s9] =	ssyncadd.s32 $0xFFFFFD80;
	(pc) =	sbr.rel @p0 .LBB2_1-.Ltmp1, $4  }
0x56: {  	[hbm4b:s6+s3] =	stream.linear.scatter [tilespmem:s8], [sflag:$0x1], $0x280, $0x38;
	[tilespmem:$0x5580] =	vst v63  }
0x57: {  	_ =	swait.ge [sflag:s9], $0x280  }
0x58: {  	[sflag:s9] =	ssyncset.done $0x0  }
0x59: {  	[sflag:s9] =	ssyncadd.s32 $0xFFFFFD80  }
0x5a: {  	_ =	sfence.sel $0x180000  }
0x5b: {  	[bflag:$0x0] =	sbarrier.arrive $0xFFFF  }
0x5c: {  	p0 =	sne.s32 s0, $0x0;
	_ =	strace $0x90000047  }
0x5d: {  	s0 =	sadd.s32 @!p0 $0x100000, s1;
	[bflag:$0x2] =	sbarrier.arrive $0xFFFF  }
0x5e: {  	[sflag:s0] =	ssyncadd.tile.s32 @!p0 $0x1;
	_ =	shalt  }
.Lfunc_end2:
_tile_overlayer_lowered:
.L_overlay_start_2:
0x5f: {  	(tag) =	ssettag $0x2  }
0x60: {  	s0 =	rddreg [dreg:$0x0];
	s2 =	stileid.u32  }
0x61: {  	s1 =	rddreg [dreg:$0x1];
	p0 =	sne.s32 s2, $0x0  }
0x62: {  	s3 =	rddreg [dreg:$0x2];
	[bflag:$0x3] =	sbarrier.arrive $0xFFFF;
	s2 =	simm.s32 @!p0 $0x1C01  }
0x63: {  	[timem:s3], [sflag:s2] =	dma.local @!p0 [hbm:s0], s1  }
0x64: {  	s0 =	simm.s32 @!p0 $0x1  }
0x65: {  	_ =	swait.ge @!p0 [sflag:s0], s1  }
0x66: {  	s1 =	ssub.s32 @!p0 $0x0, s1;
	[sflag:s0] =	ssyncset.done @!p0 $0x0  }
0x67: {  	[sflag:s0] =	ssyncadd.s32 @!p0 s1  }
0x68: {  	[bflag:$0x3] =	sbarrier.arrive $0xFFFF  }
0x69: {  	_ =	shalt  }

</sc_bundles>
